<compile_context>
chip_gen: v7x
topology: tpu7x:2x2x1
jax: 0.10.2.dev20260603
libtpu: 0.0.44.dev20260713+nightly
codegen_flags: <defaults>
</compile_context>

<pallas_src>
import functools

import jax
import jax.numpy as jnp
from jax import lax
from jax.experimental import pallas as pl
from jax.experimental.pallas import tpu as pltpu
from jax.experimental.pallas import tpu_sc as plsc

C = 19
P = 1048576
NB = 2048
NC, NS, L = 2, 16, 16
NW = NC * NS
PIX_PER_TILE = P // NW
CHUNK_PIX = 1024
N_CHUNKS = PIX_PER_TILE // CHUNK_PIX
CHUNK_ELEMS = CHUNK_PIX * C
HSIZE = 2 * C * NB


def _sc_body(x_hbm, t_hbm, out_hbm, xb0, tb0, xb1, tb1,
             hist, sx0, st0, sx1, st1):
    cid = lax.axis_index("c")
    sid = lax.axis_index("s")
    wid = sid * NC + cid
    zeros = jnp.zeros((L,), jnp.int32)

    def zero_body(i, carry):
        for j in range(8):
            hist[pl.ds(i * (L * 8) + j * L, L)] = zeros
        return carry

    lax.fori_loop(0, HSIZE // (L * 8), zero_body, 0)

    pixbase = wid * PIX_PER_TILE

    def start(ch, xb, tb, sx, st):
        p0 = pixbase + ch * CHUNK_PIX
        dx = pltpu.async_copy(x_hbm.at[:, pl.ds(p0, CHUNK_PIX)], xb, sx)
        dt = pltpu.async_copy(t_hbm.at[pl.ds(p0, CHUNK_PIX)], tb, st)
        return dx, dt

    def drain(xb, tb, sx, st):
        pltpu.make_async_copy(x_hbm.at[:, pl.ds(0, CHUNK_PIX)], xb, sx).wait()
        pltpu.make_async_copy(t_hbm.at[pl.ds(0, CHUNK_PIX)], tb, st).wait()

    def compute(xb, tb):
        @plsc.parallel_loop(0, CHUNK_PIX // L)
        def pab(i):
            sl = pl.ds(i * L, L)
            evs = [jnp.exp(xb[c, sl]) for c in range(C)]
            tier = list(evs)
            while len(tier) > 1:
                nxt = [a + b for a, b in zip(tier[::2], tier[1::2])]
                if len(tier) % 2:
                    nxt[-1] = nxt[-1] + tier[-1]
                tier = nxt
            inv = 1.0 / tier[0]
            tg = tb[sl]
            for c in range(C):
                prob = evs[c] * inv
                isfg = tg == c
                err = jnp.where(isfg, 1.0 - prob, prob)
                b = jnp.minimum((err * float(NB)).astype(jnp.int32), NB - 1)
                idx = jnp.where(isfg, (C + c) * NB, c * NB) + b
                cnt, last = plsc.scan_count(idx)
                plsc.addupdate_scatter(hist, [idx], cnt, mask=last)

    start(0, xb0, tb0, sx0, st0)

    def chunk_pair(g, carry):
        d1x, d1t = start(2 * g + 1, xb1, tb1, sx1, st1)
        drain(xb0, tb0, sx0, st0)
        compute(xb0, tb0)

        @pl.when(g + 1 < N_CHUNKS // 2)
        def _prefetch():
            start(2 * g + 2, xb0, tb0, sx0, st0)

        d1x.wait()
        d1t.wait()
        compute(xb1, tb1)
        return carry

    lax.fori_loop(0, N_CHUNKS // 2, chunk_pair, 0)
    pltpu.sync_copy(hist, out_hbm.at[wid])


_sc_hist = functools.partial(
    pl.kernel,
    out_type=jax.ShapeDtypeStruct((NW, HSIZE), jnp.int32),
    mesh=plsc.VectorSubcoreMesh(core_axis_name="c", subcore_axis_name="s"),
    compiler_params=pltpu.CompilerParams(needs_layout_passes=False),
    scratch_types=[
        pltpu.VMEM((C, CHUNK_PIX), jnp.float32),
        pltpu.VMEM((CHUNK_PIX,), jnp.int32),
        pltpu.VMEM((C, CHUNK_PIX), jnp.float32),
        pltpu.VMEM((CHUNK_PIX,), jnp.int32),
        pltpu.VMEM((HSIZE,), jnp.int32),
        pltpu.SemaphoreType.DMA,
        pltpu.SemaphoreType.DMA,
        pltpu.SemaphoreType.DMA,
        pltpu.SemaphoreType.DMA,
    ],
)(_sc_body)


def _suffix_excl(a):
    s = a
    k = 1
    while k < NB:
        rows = s.shape[0]
        s = s + jnp.concatenate(
            [s[:, k:], jnp.zeros((rows, k), jnp.float32)], axis=1)
        k *= 2
    return s - a


def _tc_body(h_ref, o_ref, acc_ref):
    i = pl.program_id(0)

    @pl.when(i == 0)
    def _zero():
        acc_ref[...] = jnp.zeros_like(acc_ref)

    acc_ref[...] += h_ref[...][0].astype(jnp.float32)

    @pl.when(i == NW - 1)
    def _finish():
        a = acc_ref[...]
        m = a[1]
        n = a[0] + m
        both = _suffix_excl(jnp.concatenate([n, m], axis=0))
        k0 = both[:C]
        s0 = both[C:]
        g = jnp.sum(m, axis=1, keepdims=True)
        d = jnp.maximum(g + k0 - s0, 1.0)
        nbg = n - m
        q = (lax.broadcasted_iota(jnp.int32, (C, NB), 1).astype(jnp.float32)
             + 0.5) / float(NB)
        fgc = q * m / d
        bgc = q * (g - s0 - m) * nbg / (d * (d + nbg))
        loss_c = jnp.sum(fgc + bgc, axis=1, keepdims=True)
        qmax = jnp.max(jnp.where(n > 0.0, q, -1.0), axis=1, keepdims=True)
        loss_c = jnp.where(g > 0.0, loss_c, qmax)
        o_ref[...] = jnp.sum(loss_c, axis=0, keepdims=True) / float(C)


_tc_reduce = pl.pallas_call(
    _tc_body,
    grid=(NW,),
    in_specs=[pl.BlockSpec((1, 2, C, NB), lambda i: (i, 0, 0, 0))],
    out_specs=pl.BlockSpec((1, 1), lambda i: (0, 0)),
    out_shape=jax.ShapeDtypeStruct((1, 1), jnp.float32),
    scratch_shapes=[pltpu.VMEM((2, C, NB), jnp.float32)],
)


def kernel(inputs, targets):
    t = targets.astype(jnp.int32)
    hists = _sc_hist(inputs.T, t)
    h = hists.reshape(NW, 2, C, NB)
    return _tc_reduce(h)[0, 0]

# --- scband reference (transcript-rebuilt; emitter-appended) ---
"""Pipeline reference for scband-lovasz-softmax-53171695125263 (READ-ONLY COPY).

The authoritative reference and input builder live on the scoring server;
editing this copy changes nothing except your own understanding.
"""

import jax, jax.numpy as jnp
import numpy as np

C = 19
P = 1048576


def lovasz_grad(gt_sorted):
    gts = gt_sorted.sum()
    intersection = gts - jnp.cumsum(gt_sorted, 0)
    union = gts + jnp.cumsum(1.0 - gt_sorted, 0)
    jaccard = 1.0 - intersection / union
    jaccard = jnp.concatenate([jaccard[:1], jaccard[1:] - jaccard[:-1]], axis=0)
    return jaccard


def setup_inputs(seed: int = 0) -> dict:
    key = jax.random.key(seed)
    k1, k2 = jax.random.split(key)
    inputs = jax.random.normal(k1, (P, C), dtype=jnp.float32)
    targets = jax.random.randint(k2, (P,), 0, C, dtype=jnp.int64)
    return {"inputs": inputs, "targets": targets}


def reference(inputs, targets):
    probas = jax.nn.softmax(inputs.reshape(-1, C), axis=-1)
    labels = targets.reshape(-1)
    losses = []
    for c in range(C):
        fg = (labels == c).astype(jnp.float32)
        class_pred = probas[:, c]
        errors = jnp.abs(fg - class_pred)
        perm = jnp.argsort(-errors)  # descending sort permutation (indices are non-differentiable constants, matching perm.data in torch)
        errors_sorted = errors[perm]
        fg_sorted = fg[perm]
        losses.append(jnp.dot(errors_sorted, lovasz_grad(fg_sorted)))
    return sum(losses) / float(C)

if __name__ == "__main__":
    import jax
    _d = setup_inputs()
    print(jax.jit(kernel)(*tuple(_d.values())))

</pallas_src>

<mosaic_0001>
#map = affine_map<(d0, d1) -> (0, 0)>
#map1 = affine_map<(d0, d1) -> (0)>
module attributes {stable_mosaic.version = 14 : i64} {
  func.func @_sc_body(%arg0: i32, %arg1: i32, %arg2: memref<19x1048576xf32, #tpu.memory_space<hbm>>, %arg3: memref<1048576xi32, #tpu.memory_space<hbm>>, %arg4: memref<32x77824xi32, #tpu.memory_space<hbm>>, %arg5: memref<19x1024xf32, #tpu.memory_space<vmem>>, %arg6: memref<1024xi32, #tpu.memory_space<vmem>>, %arg7: memref<19x1024xf32, #tpu.memory_space<vmem>>, %arg8: memref<1024xi32, #tpu.memory_space<vmem>>, %arg9: memref<77824xi32, #tpu.memory_space<vmem>>, %arg10: memref<!tpu.dma_semaphore, #tpu.memory_space<semaphore_mem>>, %arg11: memref<!tpu.dma_semaphore, #tpu.memory_space<semaphore_mem>>, %arg12: memref<!tpu.dma_semaphore, #tpu.memory_space<semaphore_mem>>, %arg13: memref<!tpu.dma_semaphore, #tpu.memory_space<semaphore_mem>>) attributes {dimension_semantics = [#tpu.dimension_semantics<core_parallel>, #tpu.dimension_semantics<subcore_parallel>], iteration_bounds = array<i64: 2, 16>, scalar_prefetch = 0 : i64, scratch_operands = 9 : i64, tpu.core_type = #tpu.core_type<sc_vector_subcore>, window_params = [{transform_indices = #map}, {transform_indices = #map1}, {transform_indices = #map}]} {
    %mul3A = arith.constant 2 : i32
    %mul3A_0 = arith.muli %arg1, %mul3A : i32
    %add3A = arith.addi %mul3A_0, %arg0 : i32
    %broadcast_in_dim3A = arith.constant 0 : i32
    %broadcast_in_dim3A_1 = vector.broadcast %broadcast_in_dim3A : i32 to vector<16xi32>
    %scan3A = arith.constant 0 : i32
    %scan3A_2 = arith.constant 0 : i32
    %scan3A_3 = arith.constant 608 : i32
    %scan3A_4 = arith.addi %scan3A_2, %scan3A_3 : i32
    %scan3A_5 = arith.constant 1 : i32
    scf.for %scan3A_22 = %scan3A_2 to %scan3A_4 step %scan3A_5  : i32 {
      %mul3A_23 = arith.constant 128 : i32
      %mul3A_24 = arith.muli %scan3A_22, %mul3A_23 : i32
      %add3A_25 = arith.constant 0 : i32
      %add3A_26 = arith.addi %mul3A_24, %add3A_25 : i32
      %swap3A = arith.index_cast %add3A_26 : i32 to index
      %swap3A_27 = tpu.vector_load %arg9[%swap3A] {strides = array<i32>} : memref<77824xi32, #tpu.memory_space<vmem>>, vector<16xi32>,
      tpu.vector_store %arg9[%swap3A], %broadcast_in_dim3A_1 {strides = array<i32>} : memref<77824xi32, #tpu.memory_space<vmem>>, vector<16xi32>,
      %mul3A_28 = arith.constant 128 : i32
      %mul3A_29 = arith.muli %scan3A_22, %mul3A_28 : i32
      %add3A_30 = arith.constant 16 : i32
      %add3A_31 = arith.addi %mul3A_29, %add3A_30 : i32
      %swap3A_32 = arith.index_cast %add3A_31 : i32 to index
      %swap3A_33 = tpu.vector_load %arg9[%swap3A_32] {strides = array<i32>} : memref<77824xi32, #tpu.memory_space<vmem>>, vector<16xi32>,
      tpu.vector_store %arg9[%swap3A_32], %broadcast_in_dim3A_1 {strides = array<i32>} : memref<77824xi32, #tpu.memory_space<vmem>>, vector<16xi32>,
      %mul3A_34 = arith.constant 128 : i32
      %mul3A_35 = arith.muli %scan3A_22, %mul3A_34 : i32
      %add3A_36 = arith.constant 32 : i32
      %add3A_37 = arith.addi %mul3A_35, %add3A_36 : i32
      %swap3A_38 = arith.index_cast %add3A_37 : i32 to index
      %swap3A_39 = tpu.vector_load %arg9[%swap3A_38] {strides = array<i32>} : memref<77824xi32, #tpu.memory_space<vmem>>, vector<16xi32>,
      tpu.vector_store %arg9[%swap3A_38], %broadcast_in_dim3A_1 {strides = array<i32>} : memref<77824xi32, #tpu.memory_space<vmem>>, vector<16xi32>,
      %mul3A_40 = arith.constant 128 : i32
      %mul3A_41 = arith.muli %scan3A_22, %mul3A_40 : i32
      %add3A_42 = arith.constant 48 : i32
      %add3A_43 = arith.addi %mul3A_41, %add3A_42 : i32
      %swap3A_44 = arith.index_cast %add3A_43 : i32 to index
      %swap3A_45 = tpu.vector_load %arg9[%swap3A_44] {strides = array<i32>} : memref<77824xi32, #tpu.memory_space<vmem>>, vector<16xi32>,
      tpu.vector_store %arg9[%swap3A_44], %broadcast_in_dim3A_1 {strides = array<i32>} : memref<77824xi32, #tpu.memory_space<vmem>>, vector<16xi32>,
      %mul3A_46 = arith.constant 128 : i32
      %mul3A_47 = arith.muli %scan3A_22, %mul3A_46 : i32
      %add3A_48 = arith.constant 64 : i32
      %add3A_49 = arith.addi %mul3A_47, %add3A_48 : i32
      %swap3A_50 = arith.index_cast %add3A_49 : i32 to index
      %swap3A_51 = tpu.vector_load %arg9[%swap3A_50] {strides = array<i32>} : memref<77824xi32, #tpu.memory_space<vmem>>, vector<16xi32>,
      tpu.vector_store %arg9[%swap3A_50], %broadcast_in_dim3A_1 {strides = array<i32>} : memref<77824xi32, #tpu.memory_space<vmem>>, vector<16xi32>,
      %mul3A_52 = arith.constant 128 : i32
      %mul3A_53 = arith.muli %scan3A_22, %mul3A_52 : i32
      %add3A_54 = arith.constant 80 : i32
      %add3A_55 = arith.addi %mul3A_53, %add3A_54 : i32
      %swap3A_56 = arith.index_cast %add3A_55 : i32 to index
      %swap3A_57 = tpu.vector_load %arg9[%swap3A_56] {strides = array<i32>} : memref<77824xi32, #tpu.memory_space<vmem>>, vector<16xi32>,
      tpu.vector_store %arg9[%swap3A_56], %broadcast_in_dim3A_1 {strides = array<i32>} : memref<77824xi32, #tpu.memory_space<vmem>>, vector<16xi32>,
      %mul3A_58 = arith.constant 128 : i32
      %mul3A_59 = arith.muli %scan3A_22, %mul3A_58 : i32
      %add3A_60 = arith.constant 96 : i32
      %add3A_61 = arith.addi %mul3A_59, %add3A_60 : i32
      %swap3A_62 = arith.index_cast %add3A_61 : i32 to index
      %swap3A_63 = tpu.vector_load %arg9[%swap3A_62] {strides = array<i32>} : memref<77824xi32, #tpu.memory_space<vmem>>, vector<16xi32>,
      tpu.vector_store %arg9[%swap3A_62], %broadcast_in_dim3A_1 {strides = array<i32>} : memref<77824xi32, #tpu.memory_space<vmem>>, vector<16xi32>,
      %mul3A_64 = arith.constant 128 : i32
      %mul3A_65 = arith.muli %scan3A_22, %mul3A_64 : i32
      %add3A_66 = arith.constant 112 : i32
      %add3A_67 = arith.addi %mul3A_65, %add3A_66 : i32
      %swap3A_68 = arith.index_cast %add3A_67 : i32 to index
      %swap3A_69 = tpu.vector_load %arg9[%swap3A_68] {strides = array<i32>} : memref<77824xi32, #tpu.memory_space<vmem>>, vector<16xi32>,
      tpu.vector_store %arg9[%swap3A_68], %broadcast_in_dim3A_1 {strides = array<i32>} : memref<77824xi32, #tpu.memory_space<vmem>>, vector<16xi32>,
    }
    %scan3A_6 = arith.constant 608 : i32
    %mul3A_7 = arith.constant 32768 : i32
    %mul3A_8 = arith.muli %add3A, %mul3A_7 : i32
    %add3A_9 = arith.constant 0 : i32
    %add3A_10 = arith.addi %mul3A_8, %add3A_9 : i32
    %dma_start3A = arith.constant 0 : i32
    %dma_start3A_11 = tpu.memref_slice %arg2[%dma_start3A, %add3A_10] : memref<19x1048576xf32, #tpu.memory_space<hbm>> -> memref<19x1024xf32, #tpu.memory_space<hbm>>
    %dma_start3A_12 = arith.constant 0 : i32
    %dma_start3A_13 = tpu.memref_slice %arg2[%dma_start3A_12, %add3A_10] : memref<19x1048576xf32, #tpu.memory_space<hbm>> -> memref<19x1024xf32, #tpu.memory_space<hbm>>
    tpu.enqueue_dma source(%dma_start3A_13 : memref<19x1024xf32, #tpu.memory_space<hbm>>) target(%arg5 : memref<19x1024xf32, #tpu.memory_space<vmem>>) target_semaphore(%arg10 : memref<!tpu.dma_semaphore, #tpu.memory_space<semaphore_mem>>)
    %dma_start3A_14 = tpu.memref_slice %arg3[%add3A_10] : memref<1048576xi32, #tpu.memory_space<hbm>> -> memref<1024xi32, #tpu.memory_space<hbm>>
    %dma_start3A_15 = tpu.memref_slice %arg3[%add3A_10] : memref<1048576xi32, #tpu.memory_space<hbm>> -> memref<1024xi32, #tpu.memory_space<hbm>>
    tpu.enqueue_dma source(%dma_start3A_15 : memref<1024xi32, #tpu.memory_space<hbm>>) target(%arg6 : memref<1024xi32, #tpu.memory_space<vmem>>) target_semaphore(%arg11 : memref<!tpu.dma_semaphore, #tpu.memory_space<semaphore_mem>>)
    %scan3A_16 = arith.constant 0 : i32
    %scan3A_17 = arith.constant 0 : i32
    %scan3A_18 = arith.constant 16 : i32
    %scan3A_19 = arith.addi %scan3A_17, %scan3A_18 : i32
    %scan3A_20 = arith.constant 1 : i32
    scf.for %scan3A_22 = %scan3A_17 to %scan3A_19 step %scan3A_20  : i32 {
      %mul3A_23 = arith.constant 2 : i32
      %mul3A_24 = arith.muli %mul3A_23, %scan3A_22 : i32
      %add3A_25 = arith.constant 1 : i32
      %add3A_26 = arith.addi %mul3A_24, %add3A_25 : i32
      %mul3A_27 = arith.constant 1024 : i32
      %mul3A_28 = arith.muli %add3A_26, %mul3A_27 : i32
      %add3A_29 = arith.addi %mul3A_8, %mul3A_28 : i32
      %dma_start3A_30 = arith.constant 0 : i32
      %dma_start3A_31 = tpu.memref_slice %arg2[%dma_start3A_30, %add3A_29] : memref<19x1048576xf32, #tpu.memory_space<hbm>> -> memref<19x1024xf32, #tpu.memory_space<hbm>>
      %dma_start3A_32 = arith.constant 0 : i32
      %dma_start3A_33 = tpu.memref_slice %arg2[%dma_start3A_32, %add3A_29] : memref<19x1048576xf32, #tpu.memory_space<hbm>> -> memref<19x1024xf32, #tpu.memory_space<hbm>>
      tpu.enqueue_dma source(%dma_start3A_33 : memref<19x1024xf32, #tpu.memory_space<hbm>>) target(%arg7 : memref<19x1024xf32, #tpu.memory_space<vmem>>) target_semaphore(%arg12 : memref<!tpu.dma_semaphore, #tpu.memory_space<semaphore_mem>>)
      %dma_start3A_34 = tpu.memref_slice %arg3[%add3A_29] : memref<1048576xi32, #tpu.memory_space<hbm>> -> memref<1024xi32, #tpu.memory_space<hbm>>
      %dma_start3A_35 = tpu.memref_slice %arg3[%add3A_29] : memref<1048576xi32, #tpu.memory_space<hbm>> -> memref<1024xi32, #tpu.memory_space<hbm>>
      tpu.enqueue_dma source(%dma_start3A_35 : memref<1024xi32, #tpu.memory_space<hbm>>) target(%arg8 : memref<1024xi32, #tpu.memory_space<vmem>>) target_semaphore(%arg13 : memref<!tpu.dma_semaphore, #tpu.memory_space<semaphore_mem>>)
      %dma_wait3A = arith.constant 0 : i32
      %dma_wait3A_36 = arith.constant 0 : i32
      %dma_wait3A_37 = tpu.memref_slice %arg2[%dma_wait3A, %dma_wait3A_36] : memref<19x1048576xf32, #tpu.memory_space<hbm>> -> memref<19x1024xf32, #tpu.memory_space<hbm>>
      %dma_wait3A_38 = arith.constant 0 : i32
      %dma_wait3A_39 = arith.constant 0 : i32
      %dma_wait3A_40 = tpu.memref_slice %arg2[%dma_wait3A_38, %dma_wait3A_39] : memref<19x1048576xf32, #tpu.memory_space<hbm>> -> memref<19x1024xf32, #tpu.memory_space<hbm>>
      tpu.wait_dma2 semaphore(%arg10 : memref<!tpu.dma_semaphore, #tpu.memory_space<semaphore_mem>>) src(%dma_wait3A_40 : memref<19x1024xf32, #tpu.memory_space<hbm>>) dst(%arg5 : memref<19x1024xf32, #tpu.memory_space<vmem>>)
      %dma_wait3A_41 = arith.constant 0 : i32
      %dma_wait3A_42 = tpu.memref_slice %arg3[%dma_wait3A_41] : memref<1048576xi32, #tpu.memory_space<hbm>> -> memref<1024xi32, #tpu.memory_space<hbm>>
      %dma_wait3A_43 = arith.constant 0 : i32
      %dma_wait3A_44 = tpu.memref_slice %arg3[%dma_wait3A_43] : memref<1048576xi32, #tpu.memory_space<hbm>> -> memref<1024xi32, #tpu.memory_space<hbm>>
      tpu.wait_dma2 semaphore(%arg11 : memref<!tpu.dma_semaphore, #tpu.memory_space<semaphore_mem>>) src(%dma_wait3A_44 : memref<1024xi32, #tpu.memory_space<hbm>>) dst(%arg6 : memref<1024xi32, #tpu.memory_space<vmem>>)
      %parallel_loop3A = arith.constant 0 : i32
      %parallel_loop3A_45 = arith.constant 64 : i32
      %parallel_loop3A_46 = arith.constant 1 : i32
      scf.for %parallel_loop3A_60 = %parallel_loop3A to %parallel_loop3A_45 step %parallel_loop3A_46  : i32 {
        %parallel_loop3A_61 = arith.constant 16 : i32
        %parallel_loop3A_62 = arith.muli %parallel_loop3A_60, %parallel_loop3A_61 : i32
        %parallel_loop3A_63 = arith.constant 0 : i32
        %parallel_loop3A_64 = arith.index_cast %parallel_loop3A_63 : i32 to index
        %parallel_loop3A_65 = arith.index_cast %parallel_loop3A_62 : i32 to index
        %parallel_loop3A_66 = tpu.vector_load %arg5[%parallel_loop3A_64, %parallel_loop3A_65] {strides = array<i32>} : memref<19x1024xf32, #tpu.memory_space<vmem>>, vector<16xf32>,
        %parallel_loop3A_67 = math.exp %parallel_loop3A_66 : vector<16xf32>
        %parallel_loop3A_68 = arith.constant 1 : i32
        %parallel_loop3A_69 = arith.index_cast %parallel_loop3A_68 : i32 to index
        %parallel_loop3A_70 = arith.index_cast %parallel_loop3A_62 : i32 to index
        %parallel_loop3A_71 = tpu.vector_load %arg5[%parallel_loop3A_69, %parallel_loop3A_70] {strides = array<i32>} : memref<19x1024xf32, #tpu.memory_space<vmem>>, vector<16xf32>,
        %parallel_loop3A_72 = math.exp %parallel_loop3A_71 : vector<16xf32>
        %parallel_loop3A_73 = arith.constant 2 : i32
        %parallel_loop3A_74 = arith.index_cast %parallel_loop3A_73 : i32 to index
        %parallel_loop3A_75 = arith.index_cast %parallel_loop3A_62 : i32 to index
        %parallel_loop3A_76 = tpu.vector_load %arg5[%parallel_loop3A_74, %parallel_loop3A_75] {strides = array<i32>} : memref<19x1024xf32, #tpu.memory_space<vmem>>, vector<16xf32>,
        %parallel_loop3A_77 = math.exp %parallel_loop3A_76 : vector<16xf32>
        %parallel_loop3A_78 = arith.constant 3 : i32
        %parallel_loop3A_79 = arith.index_cast %parallel_loop3A_78 : i32 to index
        %parallel_loop3A_80 = arith.index_cast %parallel_loop3A_62 : i32 to index
        %parallel_loop3A_81 = tpu.vector_load %arg5[%parallel_loop3A_79, %parallel_loop3A_80] {strides = array<i32>} : memref<19x1024xf32, #tpu.memory_space<vmem>>, vector<16xf32>,
        %parallel_loop3A_82 = math.exp %parallel_loop3A_81 : vector<16xf32>
        %parallel_loop3A_83 = arith.constant 4 : i32
        %parallel_loop3A_84 = arith.index_cast %parallel_loop3A_83 : i32 to index
        %parallel_loop3A_85 = arith.index_cast %parallel_loop3A_62 : i32 to index
        %parallel_loop3A_86 = tpu.vector_load %arg5[%parallel_loop3A_84, %parallel_loop3A_85] {strides = array<i32>} : memref<19x1024xf32, #tpu.memory_space<vmem>>, vector<16xf32>,
        %parallel_loop3A_87 = math.exp %parallel_loop3A_86 : vector<16xf32>
        %parallel_loop3A_88 = arith.constant 5 : i32
        %parallel_loop3A_89 = arith.index_cast %parallel_loop3A_88 : i32 to index
        %parallel_loop3A_90 = arith.index_cast %parallel_loop3A_62 : i32 to index
        %parallel_loop3A_91 = tpu.vector_load %arg5[%parallel_loop3A_89, %parallel_loop3A_90] {strides = array<i32>} : memref<19x1024xf32, #tpu.memory_space<vmem>>, vector<16xf32>,
        %parallel_loop3A_92 = math.exp %parallel_loop3A_91 : vector<16xf32>
        %parallel_loop3A_93 = arith.constant 6 : i32
        %parallel_loop3A_94 = arith.index_cast %parallel_loop3A_93 : i32 to index
        %parallel_loop3A_95 = arith.index_cast %parallel_loop3A_62 : i32 to index
        %parallel_loop3A_96 = tpu.vector_load %arg5[%parallel_loop3A_94, %parallel_loop3A_95] {strides = array<i32>} : memref<19x1024xf32, #tpu.memory_space<vmem>>, vector<16xf32>,
        %parallel_loop3A_97 = math.exp %parallel_loop3A_96 : vector<16xf32>
        %parallel_loop3A_98 = arith.constant 7 : i32
        %parallel_loop3A_99 = arith.index_cast %parallel_loop3A_98 : i32 to index
        %parallel_loop3A_100 = arith.index_cast %parallel_loop3A_62 : i32 to index
        %parallel_loop3A_101 = tpu.vector_load %arg5[%parallel_loop3A_99, %parallel_loop3A_100] {strides = array<i32>} : memref<19x1024xf32, #tpu.memory_space<vmem>>, vector<16xf32>,
        %parallel_loop3A_102 = math.exp %parallel_loop3A_101 : vector<16xf32>
        %parallel_loop3A_103 = arith.constant 8 : i32
        %parallel_loop3A_104 = arith.index_cast %parallel_loop3A_103 : i32 to index
        %parallel_loop3A_105 = arith.index_cast %parallel_loop3A_62 : i32 to index
        %parallel_loop3A_106 = tpu.vector_load %arg5[%parallel_loop3A_104, %parallel_loop3A_105] {strides = array<i32>} : memref<19x1024xf32, #tpu.memory_space<vmem>>, vector<16xf32>,
        %parallel_loop3A_107 = math.exp %parallel_loop3A_106 : vector<16xf32>
        %parallel_loop3A_108 = arith.constant 9 : i32
        %parallel_loop3A_109 = arith.index_cast %parallel_loop3A_108 : i32 to index
        %parallel_loop3A_110 = arith.index_cast %parallel_loop3A_62 : i32 to index
        %parallel_loop3A_111 = tpu.vector_load %arg5[%parallel_loop3A_109, %parallel_loop3A_110] {strides = array<i32>} : memref<19x1024xf32, #tpu.memory_space<vmem>>, vector<16xf32>,
        %parallel_loop3A_112 = math.exp %parallel_loop3A_111 : vector<16xf32>
        %parallel_loop3A_113 = arith.constant 10 : i32
        %parallel_loop3A_114 = arith.index_cast %parallel_loop3A_113 : i32 to index
        %parallel_loop3A_115 = arith.index_cast %parallel_loop3A_62 : i32 to index
        %parallel_loop3A_116 = tpu.vector_load %arg5[%parallel_loop3A_114, %parallel_loop3A_115] {strides = array<i32>} : memref<19x1024xf32, #tpu.memory_space<vmem>>, vector<16xf32>,
        %parallel_loop3A_117 = math.exp %parallel_loop3A_116 : vector<16xf32>
        %parallel_loop3A_118 = arith.constant 11 : i32
        %parallel_loop3A_119 = arith.index_cast %parallel_loop3A_118 : i32 to index
        %parallel_loop3A_120 = arith.index_cast %parallel_loop3A_62 : i32 to index
        %parallel_loop3A_121 = tpu.vector_load %arg5[%parallel_loop3A_119, %parallel_loop3A_120] {strides = array<i32>} : memref<19x1024xf32, #tpu.memory_space<vmem>>, vector<16xf32>,
        %parallel_loop3A_122 = math.exp %parallel_loop3A_121 : vector<16xf32>
        %parallel_loop3A_123 = arith.constant 12 : i32
        %parallel_loop3A_124 = arith.index_cast %parallel_loop3A_123 : i32 to index
        %parallel_loop3A_125 = arith.index_cast %parallel_loop3A_62 : i32 to index
        %parallel_loop3A_126 = tpu.vector_load %arg5[%parallel_loop3A_124, %parallel_loop3A_125] {strides = array<i32>} : memref<19x1024xf32, #tpu.memory_space<vmem>>, vector<16xf32>,
        %parallel_loop3A_127 = math.exp %parallel_loop3A_126 : vector<16xf32>
        %parallel_loop3A_128 = arith.constant 13 : i32
        %parallel_loop3A_129 = arith.index_cast %parallel_loop3A_128 : i32 to index
        %parallel_loop3A_130 = arith.index_cast %parallel_loop3A_62 : i32 to index
        %parallel_loop3A_131 = tpu.vector_load %arg5[%parallel_loop3A_129, %parallel_loop3A_130] {strides = array<i32>} : memref<19x1024xf32, #tpu.memory_space<vmem>>, vector<16xf32>,
        %parallel_loop3A_132 = math.exp %parallel_loop3A_131 : vector<16xf32>
        %parallel_loop3A_133 = arith.constant 14 : i32
        %parallel_loop3A_134 = arith.index_cast %parallel_loop3A_133 : i32 to index
        %parallel_loop3A_135 = arith.index_cast %parallel_loop3A_62 : i32 to index
        %parallel_loop3A_136 = tpu.vector_load %arg5[%parallel_loop3A_134, %parallel_loop3A_135] {strides = array<i32>} : memref<19x1024xf32, #tpu.memory_space<vmem>>, vector<16xf32>,
        %parallel_loop3A_137 = math.exp %parallel_loop3A_136 : vector<16xf32>
        %parallel_loop3A_138 = arith.constant 15 : i32
        %parallel_loop3A_139 = arith.index_cast %parallel_loop3A_138 : i32 to index
        %parallel_loop3A_140 = arith.index_cast %parallel_loop3A_62 : i32 to index
        %parallel_loop3A_141 = tpu.vector_load %arg5[%parallel_loop3A_139, %parallel_loop3A_140] {strides = array<i32>} : memref<19x1024xf32, #tpu.memory_space<vmem>>, vector<16xf32>,
        %parallel_loop3A_142 = math.exp %parallel_loop3A_141 : vector<16xf32>
        %parallel_loop3A_143 = arith.constant 16 : i32
        %parallel_loop3A_144 = arith.index_cast %parallel_loop3A_143 : i32 to index
        %parallel_loop3A_145 = arith.index_cast %parallel_loop3A_62 : i32 to index
        %parallel_loop3A_146 = tpu.vector_load %arg5[%parallel_loop3A_144, %parallel_loop3A_145] {strides = array<i32>} : memref<19x1024xf32, #tpu.memory_space<vmem>>, vector<16xf32>,
        %parallel_loop3A_147 = math.exp %parallel_loop3A_146 : vector<16xf32>
        %parallel_loop3A_148 = arith.constant 17 : i32
        %parallel_loop3A_149 = arith.index_cast %parallel_loop3A_148 : i32 to index
        %parallel_loop3A_150 = arith.index_cast %parallel_loop3A_62 : i32 to index
        %parallel_loop3A_151 = tpu.vector_load %arg5[%parallel_loop3A_149, %parallel_loop3A_150] {strides = array<i32>} : memref<19x1024xf32, #tpu.memory_space<vmem>>, vector<16xf32>,
        %parallel_loop3A_152 = math.exp %parallel_loop3A_151 : vector<16xf32>
        %parallel_loop3A_153 = arith.constant 18 : i32
        %parallel_loop3A_154 = arith.index_cast %parallel_loop3A_153 : i32 to index
        %parallel_loop3A_155 = arith.index_cast %parallel_loop3A_62 : i32 to index
        %parallel_loop3A_156 = tpu.vector_load %arg5[%parallel_loop3A_154, %parallel_loop3A_155] {strides = array<i32>} : memref<19x1024xf32, #tpu.memory_space<vmem>>, vector<16xf32>,
        %parallel_loop3A_157 = math.exp %parallel_loop3A_156 : vector<16xf32>
        %parallel_loop3A_158 = arith.addf %parallel_loop3A_67, %parallel_loop3A_72 : vector<16xf32>
        %parallel_loop3A_159 = arith.addf %parallel_loop3A_77, %parallel_loop3A_82 : vector<16xf32>
        %parallel_loop3A_160 = arith.addf %parallel_loop3A_87, %parallel_loop3A_92 : vector<16xf32>
        %parallel_loop3A_161 = arith.addf %parallel_loop3A_97, %parallel_loop3A_102 : vector<16xf32>
        %parallel_loop3A_162 = arith.addf %parallel_loop3A_107, %parallel_loop3A_112 : vector<16xf32>
        %parallel_loop3A_163 = arith.addf %parallel_loop3A_117, %parallel_loop3A_122 : vector<16xf32>
        %parallel_loop3A_164 = arith.addf %parallel_loop3A_127, %parallel_loop3A_132 : vector<16xf32>
        %parallel_loop3A_165 = arith.addf %parallel_loop3A_137, %parallel_loop3A_142 : vector<16xf32>
        %parallel_loop3A_166 = arith.addf %parallel_loop3A_147, %parallel_loop3A_152 : vector<16xf32>
        %parallel_loop3A_167 = arith.addf %parallel_loop3A_166, %parallel_loop3A_157 : vector<16xf32>
        %parallel_loop3A_168 = arith.addf %parallel_loop3A_158, %parallel_loop3A_159 : vector<16xf32>
        %parallel_loop3A_169 = arith.addf %parallel_loop3A_160, %parallel_loop3A_161 : vector<16xf32>
        %parallel_loop3A_170 = arith.addf %parallel_loop3A_162, %parallel_loop3A_163 : vector<16xf32>
        %parallel_loop3A_171 = arith.addf %parallel_loop3A_164, %parallel_loop3A_165 : vector<16xf32>
        %parallel_loop3A_172 = arith.addf %parallel_loop3A_171, %parallel_loop3A_167 : vector<16xf32>
        %parallel_loop3A_173 = arith.addf %parallel_loop3A_168, %parallel_loop3A_169 : vector<16xf32>
        %parallel_loop3A_174 = arith.addf %parallel_loop3A_170, %parallel_loop3A_172 : vector<16xf32>
        %parallel_loop3A_175 = arith.addf %parallel_loop3A_173, %parallel_loop3A_174 : vector<16xf32>
        %parallel_loop3A_176 = arith.constant 1.000000e+00 : f32
        %parallel_loop3A_177 = vector.broadcast %parallel_loop3A_176 : f32 to vector<16xf32>
        %parallel_loop3A_178 = arith.divf %parallel_loop3A_177, %parallel_loop3A_175 : vector<16xf32>
        %parallel_loop3A_179 = arith.index_cast %parallel_loop3A_62 : i32 to index
        %parallel_loop3A_180 = tpu.vector_load %arg6[%parallel_loop3A_179] {strides = array<i32>} : memref<1024xi32, #tpu.memory_space<vmem>>, vector<16xi32>,
        %parallel_loop3A_181 = arith.mulf %parallel_loop3A_67, %parallel_loop3A_178 : vector<16xf32>
        %parallel_loop3A_182 = arith.constant 0 : i32
        %parallel_loop3A_183 = vector.broadcast %parallel_loop3A_182 : i32 to vector<16xi32>
        %parallel_loop3A_184 = arith.cmpi eq, %parallel_loop3A_180, %parallel_loop3A_183 : vector<16xi32>
        %parallel_loop3A_185 = arith.constant 1.000000e+00 : f32
        %parallel_loop3A_186 = vector.broadcast %parallel_loop3A_185 : f32 to vector<16xf32>
        %parallel_loop3A_187 = arith.subf %parallel_loop3A_186, %parallel_loop3A_181 : vector<16xf32>
        %parallel_loop3A_188 = arith.select %parallel_loop3A_184, %parallel_loop3A_187, %parallel_loop3A_181 : vector<16xi1>, vector<16xf32>
        %parallel_loop3A_189 = arith.constant 2.048000e+03 : f32
        %parallel_loop3A_190 = vector.broadcast %parallel_loop3A_189 : f32 to vector<16xf32>
        %parallel_loop3A_191 = arith.mulf %parallel_loop3A_188, %parallel_loop3A_190 : vector<16xf32>
        %parallel_loop3A_192 = arith.fptosi %parallel_loop3A_191 : vector<16xf32> to vector<16xi32>
        %parallel_loop3A_193 = arith.constant 2047 : i32
        %parallel_loop3A_194 = vector.broadcast %parallel_loop3A_193 : i32 to vector<16xi32>
        %parallel_loop3A_195 = arith.minsi %parallel_loop3A_192, %parallel_loop3A_194 : vector<16xi32>
        %parallel_loop3A_196 = arith.constant 38912 : i32
        %parallel_loop3A_197 = arith.constant 0 : i32
        %parallel_loop3A_198 = vector.broadcast %parallel_loop3A_196 : i32 to vector<16xi32>
        %parallel_loop3A_199 = vector.broadcast %parallel_loop3A_197 : i32 to vector<16xi32>
        %parallel_loop3A_200 = arith.select %parallel_loop3A_184, %parallel_loop3A_198, %parallel_loop3A_199 : vector<16xi1>, vector<16xi32>
        %parallel_loop3A_201 = arith.addi %parallel_loop3A_200, %parallel_loop3A_195 : vector<16xi32>
        %parallel_loop3A_202 = arith.constant true
        %parallel_loop3A_203 = vector.broadcast %parallel_loop3A_202 : i1 to vector<16xi1>
        %parallel_loop3A_204, %parallel_loop3A_205 = tpu.scan_count mask(%parallel_loop3A_203 : vector<16xi1>) value(%parallel_loop3A_201 : vector<16xi32>) : vector<16xi1>, vector<16xi32>
        tpu.vector_store_idx %arg9[%parallel_loop3A_201], %parallel_loop3A_205 masked %parallel_loop3A_204 {add = true} : memref<77824xi32, #tpu.memory_space<vmem>>[vector<16xi32>], vector<16xi32>, vector<16xi1>
        %parallel_loop3A_206 = arith.mulf %parallel_loop3A_72, %parallel_loop3A_178 : vector<16xf32>
        %parallel_loop3A_207 = arith.constant 1 : i32
        %parallel_loop3A_208 = vector.broadcast %parallel_loop3A_207 : i32 to vector<16xi32>
        %parallel_loop3A_209 = arith.cmpi eq, %parallel_loop3A_180, %parallel_loop3A_208 : vector<16xi32>
        %parallel_loop3A_210 = arith.constant 1.000000e+00 : f32
        %parallel_loop3A_211 = vector.broadcast %parallel_loop3A_210 : f32 to vector<16xf32>
        %parallel_loop3A_212 = arith.subf %parallel_loop3A_211, %parallel_loop3A_206 : vector<16xf32>
        %parallel_loop3A_213 = arith.select %parallel_loop3A_209, %parallel_loop3A_212, %parallel_loop3A_206 : vector<16xi1>, vector<16xf32>
        %parallel_loop3A_214 = arith.constant 2.048000e+03 : f32
        %parallel_loop3A_215 = vector.broadcast %parallel_loop3A_214 : f32 to vector<16xf32>
        %parallel_loop3A_216 = arith.mulf %parallel_loop3A_213, %parallel_loop3A_215 : vector<16xf32>
        %parallel_loop3A_217 = arith.fptosi %parallel_loop3A_216 : vector<16xf32> to vector<16xi32>
        %parallel_loop3A_218 = arith.constant 2047 : i32
        %parallel_loop3A_219 = vector.broadcast %parallel_loop3A_218 : i32 to vector<16xi32>
        %parallel_loop3A_220 = arith.minsi %parallel_loop3A_217, %parallel_loop3A_219 : vector<16xi32>
        %parallel_loop3A_221 = arith.constant 40960 : i32
        %parallel_loop3A_222 = arith.constant 2048 : i32
        %parallel_loop3A_223 = vector.broadcast %parallel_loop3A_221 : i32 to vector<16xi32>
        %parallel_loop3A_224 = vector.broadcast %parallel_loop3A_222 : i32 to vector<16xi32>
        %parallel_loop3A_225 = arith.select %parallel_loop3A_209, %parallel_loop3A_223, %parallel_loop3A_224 : vector<16xi1>, vector<16xi32>
        %parallel_loop3A_226 = arith.addi %parallel_loop3A_225, %parallel_loop3A_220 : vector<16xi32>
        %parallel_loop3A_227 = arith.constant true
        %parallel_loop3A_228 = vector.broadcast %parallel_loop3A_227 : i1 to vector<16xi1>
        %parallel_loop3A_229, %parallel_loop3A_230 = tpu.scan_count mask(%parallel_loop3A_228 : vector<16xi1>) value(%parallel_loop3A_226 : vector<16xi32>) : vector<16xi1>, vector<16xi32>
        tpu.vector_store_idx %arg9[%parallel_loop3A_226], %parallel_loop3A_230 masked %parallel_loop3A_229 {add = true} : memref<77824xi32, #tpu.memory_space<vmem>>[vector<16xi32>], vector<16xi32>, vector<16xi1>
        %parallel_loop3A_231 = arith.mulf %parallel_loop3A_77, %parallel_loop3A_178 : vector<16xf32>
        %parallel_loop3A_232 = arith.constant 2 : i32
        %parallel_loop3A_233 = vector.broadcast %parallel_loop3A_232 : i32 to vector<16xi32>
        %parallel_loop3A_234 = arith.cmpi eq, %parallel_loop3A_180, %parallel_loop3A_233 : vector<16xi32>
        %parallel_loop3A_235 = arith.constant 1.000000e+00 : f32
        %parallel_loop3A_236 = vector.broadcast %parallel_loop3A_235 : f32 to vector<16xf32>
        %parallel_loop3A_237 = arith.subf %parallel_loop3A_236, %parallel_loop3A_231 : vector<16xf32>
        %parallel_loop3A_238 = arith.select %parallel_loop3A_234, %parallel_loop3A_237, %parallel_loop3A_231 : vector<16xi1>, vector<16xf32>
        %parallel_loop3A_239 = arith.constant 2.048000e+03 : f32
        %parallel_loop3A_240 = vector.broadcast %parallel_loop3A_239 : f32 to vector<16xf32>
        %parallel_loop3A_241 = arith.mulf %parallel_loop3A_238, %parallel_loop3A_240 : vector<16xf32>
        %parallel_loop3A_242 = arith.fptosi %parallel_loop3A_241 : vector<16xf32> to vector<16xi32>
        %parallel_loop3A_243 = arith.constant 2047 : i32
        %parallel_loop3A_244 = vector.broadcast %parallel_loop3A_243 : i32 to vector<16xi32>
        %parallel_loop3A_245 = arith.minsi %parallel_loop3A_242, %parallel_loop3A_244 : vector<16xi32>
        %parallel_loop3A_246 = arith.constant 43008 : i32
        %parallel_loop3A_247 = arith.constant 4096 : i32
        %parallel_loop3A_248 = vector.broadcast %parallel_loop3A_246 : i32 to vector<16xi32>
        %parallel_loop3A_249 = vector.broadcast %parallel_loop3A_247 : i32 to vector<16xi32>
        %parallel_loop3A_250 = arith.select %parallel_loop3A_234, %parallel_loop3A_248, %parallel_loop3A_249 : vector<16xi1>, vector<16xi32>
        %parallel_loop3A_251 = arith.addi %parallel_loop3A_250, %parallel_loop3A_245 : vector<16xi32>
        %parallel_loop3A_252 = arith.constant true
        %parallel_loop3A_253 = vector.broadcast %parallel_loop3A_252 : i1 to vector<16xi1>
        %parallel_loop3A_254, %parallel_loop3A_255 = tpu.scan_count mask(%parallel_loop3A_253 : vector<16xi1>) value(%parallel_loop3A_251 : vector<16xi32>) : vector<16xi1>, vector<16xi32>
        tpu.vector_store_idx %arg9[%parallel_loop3A_251], %parallel_loop3A_255 masked %parallel_loop3A_254 {add = true} : memref<77824xi32, #tpu.memory_space<vmem>>[vector<16xi32>], vector<16xi32>, vector<16xi1>
        %parallel_loop3A_256 = arith.mulf %parallel_loop3A_82, %parallel_loop3A_178 : vector<16xf32>
        %parallel_loop3A_257 = arith.constant 3 : i32
        %parallel_loop3A_258 = vector.broadcast %parallel_loop3A_257 : i32 to vector<16xi32>
        %parallel_loop3A_259 = arith.cmpi eq, %parallel_loop3A_180, %parallel_loop3A_258 : vector<16xi32>
        %parallel_loop3A_260 = arith.constant 1.000000e+00 : f32
        %parallel_loop3A_261 = vector.broadcast %parallel_loop3A_260 : f32 to vector<16xf32>
        %parallel_loop3A_262 = arith.subf %parallel_loop3A_261, %parallel_loop3A_256 : vector<16xf32>
        %parallel_loop3A_263 = arith.select %parallel_loop3A_259, %parallel_loop3A_262, %parallel_loop3A_256 : vector<16xi1>, vector<16xf32>
        %parallel_loop3A_264 = arith.constant 2.048000e+03 : f32
        %parallel_loop3A_265 = vector.broadcast %parallel_loop3A_264 : f32 to vector<16xf32>
        %parallel_loop3A_266 = arith.mulf %parallel_loop3A_263, %parallel_loop3A_265 : vector<16xf32>
        %parallel_loop3A_267 = arith.fptosi %parallel_loop3A_266 : vector<16xf32> to vector<16xi32>
        %parallel_loop3A_268 = arith.constant 2047 : i32
        %parallel_loop3A_269 = vector.broadcast %parallel_loop3A_268 : i32 to vector<16xi32>
        %parallel_loop3A_270 = arith.minsi %parallel_loop3A_267, %parallel_loop3A_269 : vector<16xi32>
        %parallel_loop3A_271 = arith.constant 45056 : i32
        %parallel_loop3A_272 = arith.constant 6144 : i32
        %parallel_loop3A_273 = vector.broadcast %parallel_loop3A_271 : i32 to vector<16xi32>
        %parallel_loop3A_274 = vector.broadcast %parallel_loop3A_272 : i32 to vector<16xi32>
        %parallel_loop3A_275 = arith.select %parallel_loop3A_259, %parallel_loop3A_273, %parallel_loop3A_274 : vector<16xi1>, vector<16xi32>
        %parallel_loop3A_276 = arith.addi %parallel_loop3A_275, %parallel_loop3A_270 : vector<16xi32>
        %parallel_loop3A_277 = arith.constant true
        %parallel_loop3A_278 = vector.broadcast %parallel_loop3A_277 : i1 to vector<16xi1>
        %parallel_loop3A_279, %parallel_loop3A_280 = tpu.scan_count mask(%parallel_loop3A_278 : vector<16xi1>) value(%parallel_loop3A_276 : vector<16xi32>) : vector<16xi1>, vector<16xi32>
        tpu.vector_store_idx %arg9[%parallel_loop3A_276], %parallel_loop3A_280 masked %parallel_loop3A_279 {add = true} : memref<77824xi32, #tpu.memory_space<vmem>>[vector<16xi32>], vector<16xi32>, vector<16xi1>
        %parallel_loop3A_281 = arith.mulf %parallel_loop3A_87, %parallel_loop3A_178 : vector<16xf32>
        %parallel_loop3A_282 = arith.constant 4 : i32
        %parallel_loop3A_283 = vector.broadcast %parallel_loop3A_282 : i32 to vector<16xi32>
        %parallel_loop3A_284 = arith.cmpi eq, %parallel_loop3A_180, %parallel_loop3A_283 : vector<16xi32>
        %parallel_loop3A_285 = arith.constant 1.000000e+00 : f32
        %parallel_loop3A_286 = vector.broadcast %parallel_loop3A_285 : f32 to vector<16xf32>
        %parallel_loop3A_287 = arith.subf %parallel_loop3A_286, %parallel_loop3A_281 : vector<16xf32>
        %parallel_loop3A_288 = arith.select %parallel_loop3A_284, %parallel_loop3A_287, %parallel_loop3A_281 : vector<16xi1>, vector<16xf32>
        %parallel_loop3A_289 = arith.constant 2.048000e+03 : f32
        %parallel_loop3A_290 = vector.broadcast %parallel_loop3A_289 : f32 to vector<16xf32>
        %parallel_loop3A_291 = arith.mulf %parallel_loop3A_288, %parallel_loop3A_290 : vector<16xf32>
        %parallel_loop3A_292 = arith.fptosi %parallel_loop3A_291 : vector<16xf32> to vector<16xi32>
        %parallel_loop3A_293 = arith.constant 2047 : i32
        %parallel_loop3A_294 = vector.broadcast %parallel_loop3A_293 : i32 to vector<16xi32>
        %parallel_loop3A_295 = arith.minsi %parallel_loop3A_292, %parallel_loop3A_294 : vector<16xi32>
        %parallel_loop3A_296 = arith.constant 47104 : i32
        %parallel_loop3A_297 = arith.constant 8192 : i32
        %parallel_loop3A_298 = vector.broadcast %parallel_loop3A_296 : i32 to vector<16xi32>
        %parallel_loop3A_299 = vector.broadcast %parallel_loop3A_297 : i32 to vector<16xi32>
        %parallel_loop3A_300 = arith.select %parallel_loop3A_284, %parallel_loop3A_298, %parallel_loop3A_299 : vector<16xi1>, vector<16xi32>
        %parallel_loop3A_301 = arith.addi %parallel_loop3A_300, %parallel_loop3A_295 : vector<16xi32>
        %parallel_loop3A_302 = arith.constant true
        %parallel_loop3A_303 = vector.broadcast %parallel_loop3A_302 : i1 to vector<16xi1>
        %parallel_loop3A_304, %parallel_loop3A_305 = tpu.scan_count mask(%parallel_loop3A_303 : vector<16xi1>) value(%parallel_loop3A_301 : vector<16xi32>) : vector<16xi1>, vector<16xi32>
        tpu.vector_store_idx %arg9[%parallel_loop3A_301], %parallel_loop3A_305 masked %parallel_loop3A_304 {add = true} : memref<77824xi32, #tpu.memory_space<vmem>>[vector<16xi32>], vector<16xi32>, vector<16xi1>
        %parallel_loop3A_306 = arith.mulf %parallel_loop3A_92, %parallel_loop3A_178 : vector<16xf32>
        %parallel_loop3A_307 = arith.constant 5 : i32
        %parallel_loop3A_308 = vector.broadcast %parallel_loop3A_307 : i32 to vector<16xi32>
        %parallel_loop3A_309 = arith.cmpi eq, %parallel_loop3A_180, %parallel_loop3A_308 : vector<16xi32>
        %parallel_loop3A_310 = arith.constant 1.000000e+00 : f32
        %parallel_loop3A_311 = vector.broadcast %parallel_loop3A_310 : f32 to vector<16xf32>
        %parallel_loop3A_312 = arith.subf %parallel_loop3A_311, %parallel_loop3A_306 : vector<16xf32>
        %parallel_loop3A_313 = arith.select %parallel_loop3A_309, %parallel_loop3A_312, %parallel_loop3A_306 : vector<16xi1>, vector<16xf32>
        %parallel_loop3A_314 = arith.constant 2.048000e+03 : f32
        %parallel_loop3A_315 = vector.broadcast %parallel_loop3A_314 : f32 to vector<16xf32>
        %parallel_loop3A_316 = arith.mulf %parallel_loop3A_313, %parallel_loop3A_315 : vector<16xf32>
        %parallel_loop3A_317 = arith.fptosi %parallel_loop3A_316 : vector<16xf32> to vector<16xi32>
        %parallel_loop3A_318 = arith.constant 2047 : i32
        %parallel_loop3A_319 = vector.broadcast %parallel_loop3A_318 : i32 to vector<16xi32>
        %parallel_loop3A_320 = arith.minsi %parallel_loop3A_317, %parallel_loop3A_319 : vector<16xi32>
        %parallel_loop3A_321 = arith.constant 49152 : i32
        %parallel_loop3A_322 = arith.constant 10240 : i32
        %parallel_loop3A_323 = vector.broadcast %parallel_loop3A_321 : i32 to vector<16xi32>
        %parallel_loop3A_324 = vector.broadcast %parallel_loop3A_322 : i32 to vector<16xi32>
        %parallel_loop3A_325 = arith.select %parallel_loop3A_309, %parallel_loop3A_323, %parallel_loop3A_324 : vector<16xi1>, vector<16xi32>
        %parallel_loop3A_326 = arith.addi %parallel_loop3A_325, %parallel_loop3A_320 : vector<16xi32>
        %parallel_loop3A_327 = arith.constant true
        %parallel_loop3A_328 = vector.broadcast %parallel_loop3A_327 : i1 to vector<16xi1>
        %parallel_loop3A_329, %parallel_loop3A_330 = tpu.scan_count mask(%parallel_loop3A_328 : vector<16xi1>) value(%parallel_loop3A_326 : vector<16xi32>) : vector<16xi1>, vector<16xi32>
        tpu.vector_store_idx %arg9[%parallel_loop3A_326], %parallel_loop3A_330 masked %parallel_loop3A_329 {add = true} : memref<77824xi32, #tpu.memory_space<vmem>>[vector<16xi32>], vector<16xi32>, vector<16xi1>
        %parallel_loop3A_331 = arith.mulf %parallel_loop3A_97, %parallel_loop3A_178 : vector<16xf32>
        %parallel_loop3A_332 = arith.constant 6 : i32
        %parallel_loop3A_333 = vector.broadcast %parallel_loop3A_332 : i32 to vector<16xi32>
        %parallel_loop3A_334 = arith.cmpi eq, %parallel_loop3A_180, %parallel_loop3A_333 : vector<16xi32>
        %parallel_loop3A_335 = arith.constant 1.000000e+00 : f32
        %parallel_loop3A_336 = vector.broadcast %parallel_loop3A_335 : f32 to vector<16xf32>
        %parallel_loop3A_337 = arith.subf %parallel_loop3A_336, %parallel_loop3A_331 : vector<16xf32>
        %parallel_loop3A_338 = arith.select %parallel_loop3A_334, %parallel_loop3A_337, %parallel_loop3A_331 : vector<16xi1>, vector<16xf32>
        %parallel_loop3A_339 = arith.constant 2.048000e+03 : f32
        %parallel_loop3A_340 = vector.broadcast %parallel_loop3A_339 : f32 to vector<16xf32>
        %parallel_loop3A_341 = arith.mulf %parallel_loop3A_338, %parallel_loop3A_340 : vector<16xf32>
        %parallel_loop3A_342 = arith.fptosi %parallel_loop3A_341 : vector<16xf32> to vector<16xi32>
        %parallel_loop3A_343 = arith.constant 2047 : i32
        %parallel_loop3A_344 = vector.broadcast %parallel_loop3A_343 : i32 to vector<16xi32>
        %parallel_loop3A_345 = arith.minsi %parallel_loop3A_342, %parallel_loop3A_344 : vector<16xi32>
        %parallel_loop3A_346 = arith.constant 51200 : i32
        %parallel_loop3A_347 = arith.constant 12288 : i32
        %parallel_loop3A_348 = vector.broadcast %parallel_loop3A_346 : i32 to vector<16xi32>
        %parallel_loop3A_349 = vector.broadcast %parallel_loop3A_347 : i32 to vector<16xi32>
        %parallel_loop3A_350 = arith.select %parallel_loop3A_334, %parallel_loop3A_348, %parallel_loop3A_349 : vector<16xi1>, vector<16xi32>
        %parallel_loop3A_351 = arith.addi %parallel_loop3A_350, %parallel_loop3A_345 : vector<16xi32>
        %parallel_loop3A_352 = arith.constant true
        %parallel_loop3A_353 = vector.broadcast %parallel_loop3A_352 : i1 to vector<16xi1>
        %parallel_loop3A_354, %parallel_loop3A_355 = tpu.scan_count mask(%parallel_loop3A_353 : vector<16xi1>) value(%parallel_loop3A_351 : vector<16xi32>) : vector<16xi1>, vector<16xi32>
        tpu.vector_store_idx %arg9[%parallel_loop3A_351], %parallel_loop3A_355 masked %parallel_loop3A_354 {add = true} : memref<77824xi32, #tpu.memory_space<vmem>>[vector<16xi32>], vector<16xi32>, vector<16xi1>
        %parallel_loop3A_356 = arith.mulf %parallel_loop3A_102, %parallel_loop3A_178 : vector<16xf32>
        %parallel_loop3A_357 = arith.constant 7 : i32
        %parallel_loop3A_358 = vector.broadcast %parallel_loop3A_357 : i32 to vector<16xi32>
        %parallel_loop3A_359 = arith.cmpi eq, %parallel_loop3A_180, %parallel_loop3A_358 : vector<16xi32>
        %parallel_loop3A_360 = arith.constant 1.000000e+00 : f32
        %parallel_loop3A_361 = vector.broadcast %parallel_loop3A_360 : f32 to vector<16xf32>
        %parallel_loop3A_362 = arith.subf %parallel_loop3A_361, %parallel_loop3A_356 : vector<16xf32>
        %parallel_loop3A_363 = arith.select %parallel_loop3A_359, %parallel_loop3A_362, %parallel_loop3A_356 : vector<16xi1>, vector<16xf32>
        %parallel_loop3A_364 = arith.constant 2.048000e+03 : f32
        %parallel_loop3A_365 = vector.broadcast %parallel_loop3A_364 : f32 to vector<16xf32>
        %parallel_loop3A_366 = arith.mulf %parallel_loop3A_363, %parallel_loop3A_365 : vector<16xf32>
        %parallel_loop3A_367 = arith.fptosi %parallel_loop3A_366 : vector<16xf32> to vector<16xi32>
        %parallel_loop3A_368 = arith.constant 2047 : i32
        %parallel_loop3A_369 = vector.broadcast %parallel_loop3A_368 : i32 to vector<16xi32>
        %parallel_loop3A_370 = arith.minsi %parallel_loop3A_367, %parallel_loop3A_369 : vector<16xi32>
        %parallel_loop3A_371 = arith.constant 53248 : i32
        %parallel_loop3A_372 = arith.constant 14336 : i32
        %parallel_loop3A_373 = vector.broadcast %parallel_loop3A_371 : i32 to vector<16xi32>
        %parallel_loop3A_374 = vector.broadcast %parallel_loop3A_372 : i32 to vector<16xi32>
        %parallel_loop3A_375 = arith.select %parallel_loop3A_359, %parallel_loop3A_373, %parallel_loop3A_374 : vector<16xi1>, vector<16xi32>
        %parallel_loop3A_376 = arith.addi %parallel_loop3A_375, %parallel_loop3A_370 : vector<16xi32>
        %parallel_loop3A_377 = arith.constant true
        %parallel_loop3A_378 = vector.broadcast %parallel_loop3A_377 : i1 to vector<16xi1>
        %parallel_loop3A_379, %parallel_loop3A_380 = tpu.scan_count mask(%parallel_loop3A_378 : vector<16xi1>) value(%parallel_loop3A_376 : vector<16xi32>) : vector<16xi1>, vector<16xi32>
        tpu.vector_store_idx %arg9[%parallel_loop3A_376], %parallel_loop3A_380 masked %parallel_loop3A_379 {add = true} : memref<77824xi32, #tpu.memory_space<vmem>>[vector<16xi32>], vector<16xi32>, vector<16xi1>
        %parallel_loop3A_381 = arith.mulf %parallel_loop3A_107, %parallel_loop3A_178 : vector<16xf32>
        %parallel_loop3A_382 = arith.constant 8 : i32
        %parallel_loop3A_383 = vector.broadcast %parallel_loop3A_382 : i32 to vector<16xi32>
        %parallel_loop3A_384 = arith.cmpi eq, %parallel_loop3A_180, %parallel_loop3A_383 : vector<16xi32>
        %parallel_loop3A_385 = arith.constant 1.000000e+00 : f32
        %parallel_loop3A_386 = vector.broadcast %parallel_loop3A_385 : f32 to vector<16xf32>
        %parallel_loop3A_387 = arith.subf %parallel_loop3A_386, %parallel_loop3A_381 : vector<16xf32>
        %parallel_loop3A_388 = arith.select %parallel_loop3A_384, %parallel_loop3A_387, %parallel_loop3A_381 : vector<16xi1>, vector<16xf32>
        %parallel_loop3A_389 = arith.constant 2.048000e+03 : f32
        %parallel_loop3A_390 = vector.broadcast %parallel_loop3A_389 : f32 to vector<16xf32>
        %parallel_loop3A_391 = arith.mulf %parallel_loop3A_388, %parallel_loop3A_390 : vector<16xf32>
        %parallel_loop3A_392 = arith.fptosi %parallel_loop3A_391 : vector<16xf32> to vector<16xi32>
        %parallel_loop3A_393 = arith.constant 2047 : i32
        %parallel_loop3A_394 = vector.broadcast %parallel_loop3A_393 : i32 to vector<16xi32>
        %parallel_loop3A_395 = arith.minsi %parallel_loop3A_392, %parallel_loop3A_394 : vector<16xi32>
        %parallel_loop3A_396 = arith.constant 55296 : i32
        %parallel_loop3A_397 = arith.constant 16384 : i32
        %parallel_loop3A_398 = vector.broadcast %parallel_loop3A_396 : i32 to vector<16xi32>
        %parallel_loop3A_399 = vector.broadcast %parallel_loop3A_397 : i32 to vector<16xi32>
        %parallel_loop3A_400 = arith.select %parallel_loop3A_384, %parallel_loop3A_398, %parallel_loop3A_399 : vector<16xi1>, vector<16xi32>
        %parallel_loop3A_401 = arith.addi %parallel_loop3A_400, %parallel_loop3A_395 : vector<16xi32>
        %parallel_loop3A_402 = arith.constant true
        %parallel_loop3A_403 = vector.broadcast %parallel_loop3A_402 : i1 to vector<16xi1>
        %parallel_loop3A_404, %parallel_loop3A_405 = tpu.scan_count mask(%parallel_loop3A_403 : vector<16xi1>) value(%parallel_loop3A_401 : vector<16xi32>) : vector<16xi1>, vector<16xi32>
        tpu.vector_store_idx %arg9[%parallel_loop3A_401], %parallel_loop3A_405 masked %parallel_loop3A_404 {add = true} : memref<77824xi32, #tpu.memory_space<vmem>>[vector<16xi32>], vector<16xi32>, vector<16xi1>
        %parallel_loop3A_406 = arith.mulf %parallel_loop3A_112, %parallel_loop3A_178 : vector<16xf32>
        %parallel_loop3A_407 = arith.constant 9 : i32
        %parallel_loop3A_408 = vector.broadcast %parallel_loop3A_407 : i32 to vector<16xi32>
        %parallel_loop3A_409 = arith.cmpi eq, %parallel_loop3A_180, %parallel_loop3A_408 : vector<16xi32>
        %parallel_loop3A_410 = arith.constant 1.000000e+00 : f32
        %parallel_loop3A_411 = vector.broadcast %parallel_loop3A_410 : f32 to vector<16xf32>
        %parallel_loop3A_412 = arith.subf %parallel_loop3A_411, %parallel_loop3A_406 : vector<16xf32>
        %parallel_loop3A_413 = arith.select %parallel_loop3A_409, %parallel_loop3A_412, %parallel_loop3A_406 : vector<16xi1>, vector<16xf32>
        %parallel_loop3A_414 = arith.constant 2.048000e+03 : f32
        %parallel_loop3A_415 = vector.broadcast %parallel_loop3A_414 : f32 to vector<16xf32>
        %parallel_loop3A_416 = arith.mulf %parallel_loop3A_413, %parallel_loop3A_415 : vector<16xf32>
        %parallel_loop3A_417 = arith.fptosi %parallel_loop3A_416 : vector<16xf32> to vector<16xi32>
        %parallel_loop3A_418 = arith.constant 2047 : i32
        %parallel_loop3A_419 = vector.broadcast %parallel_loop3A_418 : i32 to vector<16xi32>
        %parallel_loop3A_420 = arith.minsi %parallel_loop3A_417, %parallel_loop3A_419 : vector<16xi32>
        %parallel_loop3A_421 = arith.constant 57344 : i32
        %parallel_loop3A_422 = arith.constant 18432 : i32
        %parallel_loop3A_423 = vector.broadcast %parallel_loop3A_421 : i32 to vector<16xi32>
        %parallel_loop3A_424 = vector.broadcast %parallel_loop3A_422 : i32 to vector<16xi32>
        %parallel_loop3A_425 = arith.select %parallel_loop3A_409, %parallel_loop3A_423, %parallel_loop3A_424 : vector<16xi1>, vector<16xi32>
        %parallel_loop3A_426 = arith.addi %parallel_loop3A_425, %parallel_loop3A_420 : vector<16xi32>
        %parallel_loop3A_427 = arith.constant true
        %parallel_loop3A_428 = vector.broadcast %parallel_loop3A_427 : i1 to vector<16xi1>
        %parallel_loop3A_429, %parallel_loop3A_430 = tpu.scan_count mask(%parallel_loop3A_428 : vector<16xi1>) value(%parallel_loop3A_426 : vector<16xi32>) : vector<16xi1>, vector<16xi32>
        tpu.vector_store_idx %arg9[%parallel_loop3A_426], %parallel_loop3A_430 masked %parallel_loop3A_429 {add = true} : memref<77824xi32, #tpu.memory_space<vmem>>[vector<16xi32>], vector<16xi32>, vector<16xi1>
        %parallel_loop3A_431 = arith.mulf %parallel_loop3A_117, %parallel_loop3A_178 : vector<16xf32>
        %parallel_loop3A_432 = arith.constant 10 : i32
        %parallel_loop3A_433 = vector.broadcast %parallel_loop3A_432 : i32 to vector<16xi32>
        %parallel_loop3A_434 = arith.cmpi eq, %parallel_loop3A_180, %parallel_loop3A_433 : vector<16xi32>
        %parallel_loop3A_435 = arith.constant 1.000000e+00 : f32
        %parallel_loop3A_436 = vector.broadcast %parallel_loop3A_435 : f32 to vector<16xf32>
        %parallel_loop3A_437 = arith.subf %parallel_loop3A_436, %parallel_loop3A_431 : vector<16xf32>
        %parallel_loop3A_438 = arith.select %parallel_loop3A_434, %parallel_loop3A_437, %parallel_loop3A_431 : vector<16xi1>, vector<16xf32>
        %parallel_loop3A_439 = arith.constant 2.048000e+03 : f32
        %parallel_loop3A_440 = vector.broadcast %parallel_loop3A_439 : f32 to vector<16xf32>
        %parallel_loop3A_441 = arith.mulf %parallel_loop3A_438, %parallel_loop3A_440 : vector<16xf32>
        %parallel_loop3A_442 = arith.fptosi %parallel_loop3A_441 : vector<16xf32> to vector<16xi32>
        %parallel_loop3A_443 = arith.constant 2047 : i32
        %parallel_loop3A_444 = vector.broadcast %parallel_loop3A_443 : i32 to vector<16xi32>
        %parallel_loop3A_445 = arith.minsi %parallel_loop3A_442, %parallel_loop3A_444 : vector<16xi32>
        %parallel_loop3A_446 = arith.constant 59392 : i32
        %parallel_loop3A_447 = arith.constant 20480 : i32
        %parallel_loop3A_448 = vector.broadcast %parallel_loop3A_446 : i32 to vector<16xi32>
        %parallel_loop3A_449 = vector.broadcast %parallel_loop3A_447 : i32 to vector<16xi32>
        %parallel_loop3A_450 = arith.select %parallel_loop3A_434, %parallel_loop3A_448, %parallel_loop3A_449 : vector<16xi1>, vector<16xi32>
        %parallel_loop3A_451 = arith.addi %parallel_loop3A_450, %parallel_loop3A_445 : vector<16xi32>
        %parallel_loop3A_452 = arith.constant true
        %parallel_loop3A_453 = vector.broadcast %parallel_loop3A_452 : i1 to vector<16xi1>
        %parallel_loop3A_454, %parallel_loop3A_455 = tpu.scan_count mask(%parallel_loop3A_453 : vector<16xi1>) value(%parallel_loop3A_451 : vector<16xi32>) : vector<16xi1>, vector<16xi32>
        tpu.vector_store_idx %arg9[%parallel_loop3A_451], %parallel_loop3A_455 masked %parallel_loop3A_454 {add = true} : memref<77824xi32, #tpu.memory_space<vmem>>[vector<16xi32>], vector<16xi32>, vector<16xi1>
        %parallel_loop3A_456 = arith.mulf %parallel_loop3A_122, %parallel_loop3A_178 : vector<16xf32>
        %parallel_loop3A_457 = arith.constant 11 : i32
        %parallel_loop3A_458 = vector.broadcast %parallel_loop3A_457 : i32 to vector<16xi32>
        %parallel_loop3A_459 = arith.cmpi eq, %parallel_loop3A_180, %parallel_loop3A_458 : vector<16xi32>
        %parallel_loop3A_460 = arith.constant 1.000000e+00 : f32
        %parallel_loop3A_461 = vector.broadcast %parallel_loop3A_460 : f32 to vector<16xf32>
        %parallel_loop3A_462 = arith.subf %parallel_loop3A_461, %parallel_loop3A_456 : vector<16xf32>
        %parallel_loop3A_463 = arith.select %parallel_loop3A_459, %parallel_loop3A_462, %parallel_loop3A_456 : vector<16xi1>, vector<16xf32>
        %parallel_loop3A_464 = arith.constant 2.048000e+03 : f32
        %parallel_loop3A_465 = vector.broadcast %parallel_loop3A_464 : f32 to vector<16xf32>
        %parallel_loop3A_466 = arith.mulf %parallel_loop3A_463, %parallel_loop3A_465 : vector<16xf32>
        %parallel_loop3A_467 = arith.fptosi %parallel_loop3A_466 : vector<16xf32> to vector<16xi32>
        %parallel_loop3A_468 = arith.constant 2047 : i32
        %parallel_loop3A_469 = vector.broadcast %parallel_loop3A_468 : i32 to vector<16xi32>
        %parallel_loop3A_470 = arith.minsi %parallel_loop3A_467, %parallel_loop3A_469 : vector<16xi32>
        %parallel_loop3A_471 = arith.constant 61440 : i32
        %parallel_loop3A_472 = arith.constant 22528 : i32
        %parallel_loop3A_473 = vector.broadcast %parallel_loop3A_471 : i32 to vector<16xi32>
        %parallel_loop3A_474 = vector.broadcast %parallel_loop3A_472 : i32 to vector<16xi32>
        %parallel_loop3A_475 = arith.select %parallel_loop3A_459, %parallel_loop3A_473, %parallel_loop3A_474 : vector<16xi1>, vector<16xi32>
        %parallel_loop3A_476 = arith.addi %parallel_loop3A_475, %parallel_loop3A_470 : vector<16xi32>
        %parallel_loop3A_477 = arith.constant true
        %parallel_loop3A_478 = vector.broadcast %parallel_loop3A_477 : i1 to vector<16xi1>
        %parallel_loop3A_479, %parallel_loop3A_480 = tpu.scan_count mask(%parallel_loop3A_478 : vector<16xi1>) value(%parallel_loop3A_476 : vector<16xi32>) : vector<16xi1>, vector<16xi32>
        tpu.vector_store_idx %arg9[%parallel_loop3A_476], %parallel_loop3A_480 masked %parallel_loop3A_479 {add = true} : memref<77824xi32, #tpu.memory_space<vmem>>[vector<16xi32>], vector<16xi32>, vector<16xi1>
        %parallel_loop3A_481 = arith.mulf %parallel_loop3A_127, %parallel_loop3A_178 : vector<16xf32>
        %parallel_loop3A_482 = arith.constant 12 : i32
        %parallel_loop3A_483 = vector.broadcast %parallel_loop3A_482 : i32 to vector<16xi32>
        %parallel_loop3A_484 = arith.cmpi eq, %parallel_loop3A_180, %parallel_loop3A_483 : vector<16xi32>
        %parallel_loop3A_485 = arith.constant 1.000000e+00 : f32
        %parallel_loop3A_486 = vector.broadcast %parallel_loop3A_485 : f32 to vector<16xf32>
        %parallel_loop3A_487 = arith.subf %parallel_loop3A_486, %parallel_loop3A_481 : vector<16xf32>
        %parallel_loop3A_488 = arith.select %parallel_loop3A_484, %parallel_loop3A_487, %parallel_loop3A_481 : vector<16xi1>, vector<16xf32>
        %parallel_loop3A_489 = arith.constant 2.048000e+03 : f32
        %parallel_loop3A_490 = vector.broadcast %parallel_loop3A_489 : f32 to vector<16xf32>
        %parallel_loop3A_491 = arith.mulf %parallel_loop3A_488, %parallel_loop3A_490 : vector<16xf32>
        %parallel_loop3A_492 = arith.fptosi %parallel_loop3A_491 : vector<16xf32> to vector<16xi32>
        %parallel_loop3A_493 = arith.constant 2047 : i32
        %parallel_loop3A_494 = vector.broadcast %parallel_loop3A_493 : i32 to vector<16xi32>
        %parallel_loop3A_495 = arith.minsi %parallel_loop3A_492, %parallel_loop3A_494 : vector<16xi32>
        %parallel_loop3A_496 = arith.constant 63488 : i32
        %parallel_loop3A_497 = arith.constant 24576 : i32
        %parallel_loop3A_498 = vector.broadcast %parallel_loop3A_496 : i32 to vector<16xi32>
        %parallel_loop3A_499 = vector.broadcast %parallel_loop3A_497 : i32 to vector<16xi32>
        %parallel_loop3A_500 = arith.select %parallel_loop3A_484, %parallel_loop3A_498, %parallel_loop3A_499 : vector<16xi1>, vector<16xi32>
        %parallel_loop3A_501 = arith.addi %parallel_loop3A_500, %parallel_loop3A_495 : vector<16xi32>
        %parallel_loop3A_502 = arith.constant true
        %parallel_loop3A_503 = vector.broadcast %parallel_loop3A_502 : i1 to vector<16xi1>
        %parallel_loop3A_504, %parallel_loop3A_505 = tpu.scan_count mask(%parallel_loop3A_503 : vector<16xi1>) value(%parallel_loop3A_501 : vector<16xi32>) : vector<16xi1>, vector<16xi32>
        tpu.vector_store_idx %arg9[%parallel_loop3A_501], %parallel_loop3A_505 masked %parallel_loop3A_504 {add = true} : memref<77824xi32, #tpu.memory_space<vmem>>[vector<16xi32>], vector<16xi32>, vector<16xi1>
        %parallel_loop3A_506 = arith.mulf %parallel_loop3A_132, %parallel_loop3A_178 : vector<16xf32>
        %parallel_loop3A_507 = arith.constant 13 : i32
        %parallel_loop3A_508 = vector.broadcast %parallel_loop3A_507 : i32 to vector<16xi32>
        %parallel_loop3A_509 = arith.cmpi eq, %parallel_loop3A_180, %parallel_loop3A_508 : vector<16xi32>
        %parallel_loop3A_510 = arith.constant 1.000000e+00 : f32
        %parallel_loop3A_511 = vector.broadcast %parallel_loop3A_510 : f32 to vector<16xf32>
        %parallel_loop3A_512 = arith.subf %parallel_loop3A_511, %parallel_loop3A_506 : vector<16xf32>
        %parallel_loop3A_513 = arith.select %parallel_loop3A_509, %parallel_loop3A_512, %parallel_loop3A_506 : vector<16xi1>, vector<16xf32>
        %parallel_loop3A_514 = arith.constant 2.048000e+03 : f32
        %parallel_loop3A_515 = vector.broadcast %parallel_loop3A_514 : f32 to vector<16xf32>
        %parallel_loop3A_516 = arith.mulf %parallel_loop3A_513, %parallel_loop3A_515 : vector<16xf32>
        %parallel_loop3A_517 = arith.fptosi %parallel_loop3A_516 : vector<16xf32> to vector<16xi32>
        %parallel_loop3A_518 = arith.constant 2047 : i32
        %parallel_loop3A_519 = vector.broadcast %parallel_loop3A_518 : i32 to vector<16xi32>
        %parallel_loop3A_520 = arith.minsi %parallel_loop3A_517, %parallel_loop3A_519 : vector<16xi32>
        %parallel_loop3A_521 = arith.constant 65536 : i32
        %parallel_loop3A_522 = arith.constant 26624 : i32
        %parallel_loop3A_523 = vector.broadcast %parallel_loop3A_521 : i32 to vector<16xi32>
        %parallel_loop3A_524 = vector.broadcast %parallel_loop3A_522 : i32 to vector<16xi32>
        %parallel_loop3A_525 = arith.select %parallel_loop3A_509, %parallel_loop3A_523, %parallel_loop3A_524 : vector<16xi1>, vector<16xi32>
        %parallel_loop3A_526 = arith.addi %parallel_loop3A_525, %parallel_loop3A_520 : vector<16xi32>
        %parallel_loop3A_527 = arith.constant true
        %parallel_loop3A_528 = vector.broadcast %parallel_loop3A_527 : i1 to vector<16xi1>
        %parallel_loop3A_529, %parallel_loop3A_530 = tpu.scan_count mask(%parallel_loop3A_528 : vector<16xi1>) value(%parallel_loop3A_526 : vector<16xi32>) : vector<16xi1>, vector<16xi32>
        tpu.vector_store_idx %arg9[%parallel_loop3A_526], %parallel_loop3A_530 masked %parallel_loop3A_529 {add = true} : memref<77824xi32, #tpu.memory_space<vmem>>[vector<16xi32>], vector<16xi32>, vector<16xi1>
        %parallel_loop3A_531 = arith.mulf %parallel_loop3A_137, %parallel_loop3A_178 : vector<16xf32>
        %parallel_loop3A_532 = arith.constant 14 : i32
        %parallel_loop3A_533 = vector.broadcast %parallel_loop3A_532 : i32 to vector<16xi32>
        %parallel_loop3A_534 = arith.cmpi eq, %parallel_loop3A_180, %parallel_loop3A_533 : vector<16xi32>
        %parallel_loop3A_535 = arith.constant 1.000000e+00 : f32
        %parallel_loop3A_536 = vector.broadcast %parallel_loop3A_535 : f32 to vector<16xf32>
        %parallel_loop3A_537 = arith.subf %parallel_loop3A_536, %parallel_loop3A_531 : vector<16xf32>
        %parallel_loop3A_538 = arith.select %parallel_loop3A_534, %parallel_loop3A_537, %parallel_loop3A_531 : vector<16xi1>, vector<16xf32>
        %parallel_loop3A_539 = arith.constant 2.048000e+03 : f32
        %parallel_loop3A_540 = vector.broadcast %parallel_loop3A_539 : f32 to vector<16xf32>
        %parallel_loop3A_541 = arith.mulf %parallel_loop3A_538, %parallel_loop3A_540 : vector<16xf32>
        %parallel_loop3A_542 = arith.fptosi %parallel_loop3A_541 : vector<16xf32> to vector<16xi32>
        %parallel_loop3A_543 = arith.constant 2047 : i32
        %parallel_loop3A_544 = vector.broadcast %parallel_loop3A_543 : i32 to vector<16xi32>
        %parallel_loop3A_545 = arith.minsi %parallel_loop3A_542, %parallel_loop3A_544 : vector<16xi32>
        %parallel_loop3A_546 = arith.constant 67584 : i32
        %parallel_loop3A_547 = arith.constant 28672 : i32
        %parallel_loop3A_548 = vector.broadcast %parallel_loop3A_546 : i32 to vector<16xi32>
        %parallel_loop3A_549 = vector.broadcast %parallel_loop3A_547 : i32 to vector<16xi32>
        %parallel_loop3A_550 = arith.select %parallel_loop3A_534, %parallel_loop3A_548, %parallel_loop3A_549 : vector<16xi1>, vector<16xi32>
        %parallel_loop3A_551 = arith.addi %parallel_loop3A_550, %parallel_loop3A_545 : vector<16xi32>
        %parallel_loop3A_552 = arith.constant true
        %parallel_loop3A_553 = vector.broadcast %parallel_loop3A_552 : i1 to vector<16xi1>
        %parallel_loop3A_554, %parallel_loop3A_555 = tpu.scan_count mask(%parallel_loop3A_553 : vector<16xi1>) value(%parallel_loop3A_551 : vector<16xi32>) : vector<16xi1>, vector<16xi32>
        tpu.vector_store_idx %arg9[%parallel_loop3A_551], %parallel_loop3A_555 masked %parallel_loop3A_554 {add = true} : memref<77824xi32, #tpu.memory_space<vmem>>[vector<16xi32>], vector<16xi32>, vector<16xi1>
        %parallel_loop3A_556 = arith.mulf %parallel_loop3A_142, %parallel_loop3A_178 : vector<16xf32>
        %parallel_loop3A_557 = arith.constant 15 : i32
        %parallel_loop3A_558 = vector.broadcast %parallel_loop3A_557 : i32 to vector<16xi32>
        %parallel_loop3A_559 = arith.cmpi eq, %parallel_loop3A_180, %parallel_loop3A_558 : vector<16xi32>
        %parallel_loop3A_560 = arith.constant 1.000000e+00 : f32
        %parallel_loop3A_561 = vector.broadcast %parallel_loop3A_560 : f32 to vector<16xf32>
        %parallel_loop3A_562 = arith.subf %parallel_loop3A_561, %parallel_loop3A_556 : vector<16xf32>
        %parallel_loop3A_563 = arith.select %parallel_loop3A_559, %parallel_loop3A_562, %parallel_loop3A_556 : vector<16xi1>, vector<16xf32>
        %parallel_loop3A_564 = arith.constant 2.048000e+03 : f32
        %parallel_loop3A_565 = vector.broadcast %parallel_loop3A_564 : f32 to vector<16xf32>
        %parallel_loop3A_566 = arith.mulf %parallel_loop3A_563, %parallel_loop3A_565 : vector<16xf32>
        %parallel_loop3A_567 = arith.fptosi %parallel_loop3A_566 : vector<16xf32> to vector<16xi32>
        %parallel_loop3A_568 = arith.constant 2047 : i32
        %parallel_loop3A_569 = vector.broadcast %parallel_loop3A_568 : i32 to vector<16xi32>
        %parallel_loop3A_570 = arith.minsi %parallel_loop3A_567, %parallel_loop3A_569 : vector<16xi32>
        %parallel_loop3A_571 = arith.constant 69632 : i32
        %parallel_loop3A_572 = arith.constant 30720 : i32
        %parallel_loop3A_573 = vector.broadcast %parallel_loop3A_571 : i32 to vector<16xi32>
        %parallel_loop3A_574 = vector.broadcast %parallel_loop3A_572 : i32 to vector<16xi32>
        %parallel_loop3A_575 = arith.select %parallel_loop3A_559, %parallel_loop3A_573, %parallel_loop3A_574 : vector<16xi1>, vector<16xi32>
        %parallel_loop3A_576 = arith.addi %parallel_loop3A_575, %parallel_loop3A_570 : vector<16xi32>
        %parallel_loop3A_577 = arith.constant true
        %parallel_loop3A_578 = vector.broadcast %parallel_loop3A_577 : i1 to vector<16xi1>
        %parallel_loop3A_579, %parallel_loop3A_580 = tpu.scan_count mask(%parallel_loop3A_578 : vector<16xi1>) value(%parallel_loop3A_576 : vector<16xi32>) : vector<16xi1>, vector<16xi32>
        tpu.vector_store_idx %arg9[%parallel_loop3A_576], %parallel_loop3A_580 masked %parallel_loop3A_579 {add = true} : memref<77824xi32, #tpu.memory_space<vmem>>[vector<16xi32>], vector<16xi32>, vector<16xi1>
        %parallel_loop3A_581 = arith.mulf %parallel_loop3A_147, %parallel_loop3A_178 : vector<16xf32>
        %parallel_loop3A_582 = arith.constant 16 : i32
        %parallel_loop3A_583 = vector.broadcast %parallel_loop3A_582 : i32 to vector<16xi32>
        %parallel_loop3A_584 = arith.cmpi eq, %parallel_loop3A_180, %parallel_loop3A_583 : vector<16xi32>
        %parallel_loop3A_585 = arith.constant 1.000000e+00 : f32
        %parallel_loop3A_586 = vector.broadcast %parallel_loop3A_585 : f32 to vector<16xf32>
        %parallel_loop3A_587 = arith.subf %parallel_loop3A_586, %parallel_loop3A_581 : vector<16xf32>
        %parallel_loop3A_588 = arith.select %parallel_loop3A_584, %parallel_loop3A_587, %parallel_loop3A_581 : vector<16xi1>, vector<16xf32>
        %parallel_loop3A_589 = arith.constant 2.048000e+03 : f32
        %parallel_loop3A_590 = vector.broadcast %parallel_loop3A_589 : f32 to vector<16xf32>
        %parallel_loop3A_591 = arith.mulf %parallel_loop3A_588, %parallel_loop3A_590 : vector<16xf32>
        %parallel_loop3A_592 = arith.fptosi %parallel_loop3A_591 : vector<16xf32> to vector<16xi32>
        %parallel_loop3A_593 = arith.constant 2047 : i32
        %parallel_loop3A_594 = vector.broadcast %parallel_loop3A_593 : i32 to vector<16xi32>
        %parallel_loop3A_595 = arith.minsi %parallel_loop3A_592, %parallel_loop3A_594 : vector<16xi32>
        %parallel_loop3A_596 = arith.constant 71680 : i32
        %parallel_loop3A_597 = arith.constant 32768 : i32
        %parallel_loop3A_598 = vector.broadcast %parallel_loop3A_596 : i32 to vector<16xi32>
        %parallel_loop3A_599 = vector.broadcast %parallel_loop3A_597 : i32 to vector<16xi32>
        %parallel_loop3A_600 = arith.select %parallel_loop3A_584, %parallel_loop3A_598, %parallel_loop3A_599 : vector<16xi1>, vector<16xi32>
        %parallel_loop3A_601 = arith.addi %parallel_loop3A_600, %parallel_loop3A_595 : vector<16xi32>
        %parallel_loop3A_602 = arith.constant true
        %parallel_loop3A_603 = vector.broadcast %parallel_loop3A_602 : i1 to vector<16xi1>
        %parallel_loop3A_604, %parallel_loop3A_605 = tpu.scan_count mask(%parallel_loop3A_603 : vector<16xi1>) value(%parallel_loop3A_601 : vector<16xi32>) : vector<16xi1>, vector<16xi32>
        tpu.vector_store_idx %arg9[%parallel_loop3A_601], %parallel_loop3A_605 masked %parallel_loop3A_604 {add = true} : memref<77824xi32, #tpu.memory_space<vmem>>[vector<16xi32>], vector<16xi32>, vector<16xi1>
        %parallel_loop3A_606 = arith.mulf %parallel_loop3A_152, %parallel_loop3A_178 : vector<16xf32>
        %parallel_loop3A_607 = arith.constant 17 : i32
        %parallel_loop3A_608 = vector.broadcast %parallel_loop3A_607 : i32 to vector<16xi32>
        %parallel_loop3A_609 = arith.cmpi eq, %parallel_loop3A_180, %parallel_loop3A_608 : vector<16xi32>
        %parallel_loop3A_610 = arith.constant 1.000000e+00 : f32
        %parallel_loop3A_611 = vector.broadcast %parallel_loop3A_610 : f32 to vector<16xf32>
        %parallel_loop3A_612 = arith.subf %parallel_loop3A_611, %parallel_loop3A_606 : vector<16xf32>
        %parallel_loop3A_613 = arith.select %parallel_loop3A_609, %parallel_loop3A_612, %parallel_loop3A_606 : vector<16xi1>, vector<16xf32>
        %parallel_loop3A_614 = arith.constant 2.048000e+03 : f32
        %parallel_loop3A_615 = vector.broadcast %parallel_loop3A_614 : f32 to vector<16xf32>
        %parallel_loop3A_616 = arith.mulf %parallel_loop3A_613, %parallel_loop3A_615 : vector<16xf32>
        %parallel_loop3A_617 = arith.fptosi %parallel_loop3A_616 : vector<16xf32> to vector<16xi32>
        %parallel_loop3A_618 = arith.constant 2047 : i32
        %parallel_loop3A_619 = vector.broadcast %parallel_loop3A_618 : i32 to vector<16xi32>
        %parallel_loop3A_620 = arith.minsi %parallel_loop3A_617, %parallel_loop3A_619 : vector<16xi32>
        %parallel_loop3A_621 = arith.constant 73728 : i32
        %parallel_loop3A_622 = arith.constant 34816 : i32
        %parallel_loop3A_623 = vector.broadcast %parallel_loop3A_621 : i32 to vector<16xi32>
        %parallel_loop3A_624 = vector.broadcast %parallel_loop3A_622 : i32 to vector<16xi32>
        %parallel_loop3A_625 = arith.select %parallel_loop3A_609, %parallel_loop3A_623, %parallel_loop3A_624 : vector<16xi1>, vector<16xi32>
        %parallel_loop3A_626 = arith.addi %parallel_loop3A_625, %parallel_loop3A_620 : vector<16xi32>
        %parallel_loop3A_627 = arith.constant true
        %parallel_loop3A_628 = vector.broadcast %parallel_loop3A_627 : i1 to vector<16xi1>
        %parallel_loop3A_629, %parallel_loop3A_630 = tpu.scan_count mask(%parallel_loop3A_628 : vector<16xi1>) value(%parallel_loop3A_626 : vector<16xi32>) : vector<16xi1>, vector<16xi32>
        tpu.vector_store_idx %arg9[%parallel_loop3A_626], %parallel_loop3A_630 masked %parallel_loop3A_629 {add = true} : memref<77824xi32, #tpu.memory_space<vmem>>[vector<16xi32>], vector<16xi32>, vector<16xi1>
        %parallel_loop3A_631 = arith.mulf %parallel_loop3A_157, %parallel_loop3A_178 : vector<16xf32>
        %parallel_loop3A_632 = arith.constant 18 : i32
        %parallel_loop3A_633 = vector.broadcast %parallel_loop3A_632 : i32 to vector<16xi32>
        %parallel_loop3A_634 = arith.cmpi eq, %parallel_loop3A_180, %parallel_loop3A_633 : vector<16xi32>
        %parallel_loop3A_635 = arith.constant 1.000000e+00 : f32
        %parallel_loop3A_636 = vector.broadcast %parallel_loop3A_635 : f32 to vector<16xf32>
        %parallel_loop3A_637 = arith.subf %parallel_loop3A_636, %parallel_loop3A_631 : vector<16xf32>
        %parallel_loop3A_638 = arith.select %parallel_loop3A_634, %parallel_loop3A_637, %parallel_loop3A_631 : vector<16xi1>, vector<16xf32>
        %parallel_loop3A_639 = arith.constant 2.048000e+03 : f32
        %parallel_loop3A_640 = vector.broadcast %parallel_loop3A_639 : f32 to vector<16xf32>
        %parallel_loop3A_641 = arith.mulf %parallel_loop3A_638, %parallel_loop3A_640 : vector<16xf32>
        %parallel_loop3A_642 = arith.fptosi %parallel_loop3A_641 : vector<16xf32> to vector<16xi32>
        %parallel_loop3A_643 = arith.constant 2047 : i32
        %parallel_loop3A_644 = vector.broadcast %parallel_loop3A_643 : i32 to vector<16xi32>
        %parallel_loop3A_645 = arith.minsi %parallel_loop3A_642, %parallel_loop3A_644 : vector<16xi32>
        %parallel_loop3A_646 = arith.constant 75776 : i32
        %parallel_loop3A_647 = arith.constant 36864 : i32
        %parallel_loop3A_648 = vector.broadcast %parallel_loop3A_646 : i32 to vector<16xi32>
        %parallel_loop3A_649 = vector.broadcast %parallel_loop3A_647 : i32 to vector<16xi32>
        %parallel_loop3A_650 = arith.select %parallel_loop3A_634, %parallel_loop3A_648, %parallel_loop3A_649 : vector<16xi1>, vector<16xi32>
        %parallel_loop3A_651 = arith.addi %parallel_loop3A_650, %parallel_loop3A_645 : vector<16xi32>
        %parallel_loop3A_652 = arith.constant true
        %parallel_loop3A_653 = vector.broadcast %parallel_loop3A_652 : i1 to vector<16xi1>
        %parallel_loop3A_654, %parallel_loop3A_655 = tpu.scan_count mask(%parallel_loop3A_653 : vector<16xi1>) value(%parallel_loop3A_651 : vector<16xi32>) : vector<16xi1>, vector<16xi32>
        tpu.vector_store_idx %arg9[%parallel_loop3A_651], %parallel_loop3A_655 masked %parallel_loop3A_654 {add = true} : memref<77824xi32, #tpu.memory_space<vmem>>[vector<16xi32>], vector<16xi32>, vector<16xi1>
      } {sc.loop_unroll_factor = 1 : i64, sc.parallel_access}
      %add3A_47 = arith.constant 1 : i32
      %add3A_48 = arith.addi %scan3A_22, %add3A_47 : i32
      %lt3A = arith.constant 16 : i32
      %lt3A_49 = arith.cmpi slt, %add3A_48, %lt3A : i32
      %convert_element_type3A = arith.extui %lt3A_49 : i1 to i32
      %cond3A = arith.constant 0 : i32
      %cond3A_50 = arith.cmpi ne, %convert_element_type3A, %cond3A : i32
      scf.if %cond3A_50 {
        %mul3A_60 = arith.constant 2 : i32
        %mul3A_61 = arith.muli %mul3A_60, %scan3A_22 : i32
        %add3A_62 = arith.constant 2 : i32
        %add3A_63 = arith.addi %mul3A_61, %add3A_62 : i32
        %mul3A_64 = arith.constant 1024 : i32
        %mul3A_65 = arith.muli %add3A_63, %mul3A_64 : i32
        %add3A_66 = arith.addi %mul3A_8, %mul3A_65 : i32
        %dma_start3A_67 = arith.constant 0 : i32
        %dma_start3A_68 = tpu.memref_slice %arg2[%dma_start3A_67, %add3A_66] : memref<19x1048576xf32, #tpu.memory_space<hbm>> -> memref<19x1024xf32, #tpu.memory_space<hbm>>
        %dma_start3A_69 = arith.constant 0 : i32
        %dma_start3A_70 = tpu.memref_slice %arg2[%dma_start3A_69, %add3A_66] : memref<19x1048576xf32, #tpu.memory_space<hbm>> -> memref<19x1024xf32, #tpu.memory_space<hbm>>
        tpu.enqueue_dma source(%dma_start3A_70 : memref<19x1024xf32, #tpu.memory_space<hbm>>) target(%arg5 : memref<19x1024xf32, #tpu.memory_space<vmem>>) target_semaphore(%arg10 : memref<!tpu.dma_semaphore, #tpu.memory_space<semaphore_mem>>)
        %dma_start3A_71 = tpu.memref_slice %arg3[%add3A_66] : memref<1048576xi32, #tpu.memory_space<hbm>> -> memref<1024xi32, #tpu.memory_space<hbm>>
        %dma_start3A_72 = tpu.memref_slice %arg3[%add3A_66] : memref<1048576xi32, #tpu.memory_space<hbm>> -> memref<1024xi32, #tpu.memory_space<hbm>>
        tpu.enqueue_dma source(%dma_start3A_72 : memref<1024xi32, #tpu.memory_space<hbm>>) target(%arg6 : memref<1024xi32, #tpu.memory_space<vmem>>) target_semaphore(%arg11 : memref<!tpu.dma_semaphore, #tpu.memory_space<semaphore_mem>>)
      } else {
      }
      %dma_wait3A_51 = arith.constant 0 : i32
      %dma_wait3A_52 = tpu.memref_slice %arg2[%dma_wait3A_51, %add3A_29] : memref<19x1048576xf32, #tpu.memory_space<hbm>> -> memref<19x1024xf32, #tpu.memory_space<hbm>>
      %dma_wait3A_53 = arith.constant 0 : i32
      %dma_wait3A_54 = tpu.memref_slice %arg2[%dma_wait3A_53, %add3A_29] : memref<19x1048576xf32, #tpu.memory_space<hbm>> -> memref<19x1024xf32, #tpu.memory_space<hbm>>
      tpu.wait_dma2 semaphore(%arg12 : memref<!tpu.dma_semaphore, #tpu.memory_space<semaphore_mem>>) src(%dma_wait3A_54 : memref<19x1024xf32, #tpu.memory_space<hbm>>) dst(%arg7 : memref<19x1024xf32, #tpu.memory_space<vmem>>)
      %dma_wait3A_55 = tpu.memref_slice %arg3[%add3A_29] : memref<1048576xi32, #tpu.memory_space<hbm>> -> memref<1024xi32, #tpu.memory_space<hbm>>
      %dma_wait3A_56 = tpu.memref_slice %arg3[%add3A_29] : memref<1048576xi32, #tpu.memory_space<hbm>> -> memref<1024xi32, #tpu.memory_space<hbm>>
      tpu.wait_dma2 semaphore(%arg13 : memref<!tpu.dma_semaphore, #tpu.memory_space<semaphore_mem>>) src(%dma_wait3A_56 : memref<1024xi32, #tpu.memory_space<hbm>>) dst(%arg8 : memref<1024xi32, #tpu.memory_space<vmem>>)
      %parallel_loop3A_57 = arith.constant 0 : i32
      %parallel_loop3A_58 = arith.constant 64 : i32
      %parallel_loop3A_59 = arith.constant 1 : i32
      scf.for %parallel_loop3A_60 = %parallel_loop3A_57 to %parallel_loop3A_58 step %parallel_loop3A_59  : i32 {
        %parallel_loop3A_61 = arith.constant 16 : i32
        %parallel_loop3A_62 = arith.muli %parallel_loop3A_60, %parallel_loop3A_61 : i32
        %parallel_loop3A_63 = arith.constant 0 : i32
        %parallel_loop3A_64 = arith.index_cast %parallel_loop3A_63 : i32 to index
        %parallel_loop3A_65 = arith.index_cast %parallel_loop3A_62 : i32 to index
        %parallel_loop3A_66 = tpu.vector_load %arg7[%parallel_loop3A_64, %parallel_loop3A_65] {strides = array<i32>} : memref<19x1024xf32, #tpu.memory_space<vmem>>, vector<16xf32>,
        %parallel_loop3A_67 = math.exp %parallel_loop3A_66 : vector<16xf32>
        %parallel_loop3A_68 = arith.constant 1 : i32
        %parallel_loop3A_69 = arith.index_cast %parallel_loop3A_68 : i32 to index
        %parallel_loop3A_70 = arith.index_cast %parallel_loop3A_62 : i32 to index
        %parallel_loop3A_71 = tpu.vector_load %arg7[%parallel_loop3A_69, %parallel_loop3A_70] {strides = array<i32>} : memref<19x1024xf32, #tpu.memory_space<vmem>>, vector<16xf32>,
        %parallel_loop3A_72 = math.exp %parallel_loop3A_71 : vector<16xf32>
        %parallel_loop3A_73 = arith.constant 2 : i32
        %parallel_loop3A_74 = arith.index_cast %parallel_loop3A_73 : i32 to index
        %parallel_loop3A_75 = arith.index_cast %parallel_loop3A_62 : i32 to index
        %parallel_loop3A_76 = tpu.vector_load %arg7[%parallel_loop3A_74, %parallel_loop3A_75] {strides = array<i32>} : memref<19x1024xf32, #tpu.memory_space<vmem>>, vector<16xf32>,
        %parallel_loop3A_77 = math.exp %parallel_loop3A_76 : vector<16xf32>
        %parallel_loop3A_78 = arith.constant 3 : i32
        %parallel_loop3A_79 = arith.index_cast %parallel_loop3A_78 : i32 to index
        %parallel_loop3A_80 = arith.index_cast %parallel_loop3A_62 : i32 to index
        %parallel_loop3A_81 = tpu.vector_load %arg7[%parallel_loop3A_79, %parallel_loop3A_80] {strides = array<i32>} : memref<19x1024xf32, #tpu.memory_space<vmem>>, vector<16xf32>,
        %parallel_loop3A_82 = math.exp %parallel_loop3A_81 : vector<16xf32>
        %parallel_loop3A_83 = arith.constant 4 : i32
        %parallel_loop3A_84 = arith.index_cast %parallel_loop3A_83 : i32 to index
        %parallel_loop3A_85 = arith.index_cast %parallel_loop3A_62 : i32 to index
        %parallel_loop3A_86 = tpu.vector_load %arg7[%parallel_loop3A_84, %parallel_loop3A_85] {strides = array<i32>} : memref<19x1024xf32, #tpu.memory_space<vmem>>, vector<16xf32>,
        %parallel_loop3A_87 = math.exp %parallel_loop3A_86 : vector<16xf32>
        %parallel_loop3A_88 = arith.constant 5 : i32
        %parallel_loop3A_89 = arith.index_cast %parallel_loop3A_88 : i32 to index
        %parallel_loop3A_90 = arith.index_cast %parallel_loop3A_62 : i32 to index
        %parallel_loop3A_91 = tpu.vector_load %arg7[%parallel_loop3A_89, %parallel_loop3A_90] {strides = array<i32>} : memref<19x1024xf32, #tpu.memory_space<vmem>>, vector<16xf32>,
        %parallel_loop3A_92 = math.exp %parallel_loop3A_91 : vector<16xf32>
        %parallel_loop3A_93 = arith.constant 6 : i32
        %parallel_loop3A_94 = arith.index_cast %parallel_loop3A_93 : i32 to index
        %parallel_loop3A_95 = arith.index_cast %parallel_loop3A_62 : i32 to index
        %parallel_loop3A_96 = tpu.vector_load %arg7[%parallel_loop3A_94, %parallel_loop3A_95] {strides = array<i32>} : memref<19x1024xf32, #tpu.memory_space<vmem>>, vector<16xf32>,
        %parallel_loop3A_97 = math.exp %parallel_loop3A_96 : vector<16xf32>
        %parallel_loop3A_98 = arith.constant 7 : i32
        %parallel_loop3A_99 = arith.index_cast %parallel_loop3A_98 : i32 to index
        %parallel_loop3A_100 = arith.index_cast %parallel_loop3A_62 : i32 to index
        %parallel_loop3A_101 = tpu.vector_load %arg7[%parallel_loop3A_99, %parallel_loop3A_100] {strides = array<i32>} : memref<19x1024xf32, #tpu.memory_space<vmem>>, vector<16xf32>,
        %parallel_loop3A_102 = math.exp %parallel_loop3A_101 : vector<16xf32>
        %parallel_loop3A_103 = arith.constant 8 : i32
        %parallel_loop3A_104 = arith.index_cast %parallel_loop3A_103 : i32 to index
        %parallel_loop3A_105 = arith.index_cast %parallel_loop3A_62 : i32 to index
        %parallel_loop3A_106 = tpu.vector_load %arg7[%parallel_loop3A_104, %parallel_loop3A_105] {strides = array<i32>} : memref<19x1024xf32, #tpu.memory_space<vmem>>, vector<16xf32>,
        %parallel_loop3A_107 = math.exp %parallel_loop3A_106 : vector<16xf32>
        %parallel_loop3A_108 = arith.constant 9 : i32
        %parallel_loop3A_109 = arith.index_cast %parallel_loop3A_108 : i32 to index
        %parallel_loop3A_110 = arith.index_cast %parallel_loop3A_62 : i32 to index
        %parallel_loop3A_111 = tpu.vector_load %arg7[%parallel_loop3A_109, %parallel_loop3A_110] {strides = array<i32>} : memref<19x1024xf32, #tpu.memory_space<vmem>>, vector<16xf32>,
        %parallel_loop3A_112 = math.exp %parallel_loop3A_111 : vector<16xf32>
        %parallel_loop3A_113 = arith.constant 10 : i32
        %parallel_loop3A_114 = arith.index_cast %parallel_loop3A_113 : i32 to index
        %parallel_loop3A_115 = arith.index_cast %parallel_loop3A_62 : i32 to index
        %parallel_loop3A_116 = tpu.vector_load %arg7[%parallel_loop3A_114, %parallel_loop3A_115] {strides = array<i32>} : memref<19x1024xf32, #tpu.memory_space<vmem>>, vector<16xf32>,
        %parallel_loop3A_117 = math.exp %parallel_loop3A_116 : vector<16xf32>
        %parallel_loop3A_118 = arith.constant 11 : i32
        %parallel_loop3A_119 = arith.index_cast %parallel_loop3A_118 : i32 to index
        %parallel_loop3A_120 = arith.index_cast %parallel_loop3A_62 : i32 to index
        %parallel_loop3A_121 = tpu.vector_load %arg7[%parallel_loop3A_119, %parallel_loop3A_120] {strides = array<i32>} : memref<19x1024xf32, #tpu.memory_space<vmem>>, vector<16xf32>,
        %parallel_loop3A_122 = math.exp %parallel_loop3A_121 : vector<16xf32>
        %parallel_loop3A_123 = arith.constant 12 : i32
        %parallel_loop3A_124 = arith.index_cast %parallel_loop3A_123 : i32 to index
        %parallel_loop3A_125 = arith.index_cast %parallel_loop3A_62 : i32 to index
        %parallel_loop3A_126 = tpu.vector_load %arg7[%parallel_loop3A_124, %parallel_loop3A_125] {strides = array<i32>} : memref<19x1024xf32, #tpu.memory_space<vmem>>, vector<16xf32>,
        %parallel_loop3A_127 = math.exp %parallel_loop3A_126 : vector<16xf32>
        %parallel_loop3A_128 = arith.constant 13 : i32
        %parallel_loop3A_129 = arith.index_cast %parallel_loop3A_128 : i32 to index
        %parallel_loop3A_130 = arith.index_cast %parallel_loop3A_62 : i32 to index
        %parallel_loop3A_131 = tpu.vector_load %arg7[%parallel_loop3A_129, %parallel_loop3A_130] {strides = array<i32>} : memref<19x1024xf32, #tpu.memory_space<vmem>>, vector<16xf32>,
        %parallel_loop3A_132 = math.exp %parallel_loop3A_131 : vector<16xf32>
        %parallel_loop3A_133 = arith.constant 14 : i32
        %parallel_loop3A_134 = arith.index_cast %parallel_loop3A_133 : i32 to index
        %parallel_loop3A_135 = arith.index_cast %parallel_loop3A_62 : i32 to index
        %parallel_loop3A_136 = tpu.vector_load %arg7[%parallel_loop3A_134, %parallel_loop3A_135] {strides = array<i32>} : memref<19x1024xf32, #tpu.memory_space<vmem>>, vector<16xf32>,
        %parallel_loop3A_137 = math.exp %parallel_loop3A_136 : vector<16xf32>
        %parallel_loop3A_138 = arith.constant 15 : i32
        %parallel_loop3A_139 = arith.index_cast %parallel_loop3A_138 : i32 to index
        %parallel_loop3A_140 = arith.index_cast %parallel_loop3A_62 : i32 to index
        %parallel_loop3A_141 = tpu.vector_load %arg7[%parallel_loop3A_139, %parallel_loop3A_140] {strides = array<i32>} : memref<19x1024xf32, #tpu.memory_space<vmem>>, vector<16xf32>,
        %parallel_loop3A_142 = math.exp %parallel_loop3A_141 : vector<16xf32>
        %parallel_loop3A_143 = arith.constant 16 : i32
        %parallel_loop3A_144 = arith.index_cast %parallel_loop3A_143 : i32 to index
        %parallel_loop3A_145 = arith.index_cast %parallel_loop3A_62 : i32 to index
        %parallel_loop3A_146 = tpu.vector_load %arg7[%parallel_loop3A_144, %parallel_loop3A_145] {strides = array<i32>} : memref<19x1024xf32, #tpu.memory_space<vmem>>, vector<16xf32>,
        %parallel_loop3A_147 = math.exp %parallel_loop3A_146 : vector<16xf32>
        %parallel_loop3A_148 = arith.constant 17 : i32
        %parallel_loop3A_149 = arith.index_cast %parallel_loop3A_148 : i32 to index
        %parallel_loop3A_150 = arith.index_cast %parallel_loop3A_62 : i32 to index
        %parallel_loop3A_151 = tpu.vector_load %arg7[%parallel_loop3A_149, %parallel_loop3A_150] {strides = array<i32>} : memref<19x1024xf32, #tpu.memory_space<vmem>>, vector<16xf32>,
        %parallel_loop3A_152 = math.exp %parallel_loop3A_151 : vector<16xf32>
        %parallel_loop3A_153 = arith.constant 18 : i32
        %parallel_loop3A_154 = arith.index_cast %parallel_loop3A_153 : i32 to index
        %parallel_loop3A_155 = arith.index_cast %parallel_loop3A_62 : i32 to index
        %parallel_loop3A_156 = tpu.vector_load %arg7[%parallel_loop3A_154, %parallel_loop3A_155] {strides = array<i32>} : memref<19x1024xf32, #tpu.memory_space<vmem>>, vector<16xf32>,
        %parallel_loop3A_157 = math.exp %parallel_loop3A_156 : vector<16xf32>
        %parallel_loop3A_158 = arith.addf %parallel_loop3A_67, %parallel_loop3A_72 : vector<16xf32>
        %parallel_loop3A_159 = arith.addf %parallel_loop3A_77, %parallel_loop3A_82 : vector<16xf32>
        %parallel_loop3A_160 = arith.addf %parallel_loop3A_87, %parallel_loop3A_92 : vector<16xf32>
        %parallel_loop3A_161 = arith.addf %parallel_loop3A_97, %parallel_loop3A_102 : vector<16xf32>
        %parallel_loop3A_162 = arith.addf %parallel_loop3A_107, %parallel_loop3A_112 : vector<16xf32>
        %parallel_loop3A_163 = arith.addf %parallel_loop3A_117, %parallel_loop3A_122 : vector<16xf32>
        %parallel_loop3A_164 = arith.addf %parallel_loop3A_127, %parallel_loop3A_132 : vector<16xf32>
        %parallel_loop3A_165 = arith.addf %parallel_loop3A_137, %parallel_loop3A_142 : vector<16xf32>
        %parallel_loop3A_166 = arith.addf %parallel_loop3A_147, %parallel_loop3A_152 : vector<16xf32>
        %parallel_loop3A_167 = arith.addf %parallel_loop3A_166, %parallel_loop3A_157 : vector<16xf32>
        %parallel_loop3A_168 = arith.addf %parallel_loop3A_158, %parallel_loop3A_159 : vector<16xf32>
        %parallel_loop3A_169 = arith.addf %parallel_loop3A_160, %parallel_loop3A_161 : vector<16xf32>
        %parallel_loop3A_170 = arith.addf %parallel_loop3A_162, %parallel_loop3A_163 : vector<16xf32>
        %parallel_loop3A_171 = arith.addf %parallel_loop3A_164, %parallel_loop3A_165 : vector<16xf32>
        %parallel_loop3A_172 = arith.addf %parallel_loop3A_171, %parallel_loop3A_167 : vector<16xf32>
        %parallel_loop3A_173 = arith.addf %parallel_loop3A_168, %parallel_loop3A_169 : vector<16xf32>
        %parallel_loop3A_174 = arith.addf %parallel_loop3A_170, %parallel_loop3A_172 : vector<16xf32>
        %parallel_loop3A_175 = arith.addf %parallel_loop3A_173, %parallel_loop3A_174 : vector<16xf32>
        %parallel_loop3A_176 = arith.constant 1.000000e+00 : f32
        %parallel_loop3A_177 = vector.broadcast %parallel_loop3A_176 : f32 to vector<16xf32>
        %parallel_loop3A_178 = arith.divf %parallel_loop3A_177, %parallel_loop3A_175 : vector<16xf32>
        %parallel_loop3A_179 = arith.index_cast %parallel_loop3A_62 : i32 to index
        %parallel_loop3A_180 = tpu.vector_load %arg8[%parallel_loop3A_179] {strides = array<i32>} : memref<1024xi32, #tpu.memory_space<vmem>>, vector<16xi32>,
        %parallel_loop3A_181 = arith.mulf %parallel_loop3A_67, %parallel_loop3A_178 : vector<16xf32>
        %parallel_loop3A_182 = arith.constant 0 : i32
        %parallel_loop3A_183 = vector.broadcast %parallel_loop3A_182 : i32 to vector<16xi32>
        %parallel_loop3A_184 = arith.cmpi eq, %parallel_loop3A_180, %parallel_loop3A_183 : vector<16xi32>
        %parallel_loop3A_185 = arith.constant 1.000000e+00 : f32
        %parallel_loop3A_186 = vector.broadcast %parallel_loop3A_185 : f32 to vector<16xf32>
        %parallel_loop3A_187 = arith.subf %parallel_loop3A_186, %parallel_loop3A_181 : vector<16xf32>
        %parallel_loop3A_188 = arith.select %parallel_loop3A_184, %parallel_loop3A_187, %parallel_loop3A_181 : vector<16xi1>, vector<16xf32>
        %parallel_loop3A_189 = arith.constant 2.048000e+03 : f32
        %parallel_loop3A_190 = vector.broadcast %parallel_loop3A_189 : f32 to vector<16xf32>
        %parallel_loop3A_191 = arith.mulf %parallel_loop3A_188, %parallel_loop3A_190 : vector<16xf32>
        %parallel_loop3A_192 = arith.fptosi %parallel_loop3A_191 : vector<16xf32> to vector<16xi32>
        %parallel_loop3A_193 = arith.constant 2047 : i32
        %parallel_loop3A_194 = vector.broadcast %parallel_loop3A_193 : i32 to vector<16xi32>
        %parallel_loop3A_195 = arith.minsi %parallel_loop3A_192, %parallel_loop3A_194 : vector<16xi32>
        %parallel_loop3A_196 = arith.constant 38912 : i32
        %parallel_loop3A_197 = arith.constant 0 : i32
        %parallel_loop3A_198 = vector.broadcast %parallel_loop3A_196 : i32 to vector<16xi32>
        %parallel_loop3A_199 = vector.broadcast %parallel_loop3A_197 : i32 to vector<16xi32>
        %parallel_loop3A_200 = arith.select %parallel_loop3A_184, %parallel_loop3A_198, %parallel_loop3A_199 : vector<16xi1>, vector<16xi32>
        %parallel_loop3A_201 = arith.addi %parallel_loop3A_200, %parallel_loop3A_195 : vector<16xi32>
        %parallel_loop3A_202 = arith.constant true
        %parallel_loop3A_203 = vector.broadcast %parallel_loop3A_202 : i1 to vector<16xi1>
        %parallel_loop3A_204, %parallel_loop3A_205 = tpu.scan_count mask(%parallel_loop3A_203 : vector<16xi1>) value(%parallel_loop3A_201 : vector<16xi32>) : vector<16xi1>, vector<16xi32>
        tpu.vector_store_idx %arg9[%parallel_loop3A_201], %parallel_loop3A_205 masked %parallel_loop3A_204 {add = true} : memref<77824xi32, #tpu.memory_space<vmem>>[vector<16xi32>], vector<16xi32>, vector<16xi1>
        %parallel_loop3A_206 = arith.mulf %parallel_loop3A_72, %parallel_loop3A_178 : vector<16xf32>
        %parallel_loop3A_207 = arith.constant 1 : i32
        %parallel_loop3A_208 = vector.broadcast %parallel_loop3A_207 : i32 to vector<16xi32>
        %parallel_loop3A_209 = arith.cmpi eq, %parallel_loop3A_180, %parallel_loop3A_208 : vector<16xi32>
        %parallel_loop3A_210 = arith.constant 1.000000e+00 : f32
        %parallel_loop3A_211 = vector.broadcast %parallel_loop3A_210 : f32 to vector<16xf32>
        %parallel_loop3A_212 = arith.subf %parallel_loop3A_211, %parallel_loop3A_206 : vector<16xf32>
        %parallel_loop3A_213 = arith.select %parallel_loop3A_209, %parallel_loop3A_212, %parallel_loop3A_206 : vector<16xi1>, vector<16xf32>
        %parallel_loop3A_214 = arith.constant 2.048000e+03 : f32
        %parallel_loop3A_215 = vector.broadcast %parallel_loop3A_214 : f32 to vector<16xf32>
        %parallel_loop3A_216 = arith.mulf %parallel_loop3A_213, %parallel_loop3A_215 : vector<16xf32>
        %parallel_loop3A_217 = arith.fptosi %parallel_loop3A_216 : vector<16xf32> to vector<16xi32>
        %parallel_loop3A_218 = arith.constant 2047 : i32
        %parallel_loop3A_219 = vector.broadcast %parallel_loop3A_218 : i32 to vector<16xi32>
        %parallel_loop3A_220 = arith.minsi %parallel_loop3A_217, %parallel_loop3A_219 : vector<16xi32>
        %parallel_loop3A_221 = arith.constant 40960 : i32
        %parallel_loop3A_222 = arith.constant 2048 : i32
        %parallel_loop3A_223 = vector.broadcast %parallel_loop3A_221 : i32 to vector<16xi32>
        %parallel_loop3A_224 = vector.broadcast %parallel_loop3A_222 : i32 to vector<16xi32>
        %parallel_loop3A_225 = arith.select %parallel_loop3A_209, %parallel_loop3A_223, %parallel_loop3A_224 : vector<16xi1>, vector<16xi32>
        %parallel_loop3A_226 = arith.addi %parallel_loop3A_225, %parallel_loop3A_220 : vector<16xi32>
        %parallel_loop3A_227 = arith.constant true
        %parallel_loop3A_228 = vector.broadcast %parallel_loop3A_227 : i1 to vector<16xi1>
        %parallel_loop3A_229, %parallel_loop3A_230 = tpu.scan_count mask(%parallel_loop3A_228 : vector<16xi1>) value(%parallel_loop3A_226 : vector<16xi32>) : vector<16xi1>, vector<16xi32>
        tpu.vector_store_idx %arg9[%parallel_loop3A_226], %parallel_loop3A_230 masked %parallel_loop3A_229 {add = true} : memref<77824xi32, #tpu.memory_space<vmem>>[vector<16xi32>], vector<16xi32>, vector<16xi1>
        %parallel_loop3A_231 = arith.mulf %parallel_loop3A_77, %parallel_loop3A_178 : vector<16xf32>
        %parallel_loop3A_232 = arith.constant 2 : i32
        %parallel_loop3A_233 = vector.broadcast %parallel_loop3A_232 : i32 to vector<16xi32>
        %parallel_loop3A_234 = arith.cmpi eq, %parallel_loop3A_180, %parallel_loop3A_233 : vector<16xi32>
        %parallel_loop3A_235 = arith.constant 1.000000e+00 : f32
        %parallel_loop3A_236 = vector.broadcast %parallel_loop3A_235 : f32 to vector<16xf32>
        %parallel_loop3A_237 = arith.subf %parallel_loop3A_236, %parallel_loop3A_231 : vector<16xf32>
        %parallel_loop3A_238 = arith.select %parallel_loop3A_234, %parallel_loop3A_237, %parallel_loop3A_231 : vector<16xi1>, vector<16xf32>
        %parallel_loop3A_239 = arith.constant 2.048000e+03 : f32
        %parallel_loop3A_240 = vector.broadcast %parallel_loop3A_239 : f32 to vector<16xf32>
        %parallel_loop3A_241 = arith.mulf %parallel_loop3A_238, %parallel_loop3A_240 : vector<16xf32>
        %parallel_loop3A_242 = arith.fptosi %parallel_loop3A_241 : vector<16xf32> to vector<16xi32>
        %parallel_loop3A_243 = arith.constant 2047 : i32
        %parallel_loop3A_244 = vector.broadcast %parallel_loop3A_243 : i32 to vector<16xi32>
        %parallel_loop3A_245 = arith.minsi %parallel_loop3A_242, %parallel_loop3A_244 : vector<16xi32>
        %parallel_loop3A_246 = arith.constant 43008 : i32
        %parallel_loop3A_247 = arith.constant 4096 : i32
        %parallel_loop3A_248 = vector.broadcast %parallel_loop3A_246 : i32 to vector<16xi32>
        %parallel_loop3A_249 = vector.broadcast %parallel_loop3A_247 : i32 to vector<16xi32>
        %parallel_loop3A_250 = arith.select %parallel_loop3A_234, %parallel_loop3A_248, %parallel_loop3A_249 : vector<16xi1>, vector<16xi32>
        %parallel_loop3A_251 = arith.addi %parallel_loop3A_250, %parallel_loop3A_245 : vector<16xi32>
        %parallel_loop3A_252 = arith.constant true
        %parallel_loop3A_253 = vector.broadcast %parallel_loop3A_252 : i1 to vector<16xi1>
        %parallel_loop3A_254, %parallel_loop3A_255 = tpu.scan_count mask(%parallel_loop3A_253 : vector<16xi1>) value(%parallel_loop3A_251 : vector<16xi32>) : vector<16xi1>, vector<16xi32>
        tpu.vector_store_idx %arg9[%parallel_loop3A_251], %parallel_loop3A_255 masked %parallel_loop3A_254 {add = true} : memref<77824xi32, #tpu.memory_space<vmem>>[vector<16xi32>], vector<16xi32>, vector<16xi1>
        %parallel_loop3A_256 = arith.mulf %parallel_loop3A_82, %parallel_loop3A_178 : vector<16xf32>
        %parallel_loop3A_257 = arith.constant 3 : i32
        %parallel_loop3A_258 = vector.broadcast %parallel_loop3A_257 : i32 to vector<16xi32>
        %parallel_loop3A_259 = arith.cmpi eq, %parallel_loop3A_180, %parallel_loop3A_258 : vector<16xi32>
        %parallel_loop3A_260 = arith.constant 1.000000e+00 : f32
        %parallel_loop3A_261 = vector.broadcast %parallel_loop3A_260 : f32 to vector<16xf32>
        %parallel_loop3A_262 = arith.subf %parallel_loop3A_261, %parallel_loop3A_256 : vector<16xf32>
        %parallel_loop3A_263 = arith.select %parallel_loop3A_259, %parallel_loop3A_262, %parallel_loop3A_256 : vector<16xi1>, vector<16xf32>
        %parallel_loop3A_264 = arith.constant 2.048000e+03 : f32
        %parallel_loop3A_265 = vector.broadcast %parallel_loop3A_264 : f32 to vector<16xf32>
        %parallel_loop3A_266 = arith.mulf %parallel_loop3A_263, %parallel_loop3A_265 : vector<16xf32>
        %parallel_loop3A_267 = arith.fptosi %parallel_loop3A_266 : vector<16xf32> to vector<16xi32>
        %parallel_loop3A_268 = arith.constant 2047 : i32
        %parallel_loop3A_269 = vector.broadcast %parallel_loop3A_268 : i32 to vector<16xi32>
        %parallel_loop3A_270 = arith.minsi %parallel_loop3A_267, %parallel_loop3A_269 : vector<16xi32>
        %parallel_loop3A_271 = arith.constant 45056 : i32
        %parallel_loop3A_272 = arith.constant 6144 : i32
        %parallel_loop3A_273 = vector.broadcast %parallel_loop3A_271 : i32 to vector<16xi32>
        %parallel_loop3A_274 = vector.broadcast %parallel_loop3A_272 : i32 to vector<16xi32>
        %parallel_loop3A_275 = arith.select %parallel_loop3A_259, %parallel_loop3A_273, %parallel_loop3A_274 : vector<16xi1>, vector<16xi32>
        %parallel_loop3A_276 = arith.addi %parallel_loop3A_275, %parallel_loop3A_270 : vector<16xi32>
        %parallel_loop3A_277 = arith.constant true
        %parallel_loop3A_278 = vector.broadcast %parallel_loop3A_277 : i1 to vector<16xi1>
        %parallel_loop3A_279, %parallel_loop3A_280 = tpu.scan_count mask(%parallel_loop3A_278 : vector<16xi1>) value(%parallel_loop3A_276 : vector<16xi32>) : vector<16xi1>, vector<16xi32>
        tpu.vector_store_idx %arg9[%parallel_loop3A_276], %parallel_loop3A_280 masked %parallel_loop3A_279 {add = true} : memref<77824xi32, #tpu.memory_space<vmem>>[vector<16xi32>], vector<16xi32>, vector<16xi1>
        %parallel_loop3A_281 = arith.mulf %parallel_loop3A_87, %parallel_loop3A_178 : vector<16xf32>
        %parallel_loop3A_282 = arith.constant 4 : i32
        %parallel_loop3A_283 = vector.broadcast %parallel_loop3A_282 : i32 to vector<16xi32>
        %parallel_loop3A_284 = arith.cmpi eq, %parallel_loop3A_180, %parallel_loop3A_283 : vector<16xi32>
        %parallel_loop3A_285 = arith.constant 1.000000e+00 : f32
        %parallel_loop3A_286 = vector.broadcast %parallel_loop3A_285 : f32 to vector<16xf32>
        %parallel_loop3A_287 = arith.subf %parallel_loop3A_286, %parallel_loop3A_281 : vector<16xf32>
        %parallel_loop3A_288 = arith.select %parallel_loop3A_284, %parallel_loop3A_287, %parallel_loop3A_281 : vector<16xi1>, vector<16xf32>
        %parallel_loop3A_289 = arith.constant 2.048000e+03 : f32
        %parallel_loop3A_290 = vector.broadcast %parallel_loop3A_289 : f32 to vector<16xf32>
        %parallel_loop3A_291 = arith.mulf %parallel_loop3A_288, %parallel_loop3A_290 : vector<16xf32>
        %parallel_loop3A_292 = arith.fptosi %parallel_loop3A_291 : vector<16xf32> to vector<16xi32>
        %parallel_loop3A_293 = arith.constant 2047 : i32
        %parallel_loop3A_294 = vector.broadcast %parallel_loop3A_293 : i32 to vector<16xi32>
        %parallel_loop3A_295 = arith.minsi %parallel_loop3A_292, %parallel_loop3A_294 : vector<16xi32>
        %parallel_loop3A_296 = arith.constant 47104 : i32
        %parallel_loop3A_297 = arith.constant 8192 : i32
        %parallel_loop3A_298 = vector.broadcast %parallel_loop3A_296 : i32 to vector<16xi32>
        %parallel_loop3A_299 = vector.broadcast %parallel_loop3A_297 : i32 to vector<16xi32>
        %parallel_loop3A_300 = arith.select %parallel_loop3A_284, %parallel_loop3A_298, %parallel_loop3A_299 : vector<16xi1>, vector<16xi32>
        %parallel_loop3A_301 = arith.addi %parallel_loop3A_300, %parallel_loop3A_295 : vector<16xi32>
        %parallel_loop3A_302 = arith.constant true
        %parallel_loop3A_303 = vector.broadcast %parallel_loop3A_302 : i1 to vector<16xi1>
        %parallel_loop3A_304, %parallel_loop3A_305 = tpu.scan_count mask(%parallel_loop3A_303 : vector<16xi1>) value(%parallel_loop3A_301 : vector<16xi32>) : vector<16xi1>, vector<16xi32>
        tpu.vector_store_idx %arg9[%parallel_loop3A_301], %parallel_loop3A_305 masked %parallel_loop3A_304 {add = true} : memref<77824xi32, #tpu.memory_space<vmem>>[vector<16xi32>], vector<16xi32>, vector<16xi1>
        %parallel_loop3A_306 = arith.mulf %parallel_loop3A_92, %parallel_loop3A_178 : vector<16xf32>
        %parallel_loop3A_307 = arith.constant 5 : i32
        %parallel_loop3A_308 = vector.broadcast %parallel_loop3A_307 : i32 to vector<16xi32>
        %parallel_loop3A_309 = arith.cmpi eq, %parallel_loop3A_180, %parallel_loop3A_308 : vector<16xi32>
        %parallel_loop3A_310 = arith.constant 1.000000e+00 : f32
        %parallel_loop3A_311 = vector.broadcast %parallel_loop3A_310 : f32 to vector<16xf32>
        %parallel_loop3A_312 = arith.subf %parallel_loop3A_311, %parallel_loop3A_306 : vector<16xf32>
        %parallel_loop3A_313 = arith.select %parallel_loop3A_309, %parallel_loop3A_312, %parallel_loop3A_306 : vector<16xi1>, vector<16xf32>
        %parallel_loop3A_314 = arith.constant 2.048000e+03 : f32
        %parallel_loop3A_315 = vector.broadcast %parallel_loop3A_314 : f32 to vector<16xf32>
        %parallel_loop3A_316 = arith.mulf %parallel_loop3A_313, %parallel_loop3A_315 : vector<16xf32>
        %parallel_loop3A_317 = arith.fptosi %parallel_loop3A_316 : vector<16xf32> to vector<16xi32>
        %parallel_loop3A_318 = arith.constant 2047 : i32
        %parallel_loop3A_319 = vector.broadcast %parallel_loop3A_318 : i32 to vector<16xi32>
        %parallel_loop3A_320 = arith.minsi %parallel_loop3A_317, %parallel_loop3A_319 : vector<16xi32>
        %parallel_loop3A_321 = arith.constant 49152 : i32
        %parallel_loop3A_322 = arith.constant 10240 : i32
        %parallel_loop3A_323 = vector.broadcast %parallel_loop3A_321 : i32 to vector<16xi32>
        %parallel_loop3A_324 = vector.broadcast %parallel_loop3A_322 : i32 to vector<16xi32>
        %parallel_loop3A_325 = arith.select %parallel_loop3A_309, %parallel_loop3A_323, %parallel_loop3A_324 : vector<16xi1>, vector<16xi32>
        %parallel_loop3A_326 = arith.addi %parallel_loop3A_325, %parallel_loop3A_320 : vector<16xi32>
        %parallel_loop3A_327 = arith.constant true
        %parallel_loop3A_328 = vector.broadcast %parallel_loop3A_327 : i1 to vector<16xi1>
        %parallel_loop3A_329, %parallel_loop3A_330 = tpu.scan_count mask(%parallel_loop3A_328 : vector<16xi1>) value(%parallel_loop3A_326 : vector<16xi32>) : vector<16xi1>, vector<16xi32>
        tpu.vector_store_idx %arg9[%parallel_loop3A_326], %parallel_loop3A_330 masked %parallel_loop3A_329 {add = true} : memref<77824xi32, #tpu.memory_space<vmem>>[vector<16xi32>], vector<16xi32>, vector<16xi1>
        %parallel_loop3A_331 = arith.mulf %parallel_loop3A_97, %parallel_loop3A_178 : vector<16xf32>
        %parallel_loop3A_332 = arith.constant 6 : i32
        %parallel_loop3A_333 = vector.broadcast %parallel_loop3A_332 : i32 to vector<16xi32>
        %parallel_loop3A_334 = arith.cmpi eq, %parallel_loop3A_180, %parallel_loop3A_333 : vector<16xi32>
        %parallel_loop3A_335 = arith.constant 1.000000e+00 : f32
        %parallel_loop3A_336 = vector.broadcast %parallel_loop3A_335 : f32 to vector<16xf32>
        %parallel_loop3A_337 = arith.subf %parallel_loop3A_336, %parallel_loop3A_331 : vector<16xf32>
        %parallel_loop3A_338 = arith.select %parallel_loop3A_334, %parallel_loop3A_337, %parallel_loop3A_331 : vector<16xi1>, vector<16xf32>
        %parallel_loop3A_339 = arith.constant 2.048000e+03 : f32
        %parallel_loop3A_340 = vector.broadcast %parallel_loop3A_339 : f32 to vector<16xf32>
        %parallel_loop3A_341 = arith.mulf %parallel_loop3A_338, %parallel_loop3A_340 : vector<16xf32>
        %parallel_loop3A_342 = arith.fptosi %parallel_loop3A_341 : vector<16xf32> to vector<16xi32>
        %parallel_loop3A_343 = arith.constant 2047 : i32
        %parallel_loop3A_344 = vector.broadcast %parallel_loop3A_343 : i32 to vector<16xi32>
        %parallel_loop3A_345 = arith.minsi %parallel_loop3A_342, %parallel_loop3A_344 : vector<16xi32>
        %parallel_loop3A_346 = arith.constant 51200 : i32
        %parallel_loop3A_347 = arith.constant 12288 : i32
        %parallel_loop3A_348 = vector.broadcast %parallel_loop3A_346 : i32 to vector<16xi32>
        %parallel_loop3A_349 = vector.broadcast %parallel_loop3A_347 : i32 to vector<16xi32>
        %parallel_loop3A_350 = arith.select %parallel_loop3A_334, %parallel_loop3A_348, %parallel_loop3A_349 : vector<16xi1>, vector<16xi32>
        %parallel_loop3A_351 = arith.addi %parallel_loop3A_350, %parallel_loop3A_345 : vector<16xi32>
        %parallel_loop3A_352 = arith.constant true
        %parallel_loop3A_353 = vector.broadcast %parallel_loop3A_352 : i1 to vector<16xi1>
        %parallel_loop3A_354, %parallel_loop3A_355 = tpu.scan_count mask(%parallel_loop3A_353 : vector<16xi1>) value(%parallel_loop3A_351 : vector<16xi32>) : vector<16xi1>, vector<16xi32>
        tpu.vector_store_idx %arg9[%parallel_loop3A_351], %parallel_loop3A_355 masked %parallel_loop3A_354 {add = true} : memref<77824xi32, #tpu.memory_space<vmem>>[vector<16xi32>], vector<16xi32>, vector<16xi1>
        %parallel_loop3A_356 = arith.mulf %parallel_loop3A_102, %parallel_loop3A_178 : vector<16xf32>
        %parallel_loop3A_357 = arith.constant 7 : i32
        %parallel_loop3A_358 = vector.broadcast %parallel_loop3A_357 : i32 to vector<16xi32>
        %parallel_loop3A_359 = arith.cmpi eq, %parallel_loop3A_180, %parallel_loop3A_358 : vector<16xi32>
        %parallel_loop3A_360 = arith.constant 1.000000e+00 : f32
        %parallel_loop3A_361 = vector.broadcast %parallel_loop3A_360 : f32 to vector<16xf32>
        %parallel_loop3A_362 = arith.subf %parallel_loop3A_361, %parallel_loop3A_356 : vector<16xf32>
        %parallel_loop3A_363 = arith.select %parallel_loop3A_359, %parallel_loop3A_362, %parallel_loop3A_356 : vector<16xi1>, vector<16xf32>
        %parallel_loop3A_364 = arith.constant 2.048000e+03 : f32
        %parallel_loop3A_365 = vector.broadcast %parallel_loop3A_364 : f32 to vector<16xf32>
        %parallel_loop3A_366 = arith.mulf %parallel_loop3A_363, %parallel_loop3A_365 : vector<16xf32>
        %parallel_loop3A_367 = arith.fptosi %parallel_loop3A_366 : vector<16xf32> to vector<16xi32>
        %parallel_loop3A_368 = arith.constant 2047 : i32
        %parallel_loop3A_369 = vector.broadcast %parallel_loop3A_368 : i32 to vector<16xi32>
        %parallel_loop3A_370 = arith.minsi %parallel_loop3A_367, %parallel_loop3A_369 : vector<16xi32>
        %parallel_loop3A_371 = arith.constant 53248 : i32
        %parallel_loop3A_372 = arith.constant 14336 : i32
        %parallel_loop3A_373 = vector.broadcast %parallel_loop3A_371 : i32 to vector<16xi32>
        %parallel_loop3A_374 = vector.broadcast %parallel_loop3A_372 : i32 to vector<16xi32>
        %parallel_loop3A_375 = arith.select %parallel_loop3A_359, %parallel_loop3A_373, %parallel_loop3A_374 : vector<16xi1>, vector<16xi32>
        %parallel_loop3A_376 = arith.addi %parallel_loop3A_375, %parallel_loop3A_370 : vector<16xi32>
        %parallel_loop3A_377 = arith.constant true
        %parallel_loop3A_378 = vector.broadcast %parallel_loop3A_377 : i1 to vector<16xi1>
        %parallel_loop3A_379, %parallel_loop3A_380 = tpu.scan_count mask(%parallel_loop3A_378 : vector<16xi1>) value(%parallel_loop3A_376 : vector<16xi32>) : vector<16xi1>, vector<16xi32>
        tpu.vector_store_idx %arg9[%parallel_loop3A_376], %parallel_loop3A_380 masked %parallel_loop3A_379 {add = true} : memref<77824xi32, #tpu.memory_space<vmem>>[vector<16xi32>], vector<16xi32>, vector<16xi1>
        %parallel_loop3A_381 = arith.mulf %parallel_loop3A_107, %parallel_loop3A_178 : vector<16xf32>
        %parallel_loop3A_382 = arith.constant 8 : i32
        %parallel_loop3A_383 = vector.broadcast %parallel_loop3A_382 : i32 to vector<16xi32>
        %parallel_loop3A_384 = arith.cmpi eq, %parallel_loop3A_180, %parallel_loop3A_383 : vector<16xi32>
        %parallel_loop3A_385 = arith.constant 1.000000e+00 : f32
        %parallel_loop3A_386 = vector.broadcast %parallel_loop3A_385 : f32 to vector<16xf32>
        %parallel_loop3A_387 = arith.subf %parallel_loop3A_386, %parallel_loop3A_381 : vector<16xf32>
        %parallel_loop3A_388 = arith.select %parallel_loop3A_384, %parallel_loop3A_387, %parallel_loop3A_381 : vector<16xi1>, vector<16xf32>
        %parallel_loop3A_389 = arith.constant 2.048000e+03 : f32
        %parallel_loop3A_390 = vector.broadcast %parallel_loop3A_389 : f32 to vector<16xf32>
        %parallel_loop3A_391 = arith.mulf %parallel_loop3A_388, %parallel_loop3A_390 : vector<16xf32>
        %parallel_loop3A_392 = arith.fptosi %parallel_loop3A_391 : vector<16xf32> to vector<16xi32>
        %parallel_loop3A_393 = arith.constant 2047 : i32
        %parallel_loop3A_394 = vector.broadcast %parallel_loop3A_393 : i32 to vector<16xi32>
        %parallel_loop3A_395 = arith.minsi %parallel_loop3A_392, %parallel_loop3A_394 : vector<16xi32>
        %parallel_loop3A_396 = arith.constant 55296 : i32
        %parallel_loop3A_397 = arith.constant 16384 : i32
        %parallel_loop3A_398 = vector.broadcast %parallel_loop3A_396 : i32 to vector<16xi32>
        %parallel_loop3A_399 = vector.broadcast %parallel_loop3A_397 : i32 to vector<16xi32>
        %parallel_loop3A_400 = arith.select %parallel_loop3A_384, %parallel_loop3A_398, %parallel_loop3A_399 : vector<16xi1>, vector<16xi32>
        %parallel_loop3A_401 = arith.addi %parallel_loop3A_400, %parallel_loop3A_395 : vector<16xi32>
        %parallel_loop3A_402 = arith.constant true
        %parallel_loop3A_403 = vector.broadcast %parallel_loop3A_402 : i1 to vector<16xi1>
        %parallel_loop3A_404, %parallel_loop3A_405 = tpu.scan_count mask(%parallel_loop3A_403 : vector<16xi1>) value(%parallel_loop3A_401 : vector<16xi32>) : vector<16xi1>, vector<16xi32>
        tpu.vector_store_idx %arg9[%parallel_loop3A_401], %parallel_loop3A_405 masked %parallel_loop3A_404 {add = true} : memref<77824xi32, #tpu.memory_space<vmem>>[vector<16xi32>], vector<16xi32>, vector<16xi1>
        %parallel_loop3A_406 = arith.mulf %parallel_loop3A_112, %parallel_loop3A_178 : vector<16xf32>
        %parallel_loop3A_407 = arith.constant 9 : i32
        %parallel_loop3A_408 = vector.broadcast %parallel_loop3A_407 : i32 to vector<16xi32>
        %parallel_loop3A_409 = arith.cmpi eq, %parallel_loop3A_180, %parallel_loop3A_408 : vector<16xi32>
        %parallel_loop3A_410 = arith.constant 1.000000e+00 : f32
        %parallel_loop3A_411 = vector.broadcast %parallel_loop3A_410 : f32 to vector<16xf32>
        %parallel_loop3A_412 = arith.subf %parallel_loop3A_411, %parallel_loop3A_406 : vector<16xf32>
        %parallel_loop3A_413 = arith.select %parallel_loop3A_409, %parallel_loop3A_412, %parallel_loop3A_406 : vector<16xi1>, vector<16xf32>
        %parallel_loop3A_414 = arith.constant 2.048000e+03 : f32
        %parallel_loop3A_415 = vector.broadcast %parallel_loop3A_414 : f32 to vector<16xf32>
        %parallel_loop3A_416 = arith.mulf %parallel_loop3A_413, %parallel_loop3A_415 : vector<16xf32>
        %parallel_loop3A_417 = arith.fptosi %parallel_loop3A_416 : vector<16xf32> to vector<16xi32>
        %parallel_loop3A_418 = arith.constant 2047 : i32
        %parallel_loop3A_419 = vector.broadcast %parallel_loop3A_418 : i32 to vector<16xi32>
        %parallel_loop3A_420 = arith.minsi %parallel_loop3A_417, %parallel_loop3A_419 : vector<16xi32>
        %parallel_loop3A_421 = arith.constant 57344 : i32
        %parallel_loop3A_422 = arith.constant 18432 : i32
        %parallel_loop3A_423 = vector.broadcast %parallel_loop3A_421 : i32 to vector<16xi32>
        %parallel_loop3A_424 = vector.broadcast %parallel_loop3A_422 : i32 to vector<16xi32>
        %parallel_loop3A_425 = arith.select %parallel_loop3A_409, %parallel_loop3A_423, %parallel_loop3A_424 : vector<16xi1>, vector<16xi32>
        %parallel_loop3A_426 = arith.addi %parallel_loop3A_425, %parallel_loop3A_420 : vector<16xi32>
        %parallel_loop3A_427 = arith.constant true
        %parallel_loop3A_428 = vector.broadcast %parallel_loop3A_427 : i1 to vector<16xi1>
        %parallel_loop3A_429, %parallel_loop3A_430 = tpu.scan_count mask(%parallel_loop3A_428 : vector<16xi1>) value(%parallel_loop3A_426 : vector<16xi32>) : vector<16xi1>, vector<16xi32>
        tpu.vector_store_idx %arg9[%parallel_loop3A_426], %parallel_loop3A_430 masked %parallel_loop3A_429 {add = true} : memref<77824xi32, #tpu.memory_space<vmem>>[vector<16xi32>], vector<16xi32>, vector<16xi1>
        %parallel_loop3A_431 = arith.mulf %parallel_loop3A_117, %parallel_loop3A_178 : vector<16xf32>
        %parallel_loop3A_432 = arith.constant 10 : i32
        %parallel_loop3A_433 = vector.broadcast %parallel_loop3A_432 : i32 to vector<16xi32>
        %parallel_loop3A_434 = arith.cmpi eq, %parallel_loop3A_180, %parallel_loop3A_433 : vector<16xi32>
        %parallel_loop3A_435 = arith.constant 1.000000e+00 : f32
        %parallel_loop3A_436 = vector.broadcast %parallel_loop3A_435 : f32 to vector<16xf32>
        %parallel_loop3A_437 = arith.subf %parallel_loop3A_436, %parallel_loop3A_431 : vector<16xf32>
        %parallel_loop3A_438 = arith.select %parallel_loop3A_434, %parallel_loop3A_437, %parallel_loop3A_431 : vector<16xi1>, vector<16xf32>
        %parallel_loop3A_439 = arith.constant 2.048000e+03 : f32
        %parallel_loop3A_440 = vector.broadcast %parallel_loop3A_439 : f32 to vector<16xf32>
        %parallel_loop3A_441 = arith.mulf %parallel_loop3A_438, %parallel_loop3A_440 : vector<16xf32>
        %parallel_loop3A_442 = arith.fptosi %parallel_loop3A_441 : vector<16xf32> to vector<16xi32>
        %parallel_loop3A_443 = arith.constant 2047 : i32
        %parallel_loop3A_444 = vector.broadcast %parallel_loop3A_443 : i32 to vector<16xi32>
        %parallel_loop3A_445 = arith.minsi %parallel_loop3A_442, %parallel_loop3A_444 : vector<16xi32>
        %parallel_loop3A_446 = arith.constant 59392 : i32
        %parallel_loop3A_447 = arith.constant 20480 : i32
        %parallel_loop3A_448 = vector.broadcast %parallel_loop3A_446 : i32 to vector<16xi32>
        %parallel_loop3A_449 = vector.broadcast %parallel_loop3A_447 : i32 to vector<16xi32>
        %parallel_loop3A_450 = arith.select %parallel_loop3A_434, %parallel_loop3A_448, %parallel_loop3A_449 : vector<16xi1>, vector<16xi32>
        %parallel_loop3A_451 = arith.addi %parallel_loop3A_450, %parallel_loop3A_445 : vector<16xi32>
        %parallel_loop3A_452 = arith.constant true
        %parallel_loop3A_453 = vector.broadcast %parallel_loop3A_452 : i1 to vector<16xi1>
        %parallel_loop3A_454, %parallel_loop3A_455 = tpu.scan_count mask(%parallel_loop3A_453 : vector<16xi1>) value(%parallel_loop3A_451 : vector<16xi32>) : vector<16xi1>, vector<16xi32>
        tpu.vector_store_idx %arg9[%parallel_loop3A_451], %parallel_loop3A_455 masked %parallel_loop3A_454 {add = true} : memref<77824xi32, #tpu.memory_space<vmem>>[vector<16xi32>], vector<16xi32>, vector<16xi1>
        %parallel_loop3A_456 = arith.mulf %parallel_loop3A_122, %parallel_loop3A_178 : vector<16xf32>
        %parallel_loop3A_457 = arith.constant 11 : i32
        %parallel_loop3A_458 = vector.broadcast %parallel_loop3A_457 : i32 to vector<16xi32>
        %parallel_loop3A_459 = arith.cmpi eq, %parallel_loop3A_180, %parallel_loop3A_458 : vector<16xi32>
        %parallel_loop3A_460 = arith.constant 1.000000e+00 : f32
        %parallel_loop3A_461 = vector.broadcast %parallel_loop3A_460 : f32 to vector<16xf32>
        %parallel_loop3A_462 = arith.subf %parallel_loop3A_461, %parallel_loop3A_456 : vector<16xf32>
        %parallel_loop3A_463 = arith.select %parallel_loop3A_459, %parallel_loop3A_462, %parallel_loop3A_456 : vector<16xi1>, vector<16xf32>
        %parallel_loop3A_464 = arith.constant 2.048000e+03 : f32
        %parallel_loop3A_465 = vector.broadcast %parallel_loop3A_464 : f32 to vector<16xf32>
        %parallel_loop3A_466 = arith.mulf %parallel_loop3A_463, %parallel_loop3A_465 : vector<16xf32>
        %parallel_loop3A_467 = arith.fptosi %parallel_loop3A_466 : vector<16xf32> to vector<16xi32>
        %parallel_loop3A_468 = arith.constant 2047 : i32
        %parallel_loop3A_469 = vector.broadcast %parallel_loop3A_468 : i32 to vector<16xi32>
        %parallel_loop3A_470 = arith.minsi %parallel_loop3A_467, %parallel_loop3A_469 : vector<16xi32>
        %parallel_loop3A_471 = arith.constant 61440 : i32
        %parallel_loop3A_472 = arith.constant 22528 : i32
        %parallel_loop3A_473 = vector.broadcast %parallel_loop3A_471 : i32 to vector<16xi32>
        %parallel_loop3A_474 = vector.broadcast %parallel_loop3A_472 : i32 to vector<16xi32>
        %parallel_loop3A_475 = arith.select %parallel_loop3A_459, %parallel_loop3A_473, %parallel_loop3A_474 : vector<16xi1>, vector<16xi32>
        %parallel_loop3A_476 = arith.addi %parallel_loop3A_475, %parallel_loop3A_470 : vector<16xi32>
        %parallel_loop3A_477 = arith.constant true
        %parallel_loop3A_478 = vector.broadcast %parallel_loop3A_477 : i1 to vector<16xi1>
        %parallel_loop3A_479, %parallel_loop3A_480 = tpu.scan_count mask(%parallel_loop3A_478 : vector<16xi1>) value(%parallel_loop3A_476 : vector<16xi32>) : vector<16xi1>, vector<16xi32>
        tpu.vector_store_idx %arg9[%parallel_loop3A_476], %parallel_loop3A_480 masked %parallel_loop3A_479 {add = true} : memref<77824xi32, #tpu.memory_space<vmem>>[vector<16xi32>], vector<16xi32>, vector<16xi1>
        %parallel_loop3A_481 = arith.mulf %parallel_loop3A_127, %parallel_loop3A_178 : vector<16xf32>
        %parallel_loop3A_482 = arith.constant 12 : i32
        %parallel_loop3A_483 = vector.broadcast %parallel_loop3A_482 : i32 to vector<16xi32>
        %parallel_loop3A_484 = arith.cmpi eq, %parallel_loop3A_180, %parallel_loop3A_483 : vector<16xi32>
        %parallel_loop3A_485 = arith.constant 1.000000e+00 : f32
        %parallel_loop3A_486 = vector.broadcast %parallel_loop3A_485 : f32 to vector<16xf32>
        %parallel_loop3A_487 = arith.subf %parallel_loop3A_486, %parallel_loop3A_481 : vector<16xf32>
        %parallel_loop3A_488 = arith.select %parallel_loop3A_484, %parallel_loop3A_487, %parallel_loop3A_481 : vector<16xi1>, vector<16xf32>
        %parallel_loop3A_489 = arith.constant 2.048000e+03 : f32
        %parallel_loop3A_490 = vector.broadcast %parallel_loop3A_489 : f32 to vector<16xf32>
        %parallel_loop3A_491 = arith.mulf %parallel_loop3A_488, %parallel_loop3A_490 : vector<16xf32>
        %parallel_loop3A_492 = arith.fptosi %parallel_loop3A_491 : vector<16xf32> to vector<16xi32>
        %parallel_loop3A_493 = arith.constant 2047 : i32
        %parallel_loop3A_494 = vector.broadcast %parallel_loop3A_493 : i32 to vector<16xi32>
        %parallel_loop3A_495 = arith.minsi %parallel_loop3A_492, %parallel_loop3A_494 : vector<16xi32>
        %parallel_loop3A_496 = arith.constant 63488 : i32
        %parallel_loop3A_497 = arith.constant 24576 : i32
        %parallel_loop3A_498 = vector.broadcast %parallel_loop3A_496 : i32 to vector<16xi32>
        %parallel_loop3A_499 = vector.broadcast %parallel_loop3A_497 : i32 to vector<16xi32>
        %parallel_loop3A_500 = arith.select %parallel_loop3A_484, %parallel_loop3A_498, %parallel_loop3A_499 : vector<16xi1>, vector<16xi32>
        %parallel_loop3A_501 = arith.addi %parallel_loop3A_500, %parallel_loop3A_495 : vector<16xi32>
        %parallel_loop3A_502 = arith.constant true
        %parallel_loop3A_503 = vector.broadcast %parallel_loop3A_502 : i1 to vector<16xi1>
        %parallel_loop3A_504, %parallel_loop3A_505 = tpu.scan_count mask(%parallel_loop3A_503 : vector<16xi1>) value(%parallel_loop3A_501 : vector<16xi32>) : vector<16xi1>, vector<16xi32>
        tpu.vector_store_idx %arg9[%parallel_loop3A_501], %parallel_loop3A_505 masked %parallel_loop3A_504 {add = true} : memref<77824xi32, #tpu.memory_space<vmem>>[vector<16xi32>], vector<16xi32>, vector<16xi1>
        %parallel_loop3A_506 = arith.mulf %parallel_loop3A_132, %parallel_loop3A_178 : vector<16xf32>
        %parallel_loop3A_507 = arith.constant 13 : i32
        %parallel_loop3A_508 = vector.broadcast %parallel_loop3A_507 : i32 to vector<16xi32>
        %parallel_loop3A_509 = arith.cmpi eq, %parallel_loop3A_180, %parallel_loop3A_508 : vector<16xi32>
        %parallel_loop3A_510 = arith.constant 1.000000e+00 : f32
        %parallel_loop3A_511 = vector.broadcast %parallel_loop3A_510 : f32 to vector<16xf32>
        %parallel_loop3A_512 = arith.subf %parallel_loop3A_511, %parallel_loop3A_506 : vector<16xf32>
        %parallel_loop3A_513 = arith.select %parallel_loop3A_509, %parallel_loop3A_512, %parallel_loop3A_506 : vector<16xi1>, vector<16xf32>
        %parallel_loop3A_514 = arith.constant 2.048000e+03 : f32
        %parallel_loop3A_515 = vector.broadcast %parallel_loop3A_514 : f32 to vector<16xf32>
        %parallel_loop3A_516 = arith.mulf %parallel_loop3A_513, %parallel_loop3A_515 : vector<16xf32>
        %parallel_loop3A_517 = arith.fptosi %parallel_loop3A_516 : vector<16xf32> to vector<16xi32>
        %parallel_loop3A_518 = arith.constant 2047 : i32
        %parallel_loop3A_519 = vector.broadcast %parallel_loop3A_518 : i32 to vector<16xi32>
        %parallel_loop3A_520 = arith.minsi %parallel_loop3A_517, %parallel_loop3A_519 : vector<16xi32>
        %parallel_loop3A_521 = arith.constant 65536 : i32
        %parallel_loop3A_522 = arith.constant 26624 : i32
        %parallel_loop3A_523 = vector.broadcast %parallel_loop3A_521 : i32 to vector<16xi32>
        %parallel_loop3A_524 = vector.broadcast %parallel_loop3A_522 : i32 to vector<16xi32>
        %parallel_loop3A_525 = arith.select %parallel_loop3A_509, %parallel_loop3A_523, %parallel_loop3A_524 : vector<16xi1>, vector<16xi32>
        %parallel_loop3A_526 = arith.addi %parallel_loop3A_525, %parallel_loop3A_520 : vector<16xi32>
        %parallel_loop3A_527 = arith.constant true
        %parallel_loop3A_528 = vector.broadcast %parallel_loop3A_527 : i1 to vector<16xi1>
        %parallel_loop3A_529, %parallel_loop3A_530 = tpu.scan_count mask(%parallel_loop3A_528 : vector<16xi1>) value(%parallel_loop3A_526 : vector<16xi32>) : vector<16xi1>, vector<16xi32>
        tpu.vector_store_idx %arg9[%parallel_loop3A_526], %parallel_loop3A_530 masked %parallel_loop3A_529 {add = true} : memref<77824xi32, #tpu.memory_space<vmem>>[vector<16xi32>], vector<16xi32>, vector<16xi1>
        %parallel_loop3A_531 = arith.mulf %parallel_loop3A_137, %parallel_loop3A_178 : vector<16xf32>
        %parallel_loop3A_532 = arith.constant 14 : i32
        %parallel_loop3A_533 = vector.broadcast %parallel_loop3A_532 : i32 to vector<16xi32>
        %parallel_loop3A_534 = arith.cmpi eq, %parallel_loop3A_180, %parallel_loop3A_533 : vector<16xi32>
        %parallel_loop3A_535 = arith.constant 1.000000e+00 : f32
        %parallel_loop3A_536 = vector.broadcast %parallel_loop3A_535 : f32 to vector<16xf32>
        %parallel_loop3A_537 = arith.subf %parallel_loop3A_536, %parallel_loop3A_531 : vector<16xf32>
        %parallel_loop3A_538 = arith.select %parallel_loop3A_534, %parallel_loop3A_537, %parallel_loop3A_531 : vector<16xi1>, vector<16xf32>
        %parallel_loop3A_539 = arith.constant 2.048000e+03 : f32
        %parallel_loop3A_540 = vector.broadcast %parallel_loop3A_539 : f32 to vector<16xf32>
        %parallel_loop3A_541 = arith.mulf %parallel_loop3A_538, %parallel_loop3A_540 : vector<16xf32>
        %parallel_loop3A_542 = arith.fptosi %parallel_loop3A_541 : vector<16xf32> to vector<16xi32>
        %parallel_loop3A_543 = arith.constant 2047 : i32
        %parallel_loop3A_544 = vector.broadcast %parallel_loop3A_543 : i32 to vector<16xi32>
        %parallel_loop3A_545 = arith.minsi %parallel_loop3A_542, %parallel_loop3A_544 : vector<16xi32>
        %parallel_loop3A_546 = arith.constant 67584 : i32
        %parallel_loop3A_547 = arith.constant 28672 : i32
        %parallel_loop3A_548 = vector.broadcast %parallel_loop3A_546 : i32 to vector<16xi32>
        %parallel_loop3A_549 = vector.broadcast %parallel_loop3A_547 : i32 to vector<16xi32>
        %parallel_loop3A_550 = arith.select %parallel_loop3A_534, %parallel_loop3A_548, %parallel_loop3A_549 : vector<16xi1>, vector<16xi32>
        %parallel_loop3A_551 = arith.addi %parallel_loop3A_550, %parallel_loop3A_545 : vector<16xi32>
        %parallel_loop3A_552 = arith.constant true
        %parallel_loop3A_553 = vector.broadcast %parallel_loop3A_552 : i1 to vector<16xi1>
        %parallel_loop3A_554, %parallel_loop3A_555 = tpu.scan_count mask(%parallel_loop3A_553 : vector<16xi1>) value(%parallel_loop3A_551 : vector<16xi32>) : vector<16xi1>, vector<16xi32>
        tpu.vector_store_idx %arg9[%parallel_loop3A_551], %parallel_loop3A_555 masked %parallel_loop3A_554 {add = true} : memref<77824xi32, #tpu.memory_space<vmem>>[vector<16xi32>], vector<16xi32>, vector<16xi1>
        %parallel_loop3A_556 = arith.mulf %parallel_loop3A_142, %parallel_loop3A_178 : vector<16xf32>
        %parallel_loop3A_557 = arith.constant 15 : i32
        %parallel_loop3A_558 = vector.broadcast %parallel_loop3A_557 : i32 to vector<16xi32>
        %parallel_loop3A_559 = arith.cmpi eq, %parallel_loop3A_180, %parallel_loop3A_558 : vector<16xi32>
        %parallel_loop3A_560 = arith.constant 1.000000e+00 : f32
        %parallel_loop3A_561 = vector.broadcast %parallel_loop3A_560 : f32 to vector<16xf32>
        %parallel_loop3A_562 = arith.subf %parallel_loop3A_561, %parallel_loop3A_556 : vector<16xf32>
        %parallel_loop3A_563 = arith.select %parallel_loop3A_559, %parallel_loop3A_562, %parallel_loop3A_556 : vector<16xi1>, vector<16xf32>
        %parallel_loop3A_564 = arith.constant 2.048000e+03 : f32
        %parallel_loop3A_565 = vector.broadcast %parallel_loop3A_564 : f32 to vector<16xf32>
        %parallel_loop3A_566 = arith.mulf %parallel_loop3A_563, %parallel_loop3A_565 : vector<16xf32>
        %parallel_loop3A_567 = arith.fptosi %parallel_loop3A_566 : vector<16xf32> to vector<16xi32>
        %parallel_loop3A_568 = arith.constant 2047 : i32
        %parallel_loop3A_569 = vector.broadcast %parallel_loop3A_568 : i32 to vector<16xi32>
        %parallel_loop3A_570 = arith.minsi %parallel_loop3A_567, %parallel_loop3A_569 : vector<16xi32>
        %parallel_loop3A_571 = arith.constant 69632 : i32
        %parallel_loop3A_572 = arith.constant 30720 : i32
        %parallel_loop3A_573 = vector.broadcast %parallel_loop3A_571 : i32 to vector<16xi32>
        %parallel_loop3A_574 = vector.broadcast %parallel_loop3A_572 : i32 to vector<16xi32>
        %parallel_loop3A_575 = arith.select %parallel_loop3A_559, %parallel_loop3A_573, %parallel_loop3A_574 : vector<16xi1>, vector<16xi32>
        %parallel_loop3A_576 = arith.addi %parallel_loop3A_575, %parallel_loop3A_570 : vector<16xi32>
        %parallel_loop3A_577 = arith.constant true
        %parallel_loop3A_578 = vector.broadcast %parallel_loop3A_577 : i1 to vector<16xi1>
        %parallel_loop3A_579, %parallel_loop3A_580 = tpu.scan_count mask(%parallel_loop3A_578 : vector<16xi1>) value(%parallel_loop3A_576 : vector<16xi32>) : vector<16xi1>, vector<16xi32>
        tpu.vector_store_idx %arg9[%parallel_loop3A_576], %parallel_loop3A_580 masked %parallel_loop3A_579 {add = true} : memref<77824xi32, #tpu.memory_space<vmem>>[vector<16xi32>], vector<16xi32>, vector<16xi1>
        %parallel_loop3A_581 = arith.mulf %parallel_loop3A_147, %parallel_loop3A_178 : vector<16xf32>
        %parallel_loop3A_582 = arith.constant 16 : i32
        %parallel_loop3A_583 = vector.broadcast %parallel_loop3A_582 : i32 to vector<16xi32>
        %parallel_loop3A_584 = arith.cmpi eq, %parallel_loop3A_180, %parallel_loop3A_583 : vector<16xi32>
        %parallel_loop3A_585 = arith.constant 1.000000e+00 : f32
        %parallel_loop3A_586 = vector.broadcast %parallel_loop3A_585 : f32 to vector<16xf32>
        %parallel_loop3A_587 = arith.subf %parallel_loop3A_586, %parallel_loop3A_581 : vector<16xf32>
        %parallel_loop3A_588 = arith.select %parallel_loop3A_584, %parallel_loop3A_587, %parallel_loop3A_581 : vector<16xi1>, vector<16xf32>
        %parallel_loop3A_589 = arith.constant 2.048000e+03 : f32
        %parallel_loop3A_590 = vector.broadcast %parallel_loop3A_589 : f32 to vector<16xf32>
        %parallel_loop3A_591 = arith.mulf %parallel_loop3A_588, %parallel_loop3A_590 : vector<16xf32>
        %parallel_loop3A_592 = arith.fptosi %parallel_loop3A_591 : vector<16xf32> to vector<16xi32>
        %parallel_loop3A_593 = arith.constant 2047 : i32
        %parallel_loop3A_594 = vector.broadcast %parallel_loop3A_593 : i32 to vector<16xi32>
        %parallel_loop3A_595 = arith.minsi %parallel_loop3A_592, %parallel_loop3A_594 : vector<16xi32>
        %parallel_loop3A_596 = arith.constant 71680 : i32
        %parallel_loop3A_597 = arith.constant 32768 : i32
        %parallel_loop3A_598 = vector.broadcast %parallel_loop3A_596 : i32 to vector<16xi32>
        %parallel_loop3A_599 = vector.broadcast %parallel_loop3A_597 : i32 to vector<16xi32>
        %parallel_loop3A_600 = arith.select %parallel_loop3A_584, %parallel_loop3A_598, %parallel_loop3A_599 : vector<16xi1>, vector<16xi32>
        %parallel_loop3A_601 = arith.addi %parallel_loop3A_600, %parallel_loop3A_595 : vector<16xi32>
        %parallel_loop3A_602 = arith.constant true
        %parallel_loop3A_603 = vector.broadcast %parallel_loop3A_602 : i1 to vector<16xi1>
        %parallel_loop3A_604, %parallel_loop3A_605 = tpu.scan_count mask(%parallel_loop3A_603 : vector<16xi1>) value(%parallel_loop3A_601 : vector<16xi32>) : vector<16xi1>, vector<16xi32>
        tpu.vector_store_idx %arg9[%parallel_loop3A_601], %parallel_loop3A_605 masked %parallel_loop3A_604 {add = true} : memref<77824xi32, #tpu.memory_space<vmem>>[vector<16xi32>], vector<16xi32>, vector<16xi1>
        %parallel_loop3A_606 = arith.mulf %parallel_loop3A_152, %parallel_loop3A_178 : vector<16xf32>
        %parallel_loop3A_607 = arith.constant 17 : i32
        %parallel_loop3A_608 = vector.broadcast %parallel_loop3A_607 : i32 to vector<16xi32>
        %parallel_loop3A_609 = arith.cmpi eq, %parallel_loop3A_180, %parallel_loop3A_608 : vector<16xi32>
        %parallel_loop3A_610 = arith.constant 1.000000e+00 : f32
        %parallel_loop3A_611 = vector.broadcast %parallel_loop3A_610 : f32 to vector<16xf32>
        %parallel_loop3A_612 = arith.subf %parallel_loop3A_611, %parallel_loop3A_606 : vector<16xf32>
        %parallel_loop3A_613 = arith.select %parallel_loop3A_609, %parallel_loop3A_612, %parallel_loop3A_606 : vector<16xi1>, vector<16xf32>
        %parallel_loop3A_614 = arith.constant 2.048000e+03 : f32
        %parallel_loop3A_615 = vector.broadcast %parallel_loop3A_614 : f32 to vector<16xf32>
        %parallel_loop3A_616 = arith.mulf %parallel_loop3A_613, %parallel_loop3A_615 : vector<16xf32>
        %parallel_loop3A_617 = arith.fptosi %parallel_loop3A_616 : vector<16xf32> to vector<16xi32>
        %parallel_loop3A_618 = arith.constant 2047 : i32
        %parallel_loop3A_619 = vector.broadcast %parallel_loop3A_618 : i32 to vector<16xi32>
        %parallel_loop3A_620 = arith.minsi %parallel_loop3A_617, %parallel_loop3A_619 : vector<16xi32>
        %parallel_loop3A_621 = arith.constant 73728 : i32
        %parallel_loop3A_622 = arith.constant 34816 : i32
        %parallel_loop3A_623 = vector.broadcast %parallel_loop3A_621 : i32 to vector<16xi32>
        %parallel_loop3A_624 = vector.broadcast %parallel_loop3A_622 : i32 to vector<16xi32>
        %parallel_loop3A_625 = arith.select %parallel_loop3A_609, %parallel_loop3A_623, %parallel_loop3A_624 : vector<16xi1>, vector<16xi32>
        %parallel_loop3A_626 = arith.addi %parallel_loop3A_625, %parallel_loop3A_620 : vector<16xi32>
        %parallel_loop3A_627 = arith.constant true
        %parallel_loop3A_628 = vector.broadcast %parallel_loop3A_627 : i1 to vector<16xi1>
        %parallel_loop3A_629, %parallel_loop3A_630 = tpu.scan_count mask(%parallel_loop3A_628 : vector<16xi1>) value(%parallel_loop3A_626 : vector<16xi32>) : vector<16xi1>, vector<16xi32>
        tpu.vector_store_idx %arg9[%parallel_loop3A_626], %parallel_loop3A_630 masked %parallel_loop3A_629 {add = true} : memref<77824xi32, #tpu.memory_space<vmem>>[vector<16xi32>], vector<16xi32>, vector<16xi1>
        %parallel_loop3A_631 = arith.mulf %parallel_loop3A_157, %parallel_loop3A_178 : vector<16xf32>
        %parallel_loop3A_632 = arith.constant 18 : i32
        %parallel_loop3A_633 = vector.broadcast %parallel_loop3A_632 : i32 to vector<16xi32>
        %parallel_loop3A_634 = arith.cmpi eq, %parallel_loop3A_180, %parallel_loop3A_633 : vector<16xi32>
        %parallel_loop3A_635 = arith.constant 1.000000e+00 : f32
        %parallel_loop3A_636 = vector.broadcast %parallel_loop3A_635 : f32 to vector<16xf32>
        %parallel_loop3A_637 = arith.subf %parallel_loop3A_636, %parallel_loop3A_631 : vector<16xf32>
        %parallel_loop3A_638 = arith.select %parallel_loop3A_634, %parallel_loop3A_637, %parallel_loop3A_631 : vector<16xi1>, vector<16xf32>
        %parallel_loop3A_639 = arith.constant 2.048000e+03 : f32
        %parallel_loop3A_640 = vector.broadcast %parallel_loop3A_639 : f32 to vector<16xf32>
        %parallel_loop3A_641 = arith.mulf %parallel_loop3A_638, %parallel_loop3A_640 : vector<16xf32>
        %parallel_loop3A_642 = arith.fptosi %parallel_loop3A_641 : vector<16xf32> to vector<16xi32>
        %parallel_loop3A_643 = arith.constant 2047 : i32
        %parallel_loop3A_644 = vector.broadcast %parallel_loop3A_643 : i32 to vector<16xi32>
        %parallel_loop3A_645 = arith.minsi %parallel_loop3A_642, %parallel_loop3A_644 : vector<16xi32>
        %parallel_loop3A_646 = arith.constant 75776 : i32
        %parallel_loop3A_647 = arith.constant 36864 : i32
        %parallel_loop3A_648 = vector.broadcast %parallel_loop3A_646 : i32 to vector<16xi32>
        %parallel_loop3A_649 = vector.broadcast %parallel_loop3A_647 : i32 to vector<16xi32>
        %parallel_loop3A_650 = arith.select %parallel_loop3A_634, %parallel_loop3A_648, %parallel_loop3A_649 : vector<16xi1>, vector<16xi32>
        %parallel_loop3A_651 = arith.addi %parallel_loop3A_650, %parallel_loop3A_645 : vector<16xi32>
        %parallel_loop3A_652 = arith.constant true
        %parallel_loop3A_653 = vector.broadcast %parallel_loop3A_652 : i1 to vector<16xi1>
        %parallel_loop3A_654, %parallel_loop3A_655 = tpu.scan_count mask(%parallel_loop3A_653 : vector<16xi1>) value(%parallel_loop3A_651 : vector<16xi32>) : vector<16xi1>, vector<16xi32>
        tpu.vector_store_idx %arg9[%parallel_loop3A_651], %parallel_loop3A_655 masked %parallel_loop3A_654 {add = true} : memref<77824xi32, #tpu.memory_space<vmem>>[vector<16xi32>], vector<16xi32>, vector<16xi1>
      } {sc.loop_unroll_factor = 1 : i64, sc.parallel_access}
    }
    %scan3A_21 = arith.constant 16 : i32
    "tpu.region"() ({
      %run_scoped3A = tpu.sem_alloc : memref<!tpu.dma_semaphore, #tpu.memory_space<semaphore_mem>>
      %dma_start3A_22 = arith.constant 0 : i32
      %dma_start3A_23 = tpu.memref_slice %arg4[%add3A, %dma_start3A_22] : memref<32x77824xi32, #tpu.memory_space<hbm>> -> memref<1x77824xi32, #tpu.memory_space<hbm>>
      %dma_start3A_24 = tpu.memref_squeeze %dma_start3A_23 : memref<1x77824xi32, #tpu.memory_space<hbm>> -> memref<77824xi32, #tpu.memory_space<hbm>>
      %dma_start3A_25 = arith.constant 0 : i32
      %dma_start3A_26 = tpu.memref_slice %arg4[%add3A, %dma_start3A_25] : memref<32x77824xi32, #tpu.memory_space<hbm>> -> memref<1x77824xi32, #tpu.memory_space<hbm>>
      %dma_start3A_27 = tpu.memref_squeeze %dma_start3A_26 : memref<1x77824xi32, #tpu.memory_space<hbm>> -> memref<77824xi32, #tpu.memory_space<hbm>>
      tpu.enqueue_dma source(%arg9 : memref<77824xi32, #tpu.memory_space<vmem>>) target(%dma_start3A_27 : memref<77824xi32, #tpu.memory_space<hbm>>) target_semaphore(%run_scoped3A : memref<!tpu.dma_semaphore, #tpu.memory_space<semaphore_mem>>)
      %dma_wait3A = arith.constant 0 : i32
      %dma_wait3A_28 = tpu.memref_slice %arg4[%add3A, %dma_wait3A] : memref<32x77824xi32, #tpu.memory_space<hbm>> -> memref<1x77824xi32, #tpu.memory_space<hbm>>
      %dma_wait3A_29 = tpu.memref_squeeze %dma_wait3A_28 : memref<1x77824xi32, #tpu.memory_space<hbm>> -> memref<77824xi32, #tpu.memory_space<hbm>>
      %dma_wait3A_30 = arith.constant 0 : i32
      %dma_wait3A_31 = tpu.memref_slice %arg4[%add3A, %dma_wait3A_30] : memref<32x77824xi32, #tpu.memory_space<hbm>> -> memref<1x77824xi32, #tpu.memory_space<hbm>>
      %dma_wait3A_32 = tpu.memref_squeeze %dma_wait3A_31 : memref<1x77824xi32, #tpu.memory_space<hbm>> -> memref<77824xi32, #tpu.memory_space<hbm>>
      tpu.wait_dma2 semaphore(%run_scoped3A : memref<!tpu.dma_semaphore, #tpu.memory_space<semaphore_mem>>) src(%arg9 : memref<77824xi32, #tpu.memory_space<vmem>>) dst(%dma_wait3A_32 : memref<77824xi32, #tpu.memory_space<hbm>>)
      tpu.yield
    }) : () -> ()
    return
  }
}

module attributes {stable_mosaic.version = 14 : i64} {
  func.func @_tc_body(%arg0: i32, %arg1: memref<1x2x19x2048xi32, #tpu.memory_space<vmem>>, %arg2: memref<1x1xf32, #tpu.memory_space<vmem>>, %arg3: memref<2x19x2048xf32, #tpu.memory_space<vmem>>) attributes {dimension_semantics = [#tpu.dimension_semantics<arbitrary>], iteration_bounds = array<i64: 32>, scalar_prefetch = 0 : i64, scratch_operands = 1 : i64, tpu.core_type = #tpu.core_type<tc>, window_params = [{transform_indices = @transform_0, window_bounds = array<i64: 1, 2, 19, 2048>}, {pipeline_mode = #tpu.pipeline_mode<synchronous>, transform_indices = @transform_1, window_bounds = array<i64: 1, 1>}]} {
    %eq3A = arith.constant 0 : i32
    %eq3A_0 = arith.cmpi eq, %arg0, %eq3A : i32
    %convert_element_type3A = arith.extui %eq3A_0 : i1 to i32
    %cond3A = arith.constant 0 : i32
    %cond3A_1 = arith.cmpi ne, %convert_element_type3A, %cond3A : i32
    scf.if %cond3A_1 {
      %broadcast_in_dim3A = arith.constant 0.000000e+00 : f32
      %broadcast_in_dim3A_19 = vector.broadcast %broadcast_in_dim3A : f32 to vector<2x19x2048xf32>
      %swap3A_20 = arith.constant 0 : index
      %swap3A_21 = arith.constant 0 : index
      %swap3A_22 = arith.constant 0 : index
      %swap3A_23 = vector.load %arg3[%swap3A_20, %swap3A_21, %swap3A_22] : memref<2x19x2048xf32, #tpu.memory_space<vmem>>, vector<2x19x2048xf32>
      tpu.vector_store %arg3[%swap3A_20, %swap3A_21, %swap3A_22], %broadcast_in_dim3A_19 {strides = array<i32>} : memref<2x19x2048xf32, #tpu.memory_space<vmem>>, vector<2x19x2048xf32>,
    } else {
    }
    %get3A = arith.constant 0 : index
    %get3A_2 = arith.constant 0 : index
    %get3A_3 = arith.constant 0 : index
    %get3A_4 = vector.load %arg3[%get3A, %get3A_2, %get3A_3] : memref<2x19x2048xf32, #tpu.memory_space<vmem>>, vector<2x19x2048xf32>
    %get3A_5 = arith.constant 0 : index
    %get3A_6 = arith.constant 0 : index
    %get3A_7 = arith.constant 0 : index
    %get3A_8 = arith.constant 0 : index
    %get3A_9 = vector.load %arg1[%get3A_5, %get3A_6, %get3A_7, %get3A_8] : memref<1x2x19x2048xi32, #tpu.memory_space<vmem>>, vector<1x2x19x2048xi32>
    %squeeze3A = vector.shape_cast %get3A_9 : vector<1x2x19x2048xi32> to vector<2x19x2048xi32>
    %convert_element_type3A_10 = arith.sitofp %squeeze3A : vector<2x19x2048xi32> to vector<2x19x2048xf32>
    %add3A = arith.addf %get3A_4, %convert_element_type3A_10 : vector<2x19x2048xf32>
    %swap3A = arith.constant 0 : index
    %swap3A_11 = arith.constant 0 : index
    %swap3A_12 = arith.constant 0 : index
    %swap3A_13 = vector.load %arg3[%swap3A, %swap3A_11, %swap3A_12] : memref<2x19x2048xf32, #tpu.memory_space<vmem>>, vector<2x19x2048xf32>
    tpu.vector_store %arg3[%swap3A, %swap3A_11, %swap3A_12], %add3A {strides = array<i32>} : memref<2x19x2048xf32, #tpu.memory_space<vmem>>, vector<2x19x2048xf32>,
    %eq3A_14 = arith.constant 31 : i32
    %eq3A_15 = arith.cmpi eq, %arg0, %eq3A_14 : i32
    %convert_element_type3A_16 = arith.extui %eq3A_15 : i1 to i32
    %cond3A_17 = arith.constant 0 : i32
    %cond3A_18 = arith.cmpi ne, %convert_element_type3A_16, %cond3A_17 : i32
    scf.if %cond3A_18 {
      %get3A_19 = arith.constant 0 : index
      %get3A_20 = arith.constant 0 : index
      %get3A_21 = arith.constant 0 : index
      %get3A_22 = vector.load %arg3[%get3A_19, %get3A_20, %get3A_21] : memref<2x19x2048xf32, #tpu.memory_space<vmem>>, vector<2x19x2048xf32>
      %slice3A = vector.extract_strided_slice %get3A_22 {offsets = [1, 0, 0], sizes = [1, 19, 2048], strides = [1, 1, 1]} : vector<2x19x2048xf32> to vector<1x19x2048xf32>
      %squeeze3A_23 = vector.shape_cast %slice3A : vector<1x19x2048xf32> to vector<19x2048xf32>
      %slice3A_24 = vector.extract_strided_slice %get3A_22 {offsets = [0, 0, 0], sizes = [1, 19, 2048], strides = [1, 1, 1]} : vector<2x19x2048xf32> to vector<1x19x2048xf32>
      %squeeze3A_25 = vector.shape_cast %slice3A_24 : vector<1x19x2048xf32> to vector<19x2048xf32>
      %add3A_26 = arith.addf %squeeze3A_25, %squeeze3A_23 : vector<19x2048xf32>
      %concatenate3A = tpu.concatenate %add3A_26, %squeeze3A_23 in 0 : vector<19x2048xf32>, vector<19x2048xf32> -> vector<38x2048xf32>
      %slice3A_27 = vector.extract_strided_slice %concatenate3A {offsets = [0, 1], sizes = [38, 2047], strides = [1, 1]} : vector<38x2048xf32> to vector<38x2047xf32>
      %broadcast_in_dim3A = arith.constant 0.000000e+00 : f32
      %broadcast_in_dim3A_28 = vector.broadcast %broadcast_in_dim3A : f32 to vector<38x1xf32>
      %concatenate3A_29 = tpu.concatenate %slice3A_27, %broadcast_in_dim3A_28 in 1 : vector<38x2047xf32>, vector<38x1xf32> -> vector<38x2048xf32>
      %add3A_30 = arith.addf %concatenate3A, %concatenate3A_29 : vector<38x2048xf32>
      %slice3A_31 = vector.extract_strided_slice %add3A_30 {offsets = [0, 2], sizes = [38, 2046], strides = [1, 1]} : vector<38x2048xf32> to vector<38x2046xf32>
      %broadcast_in_dim3A_32 = arith.constant 0.000000e+00 : f32
      %broadcast_in_dim3A_33 = vector.broadcast %broadcast_in_dim3A_32 : f32 to vector<38x2xf32>
      %concatenate3A_34 = tpu.concatenate %slice3A_31, %broadcast_in_dim3A_33 in 1 : vector<38x2046xf32>, vector<38x2xf32> -> vector<38x2048xf32>
      %add3A_35 = arith.addf %add3A_30, %concatenate3A_34 : vector<38x2048xf32>
      %slice3A_36 = vector.extract_strided_slice %add3A_35 {offsets = [0, 4], sizes = [38, 2044], strides = [1, 1]} : vector<38x2048xf32> to vector<38x2044xf32>
      %broadcast_in_dim3A_37 = arith.constant 0.000000e+00 : f32
      %broadcast_in_dim3A_38 = vector.broadcast %broadcast_in_dim3A_37 : f32 to vector<38x4xf32>
      %concatenate3A_39 = tpu.concatenate %slice3A_36, %broadcast_in_dim3A_38 in 1 : vector<38x2044xf32>, vector<38x4xf32> -> vector<38x2048xf32>
      %add3A_40 = arith.addf %add3A_35, %concatenate3A_39 : vector<38x2048xf32>
      %slice3A_41 = vector.extract_strided_slice %add3A_40 {offsets = [0, 8], sizes = [38, 2040], strides = [1, 1]} : vector<38x2048xf32> to vector<38x2040xf32>
      %broadcast_in_dim3A_42 = arith.constant 0.000000e+00 : f32
      %broadcast_in_dim3A_43 = vector.broadcast %broadcast_in_dim3A_42 : f32 to vector<38x8xf32>
      %concatenate3A_44 = tpu.concatenate %slice3A_41, %broadcast_in_dim3A_43 in 1 : vector<38x2040xf32>, vector<38x8xf32> -> vector<38x2048xf32>
      %add3A_45 = arith.addf %add3A_40, %concatenate3A_44 : vector<38x2048xf32>
      %slice3A_46 = vector.extract_strided_slice %add3A_45 {offsets = [0, 16], sizes = [38, 2032], strides = [1, 1]} : vector<38x2048xf32> to vector<38x2032xf32>
      %broadcast_in_dim3A_47 = arith.constant 0.000000e+00 : f32
      %broadcast_in_dim3A_48 = vector.broadcast %broadcast_in_dim3A_47 : f32 to vector<38x16xf32>
      %concatenate3A_49 = tpu.concatenate %slice3A_46, %broadcast_in_dim3A_48 in 1 : vector<38x2032xf32>, vector<38x16xf32> -> vector<38x2048xf32>
      %add3A_50 = arith.addf %add3A_45, %concatenate3A_49 : vector<38x2048xf32>
      %slice3A_51 = vector.extract_strided_slice %add3A_50 {offsets = [0, 32], sizes = [38, 2016], strides = [1, 1]} : vector<38x2048xf32> to vector<38x2016xf32>
      %broadcast_in_dim3A_52 = arith.constant 0.000000e+00 : f32
      %broadcast_in_dim3A_53 = vector.broadcast %broadcast_in_dim3A_52 : f32 to vector<38x32xf32>
      %concatenate3A_54 = tpu.concatenate %slice3A_51, %broadcast_in_dim3A_53 in 1 : vector<38x2016xf32>, vector<38x32xf32> -> vector<38x2048xf32>
      %add3A_55 = arith.addf %add3A_50, %concatenate3A_54 : vector<38x2048xf32>
      %slice3A_56 = vector.extract_strided_slice %add3A_55 {offsets = [0, 64], sizes = [38, 1984], strides = [1, 1]} : vector<38x2048xf32> to vector<38x1984xf32>
      %broadcast_in_dim3A_57 = arith.constant 0.000000e+00 : f32
      %broadcast_in_dim3A_58 = vector.broadcast %broadcast_in_dim3A_57 : f32 to vector<38x64xf32>
      %concatenate3A_59 = tpu.concatenate %slice3A_56, %broadcast_in_dim3A_58 in 1 : vector<38x1984xf32>, vector<38x64xf32> -> vector<38x2048xf32>
      %add3A_60 = arith.addf %add3A_55, %concatenate3A_59 : vector<38x2048xf32>
      %slice3A_61 = vector.extract_strided_slice %add3A_60 {offsets = [0, 128], sizes = [38, 1920], strides = [1, 1]} : vector<38x2048xf32> to vector<38x1920xf32>
      %broadcast_in_dim3A_62 = arith.constant 0.000000e+00 : f32
      %broadcast_in_dim3A_63 = vector.broadcast %broadcast_in_dim3A_62 : f32 to vector<38x128xf32>
      %concatenate3A_64 = tpu.concatenate %slice3A_61, %broadcast_in_dim3A_63 in 1 : vector<38x1920xf32>, vector<38x128xf32> -> vector<38x2048xf32>
      %add3A_65 = arith.addf %add3A_60, %concatenate3A_64 : vector<38x2048xf32>
      %slice3A_66 = vector.extract_strided_slice %add3A_65 {offsets = [0, 256], sizes = [38, 1792], strides = [1, 1]} : vector<38x2048xf32> to vector<38x1792xf32>
      %broadcast_in_dim3A_67 = arith.constant 0.000000e+00 : f32
      %broadcast_in_dim3A_68 = vector.broadcast %broadcast_in_dim3A_67 : f32 to vector<38x256xf32>
      %concatenate3A_69 = tpu.concatenate %slice3A_66, %broadcast_in_dim3A_68 in 1 : vector<38x1792xf32>, vector<38x256xf32> -> vector<38x2048xf32>
      %add3A_70 = arith.addf %add3A_65, %concatenate3A_69 : vector<38x2048xf32>
      %slice3A_71 = vector.extract_strided_slice %add3A_70 {offsets = [0, 512], sizes = [38, 1536], strides = [1, 1]} : vector<38x2048xf32> to vector<38x1536xf32>
      %broadcast_in_dim3A_72 = arith.constant 0.000000e+00 : f32
      %broadcast_in_dim3A_73 = vector.broadcast %broadcast_in_dim3A_72 : f32 to vector<38x512xf32>
      %concatenate3A_74 = tpu.concatenate %slice3A_71, %broadcast_in_dim3A_73 in 1 : vector<38x1536xf32>, vector<38x512xf32> -> vector<38x2048xf32>
      %add3A_75 = arith.addf %add3A_70, %concatenate3A_74 : vector<38x2048xf32>
      %slice3A_76 = vector.extract_strided_slice %add3A_75 {offsets = [0, 1024], sizes = [38, 1024], strides = [1, 1]} : vector<38x2048xf32> to vector<38x1024xf32>
      %broadcast_in_dim3A_77 = arith.constant 0.000000e+00 : f32
      %broadcast_in_dim3A_78 = vector.broadcast %broadcast_in_dim3A_77 : f32 to vector<38x1024xf32>
      %concatenate3A_79 = tpu.concatenate %slice3A_76, %broadcast_in_dim3A_78 in 1 : vector<38x1024xf32>, vector<38x1024xf32> -> vector<38x2048xf32>
      %add3A_80 = arith.addf %add3A_75, %concatenate3A_79 : vector<38x2048xf32>
      %sub3A = arith.subf %add3A_80, %concatenate3A : vector<38x2048xf32>
      %slice3A_81 = vector.extract_strided_slice %sub3A {offsets = [0, 0], sizes = [19, 2048], strides = [1, 1]} : vector<38x2048xf32> to vector<19x2048xf32>
      %slice3A_82 = vector.extract_strided_slice %sub3A {offsets = [19, 0], sizes = [19, 2048], strides = [1, 1]} : vector<38x2048xf32> to vector<19x2048xf32>
      %reduce_sum3A = arith.constant dense<0.000000e+00> : vector<19xf32>
      %reduce_sum3A_83 = vector.multi_reduction <add>, %squeeze3A_23, %reduce_sum3A [1] : vector<19x2048xf32> to vector<19xf32>
      %broadcast_in_dim3A_84 = vector.shape_cast %reduce_sum3A_83 : vector<19xf32> to vector<19x1xf32>
      %add3A_85 = vector.broadcast %broadcast_in_dim3A_84 : vector<19x1xf32> to vector<19x2048xf32>
      %add3A_86 = arith.addf %add3A_85, %slice3A_81 : vector<19x2048xf32>
      %sub3A_87 = arith.subf %add3A_86, %slice3A_82 : vector<19x2048xf32>
      %max3A = arith.constant 1.000000e+00 : f32
      %max3A_88 = vector.broadcast %max3A : f32 to vector<19x2048xf32>
      %max3A_89 = arith.maximumf %sub3A_87, %max3A_88 : vector<19x2048xf32>
      %sub3A_90 = arith.subf %add3A_26, %squeeze3A_23 : vector<19x2048xf32>
      %iota3A = tpu.iota {dimensions = array<i32: 1>} : vector<19x2048xi32>
      %convert_element_type3A_91 = arith.sitofp %iota3A : vector<19x2048xi32> to vector<19x2048xf32>
      %add3A_92 = arith.constant 5.000000e-01 : f32
      %add3A_93 = vector.broadcast %add3A_92 : f32 to vector<19x2048xf32>
      %add3A_94 = arith.addf %convert_element_type3A_91, %add3A_93 : vector<19x2048xf32>
      %div3A = arith.constant 2.048000e+03 : f32
      %div3A_95 = vector.broadcast %div3A : f32 to vector<19x2048xf32>
      %div3A_96 = arith.divf %add3A_94, %div3A_95 : vector<19x2048xf32>
      %mul3A = arith.mulf %div3A_96, %squeeze3A_23 : vector<19x2048xf32>
      %div3A_97 = arith.divf %mul3A, %max3A_89 : vector<19x2048xf32>
      %sub3A_98 = vector.broadcast %broadcast_in_dim3A_84 : vector<19x1xf32> to vector<19x2048xf32>
      %sub3A_99 = arith.subf %sub3A_98, %slice3A_82 : vector<19x2048xf32>
      %sub3A_100 = arith.subf %sub3A_99, %squeeze3A_23 : vector<19x2048xf32>
      %mul3A_101 = arith.mulf %div3A_96, %sub3A_100 : vector<19x2048xf32>
      %mul3A_102 = arith.mulf %mul3A_101, %sub3A_90 : vector<19x2048xf32>
      %add3A_103 = arith.addf %max3A_89, %sub3A_90 : vector<19x2048xf32>
      %mul3A_104 = arith.mulf %max3A_89, %add3A_103 : vector<19x2048xf32>
      %div3A_105 = arith.divf %mul3A_102, %mul3A_104 : vector<19x2048xf32>
      %add3A_106 = arith.addf %div3A_97, %div3A_105 : vector<19x2048xf32>
      %reduce_sum3A_107 = arith.constant dense<0.000000e+00> : vector<19xf32>
      %reduce_sum3A_108 = vector.multi_reduction <add>, %add3A_106, %reduce_sum3A_107 [1] : vector<19x2048xf32> to vector<19xf32>
      %broadcast_in_dim3A_109 = vector.shape_cast %reduce_sum3A_108 : vector<19xf32> to vector<19x1xf32>
      %gt3A = arith.constant 0.000000e+00 : f32
      %gt3A_110 = vector.broadcast %gt3A : f32 to vector<19x2048xf32>
      %gt3A_111 = arith.cmpf ogt, %add3A_26, %gt3A_110 : vector<19x2048xf32>
      %jit3A = arith.constant -1.000000e+00 : f32
      %broadcast_in_dim3A_112 = vector.broadcast %jit3A : f32 to vector<19x2048xf32>
      %select_n3A = arith.select %gt3A_111, %div3A_96, %broadcast_in_dim3A_112 : vector<19x2048xi1>, vector<19x2048xf32>
      %reduce_max3A = arith.constant dense<0xFF800000> : vector<19xf32>
      %reduce_max3A_113 = vector.multi_reduction <maximumf>, %select_n3A, %reduce_max3A [1] : vector<19x2048xf32> to vector<19xf32>
      %broadcast_in_dim3A_114 = vector.shape_cast %reduce_max3A_113 : vector<19xf32> to vector<19x1xf32>
      %gt3A_115 = arith.constant 0.000000e+00 : f32
      %gt3A_116 = vector.broadcast %gt3A_115 : f32 to vector<19x1xf32>
      %gt3A_117 = arith.cmpf ogt, %broadcast_in_dim3A_84, %gt3A_116 : vector<19x1xf32>
      %select_n3A_118 = arith.select %gt3A_117, %broadcast_in_dim3A_109, %broadcast_in_dim3A_114 : vector<19x1xi1>, vector<19x1xf32>
      %reduce_sum3A_119 = arith.constant dense<0.000000e+00> : vector<1xf32>
      %reduce_sum3A_120 = vector.multi_reduction <add>, %select_n3A_118, %reduce_sum3A_119 [0] : vector<19x1xf32> to vector<1xf32>
      %broadcast_in_dim3A_121 = vector.shape_cast %reduce_sum3A_120 : vector<1xf32> to vector<1x1xf32>
      %div3A_122 = arith.constant 1.900000e+01 : f32
      %div3A_123 = vector.broadcast %div3A_122 : f32 to vector<1x1xf32>
      %div3A_124 = arith.divf %broadcast_in_dim3A_121, %div3A_123 : vector<1x1xf32>
      %swap3A_125 = arith.constant 0 : index
      %swap3A_126 = arith.constant 0 : index
      %swap3A_127 = vector.load %arg2[%swap3A_125, %swap3A_126] : memref<1x1xf32, #tpu.memory_space<vmem>>, vector<1x1xf32>
      tpu.vector_store %arg2[%swap3A_125, %swap3A_126], %div3A_124 {strides = array<i32>} : memref<1x1xf32, #tpu.memory_space<vmem>>, vector<1x1xf32>,
    } else {
    }
    return
  }
  func.func @transform_0(%arg0: i32) -> (i32, i32, i32, i32) {
    %c0_i32 = arith.constant 0 : i32
    %c0_i32_0 = arith.constant 0 : i32
    %c0_i32_1 = arith.constant 0 : i32
    %c0_i32_2 = arith.constant 0 : i32
    return %arg0, %c0_i32, %c0_i32_0, %c0_i32_1 : i32, i32, i32, i32
  }
  func.func @transform_1(%arg0: i32) -> (i32, i32) {
    %c0_i32 = arith.constant 0 : i32
    %c0_i32_0 = arith.constant 0 : i32
    %c0_i32_1 = arith.constant 0 : i32
    return %c0_i32, %c0_i32_0 : i32, i32
  }
}

</mosaic_0001>

<sc_bundles>
// kernel: kernel.4.cloned.1.call-start
scs
__scs_entry_jumppad:
0x0: {  	(pc) =	sbr.rel $0x88, $3  }
0x1: {  	(tag) =	ssettag $0x0;
	lr =	simm.s32 $0x1  }
0x2: {  	[smem:$0x3F9F] =	sst lr;
	_ =	strace $0xD0000000  }
0x3: {  	_ = 	snop  }
0x4: {  	_ = 	snop  }
0x5: {  	_ = 	snop  }
0x6: {  	_ = 	snop  }
0x7: {  	_ = 	snop  }
__scs_overlays_trampoline_lowered:
0x8: {  	[smem:$0x3FAE] =	sst s0  }
0x9: {  	[smem:$0x3FAF] =	sst s1  }
0xa: {  	[smem:$0x3FB0] =	sst s2  }
0xb: {  	[smem:$0x3FB1] =	sst s3  }
0xc: {  	[smem:$0x3FB2] =	sst s4  }
0xd: {  	[smem:$0x3FB3] =	sst s5  }
0xe: {  	[smem:$0x3FB4] =	sst s6  }
0xf: {  	[smem:$0x3FB5] =	sst s7  }
0x10: {  	[smem:$0x3FB6] =	sst s8  }
0x11: {  	[smem:$0x3FB7] =	sst s9;
	s0 =	simm.s32 @!p0 $0x0  }
0x12: {  	s1 =	sld [smem:$0x3F9D];
	s0 =	simm.s32 @p0 $0x1  }
0x13: {  	[smem:$0x3FB8] =	sst s0;
	s0 =	simm.s32 @!p1 $0x0  }
0x14: {  	s2 =	sld [smem:$0x3F9C];
	s0 =	simm.s32 @p1 $0x1  }
0x15: {  	[smem:$0x3FB9] =	sst s0;
	s0 =	simm.s32 @!p2 $0x0  }
0x16: {  	s3 =	sld [smem:$0x3FDB];
	s0 =	simm.s32 @p2 $0x1  }
0x17: {  	s4 =	simm.s32 $0x1BF5;
	[smem:$0x3FBB] =	sst s0  }
0x18: {  	s0 =	sld [smem:$0x3F9E];
	_ =	swait.ge [sflag:s4], $0x0  }
0x19: {  	s7 =	sld [smem:$0x3F9F]  }
0x1a: {  	s8 =	sadd.s32 $0xFFFFE003, lr  }
0x1b: {  	s9 =	sadd.s32 $0xFFFFFEF7, lr;
	s5 =	simm.s32 $0xFFFFFFFF;
	p2 =	slt.u32 s8, $0xFFFFF086  }
0x1c: {  	p1 =	slt.u32 s9, $0xF7A;
	s5 =	simm.s32 @!p2 $0x0  }
0x1d: {  	s5 =	simm.s32 @p1 $0x1;
	p0 =	seq.s32 s7, s2  }
0x1e: {  	s7 =	smul.u32 @!p0 $0xF7A, s2;
	p2 =	seq.s32 @!p0 s5, $0x0  }
0x1f: {  	s9 =	smul.u32 $0xF7A, s1;
	s8 =	simm.s32 @!p0 $0x1BF5;
	p2 =	por !p2, p0  }
0x20: {  	[sflag:s8] =	ssyncset.s32 @!p0 $0xFFFFF086;
	s6 =	sadd.s32 @!p0 s3, s7;
	s7 =	simm.s32 @!p0 $0x108  }
0x21: {  	s3 =	sadd.s32 s3, s9;
	s6 =	sadd.s32 @!p0 $0x88, s6;
	s7 =	simm.s32 @p2 $0x1082  }
0x22: {  	[simem:s7], [sflag:s8] =	dma.local @!p0 [hbm:s6], $0xF7A  }
0x23: {  	s9 =	sor.u32 $0xD0000000, s2;
	s6 =	simm.s32 $0x108;
	_ =	swait.ge @!p0 [sflag:s8], $0x0  }
0x24: {  	s3 =	sadd.s32 $0x88, s3;
	s6 =	simm.s32 @!p1 $0x1082;
	[sflag:s4] =	ssyncset.s32 $0xFFFFF086  }
0x25: {  	[simem:s6], [sflag:s4] =	dma.local [hbm:s3], $0xF7A  }
0x26: {  	[smem:$0x3F9F] =	sst s1;
	(tag) =	ssettag s2;
	_ =	strace s9  }
0x27: {  	s1 =	sld [smem:$0x3FAF]  }
0x28: {  	s2 =	sld [smem:$0x3FB0]  }
0x29: {  	s4 =	sld [smem:$0x3FB2]  }
0x2a: {  	p0 =	seq.s32 s5, $0x0;
	s5 =	sld [smem:$0x3FB3]  }
0x2b: {  	s6 =	sld [smem:$0x3FB4]  }
0x2c: {  	s7 =	sld [smem:$0x3FB5]  }
0x2d: {  	s3 =	simm.s32 $0x108;
	s8 =	sld [smem:$0x3FB6]  }
0x2e: {  	s3 =	simm.s32 @!p0 $0x1082;
	s9 =	sld [smem:$0x3FB7]  }
0x2f: {  	lr =	sadd.s32 s0, s3;
	s0 =	sld [smem:$0x3FAE]  }
0x30: {  	s3 =	sld [smem:$0x3FB1]  }
0x31: {  	[smem:$0x3FBA] =	sst s10  }
0x32: {  	s10 =	sld [smem:$0x3FB8];
	_ =	sdelay $0x3  }
0x33: {  	p0 =	seq.s32 s10, $0x1;
	s10 =	sld [smem:$0x3FBA];
	_ =	sdelay $0x3  }
0x34: {  	[smem:$0x3FBA] =	sst s10  }
0x35: {  	s10 =	sld [smem:$0x3FB9];
	_ =	sdelay $0x3  }
0x36: {  	p1 =	seq.s32 s10, $0x1;
	s10 =	sld [smem:$0x3FBA];
	_ =	sdelay $0x3  }
0x37: {  	[smem:$0x3FBA] =	sst s10  }
0x38: {  	s10 =	sld [smem:$0x3FBB]  }
0x39: {  	_ = 	snop;
	(pc) =	sbr.ind lr, $3  }
0x3a: {  	_ = 	snop  }
0x3b: {  	_ = 	snop  }
0x3c: {  	p2 =	seq.s32 s10, $0x1;
	s10 =	sld [smem:$0x3FBA]  }
0x3d: {  	_ =	shalt  }
0x3e: {  	_ =	shalt  }
0x3f: {  	_ =	shalt  }
0x40: {  	_ =	shalt  }
0x41: {  	_ =	shalt  }
0x42: {  	_ =	shalt  }
0x43: {  	_ =	shalt  }
0x44: {  	_ =	shalt  }
0x45: {  	_ =	shalt  }
0x46: {  	_ =	shalt  }
0x47: {  	_ =	shalt  }
0x48: {  	_ =	shalt  }
0x49: {  	_ =	shalt  }
0x4a: {  	_ =	shalt  }
0x4b: {  	_ =	shalt  }
0x4c: {  	_ =	shalt  }
0x4d: {  	_ =	shalt  }
0x4e: {  	_ =	shalt  }
0x4f: {  	_ =	shalt  }
0x50: {  	_ =	shalt  }
0x51: {  	_ =	shalt  }
0x52: {  	_ =	shalt  }
0x53: {  	_ =	shalt  }
0x54: {  	_ =	shalt  }
0x55: {  	_ =	shalt  }
0x56: {  	_ =	shalt  }
0x57: {  	_ =	shalt  }
0x58: {  	_ =	shalt  }
0x59: {  	_ =	shalt  }
0x5a: {  	_ =	shalt  }
0x5b: {  	_ =	shalt  }
0x5c: {  	_ =	shalt  }
0x5d: {  	_ =	shalt  }
0x5e: {  	_ =	shalt  }
0x5f: {  	_ =	shalt  }
0x60: {  	_ =	shalt  }
0x61: {  	_ =	shalt  }
0x62: {  	_ =	shalt  }
0x63: {  	_ =	shalt  }
0x64: {  	_ =	shalt  }
0x65: {  	_ =	shalt  }
0x66: {  	_ =	shalt  }
0x67: {  	_ =	shalt  }
0x68: {  	_ =	shalt  }
0x69: {  	_ =	shalt  }
0x6a: {  	_ =	shalt  }
0x6b: {  	_ =	shalt  }
0x6c: {  	_ =	shalt  }
0x6d: {  	_ =	shalt  }
0x6e: {  	_ =	shalt  }
0x6f: {  	_ =	shalt  }
0x70: {  	_ =	shalt  }
0x71: {  	_ =	shalt  }
0x72: {  	_ =	shalt  }
0x73: {  	_ =	shalt  }
0x74: {  	_ =	shalt  }
0x75: {  	_ =	shalt  }
0x76: {  	_ =	shalt  }
0x77: {  	_ =	shalt  }
0x78: {  	_ =	shalt  }
0x79: {  	_ =	shalt  }
0x7a: {  	_ =	shalt  }
0x7b: {  	_ =	shalt  }
0x7c: {  	_ =	shalt  }
0x7d: {  	_ =	shalt  }
0x7e: {  	_ =	shalt  }
0x7f: {  	_ =	shalt  }
0x80: {  	_ =	shalt  }
0x81: {  	_ =	shalt  }
0x82: {  	_ =	shalt  }
0x83: {  	_ =	shalt  }
0x84: {  	_ =	shalt  }
0x85: {  	_ =	shalt  }
0x86: {  	_ =	shalt  }
0x87: {  	_ =	shalt  }
.Lfunc_end0:
.L_simem_size_0:
called_computation_lowered:
.L_overlay_start_0:
0x88: {  	s2 =	sld [smem:$0x3FD9]  }
0x89: {  	s3 =	sld [smem:$0x3FFE];
	_ =	sdelay $0x1  }
0x8a: {  	s1 =	srdreg.scid  }
0x8b: {  	s0 =	sand.u32 $0x1, s1  }
0x8c: {  	s17 =	sshll.u32 s0, $0xA;
	s2 =	sadd.s32 s3, s2  }
0x8d: {  	s2 =	sadd.s32 s2, s17  }
0x8e: {  	[smem:$0x3FC6] =	sst s2  }
0x8f: {  	_ = 	snop  }
0x90: {  	s2 =	sld [smem:$0x3FC9]  }
0x91: {  	s18 =	sld [smem:$0x3FC8];
	(tm) =	ssettm $0x1  }
0x92: {  	s4 =	sld [smem:$0x3FFB];
	_ =	sdelay $0x3  }
0x93: {  	_ =	strace s4  }
0x94: {  	s4 =	sld [smem:$0x3FFC];
	_ =	sdelay $0x3  }
0x95: {  	_ =	strace s4  }
0x96: {  	s4 =	sld [smem:$0x3FFD];
	_ =	sdelay $0x3  }
0x97: {  	_ =	strace s4  }
0x98: {  	_ =	strace $0x8FFFFFFF  }
0x99: {  	s19 =	sld [smem:$0x3FDB];
	_ =	sdelay $0x1  }
0x9a: {  	s5 =	simm.s32 $_scs_section_size  }
0x9b: {  	s6 =	simm.s32 $_size__tile_overlayer_lowered;
	s7 =	simm.s32 $_tile_overlayer_lowered  }
0x9c: {  	s22 =	simm.s32 $0x1BFF;
	s21 =	sshll.u32 s7, $0x1;
	s4 =	sadd.s32 s5, s19  }
0x9d: {  	s8 =	simm.s32 $0x0;
	s20 =	sshll.u32 s6, $0x1;
	s6 =	sadd.s32 s21, s4  }
0x9e: {  	[timem:s8], [sflag:s22] =	dma.local [hbm:s6], s20  }
0x9f: {  	_ =	swait.ge [sflag:s22], s20  }
0xa0: {  	s5 =	ssub.s32 $0x0, s20;
	[sflag:s22] =	ssyncset.done $0x0  }
0xa1: {  	[sflag:s22] =	ssyncadd.s32 s5;
	_ =	sdelay $0x1  }
0xa2: {  	s23 =	simm.s32 $0x1B8B  }
0xa3: {  	_ =	swait.ge [sflag:s23], $0x1  }
0xa4: {  	[sflag:s23] =	ssyncset.done $0x0  }
0xa5: {  	s25 =	simm.s32 $0x1B8E;
	s24 =	sld [smem:$0x3FFE];
	[sflag:s23] =	ssyncadd.s32 $0xFFFFFFFF  }
0xa6: {  	s26 =	simm.s32 $execute0_lowered;
	[smem:$0x3FD2] =	sst s25  }
0xa7: {  	s6 =	sshll.u32 s26, $0x1;
	_ =	strace $0x80000046;
	[dreg:$0x1] =	wrdreg $0xFFFFFFFF  }
0xa8: {  	s28 =	simm.s32 $_size_execute0_lowered;
	s4 =	sadd.s32 s4, s6;
	[dreg:$0x0] =	wrdreg $0x0  }
0xa9: {  	s6 =	sshll.u32 s28, $0x1;
	[dreg:$0x2] =	wrdreg s4  }
0xaa: {  	[dreg:$0x3] =	wrdreg s6  }
0xab: {  	[dreg:$0x4] =	wrdreg $0xC0  }
0xac: {  	_ =	task [dreg:s8], $0x5FFFF  }
0xad: {  	[dreg:$0x1] =	wrdreg $0xFFFFFFFF  }
0xae: {  	[dreg:$0x0] =	wrdreg $0x60  }
0xaf: {  	[dreg:$0x2] =	wrdreg s2  }
0xb0: {  	[dreg:$0x3] =	wrdreg s18  }
0xb1: {  	[dreg:$0x4] =	wrdreg s24  }
0xb2: {  	[dreg:$0x5] =	wrdreg $0x9  }
0xb3: {  	_ =	task.clear_ibuf [dreg:s8], $0x6FFFF;
	_ =	strace $0x90000046  }
0xb4: {  	s29 =	simm.s32 $0x9;
	_ =	strace $0x80000048  }
0xb5: {  	_ =	swait.ge [sflag:s29], $0x1  }
0xb6: {  	[sflag:s29] =	ssyncadd.s32 $0xFFFFFFFF  }
0xb7: {  	_ =	strace $0x90000048  }
0xb8: {  	_ =	sfence  }
0xb9: {  	s30 =	sld [smem:$0x0];
	_ =	sdelay $0x2  }
0xba: {  	s31 =	sshll.u32 s1, $0xD;
	s1 =	sshrl.u32 s1, $0x2  }
0xbb: {  	s3 =	sand.u32 $0x4000, s31;
	s1 =	sadd.s32 s1, s30  }
0xbc: {  	s0 =	sor.u32 s3, s0;
	s1 =	sshll.u32 s1, $0x11  }
0xbd: {  	s0 =	sor.u32 s1, s0  }
0xbe: {  	s0 =	sadd.s32 $0x8F2B, s0  }
0xbf: {  	[sflag:s0] =	ssyncadd.remote.s32 $0x1  }
0xc0: {  	_ =	sfence.sel $0xFFFF  }
0xc1: {  	[dreg:$0x0] =	wrdreg $0xFFFFFFFF;
	(pc) =	sbr.abs _section_cstart, $3  }
0xc2: {  	[dreg:$0x1] =	wrdreg $0xFFFFFFFF  }
0xc3: {  	_ =	task.clear_ibuf [dreg:s8], $0x2FFFF;
	_ =	strace $0x9FFFFFFF  }
0xc4: {  	(tm) =	ssettm $0x7FFFFFFF  }
0xc5: {  	_ =	shalt  }
tec
execute0_lowered:
.L_overlay_start_1:
0x0: {  	(tag) =	ssettag $0x1  }
0x1: {  	s1 =	rddreg [dreg:$0x0]  }
0x2: {  	s2 =	srdreg.scid;
	s3 =	rddreg [dreg:$0x1]  }
0x3: {  	s0 =	stileid.u32;
	s5 =	rddreg [dreg:$0x2];
	s11 =	simm.s32 $0x2000  }
0x4: {  	s12 =	simm.s32 $0x800000;
	s13 =	simm.s32 $0x6000;
	s14 =	simm.s32 $0x6400  }
0x5: {  	s15 =	simm.s32 $0xC400;
	s16 =	simm.s32 $0x1;
	s17 =	simm.s32 $0x2  }
0x6: {  	s18 =	simm.s32 $0xC800;
	s19 =	simm.s32 $0x3;
	s20 =	simm.s32 $0x4  }
0x7: {  	s21 =	simm.s32 $0x80;
	s22 =	simm.s32 $0x400;
	s23 =	simm.s32 $0x5  }
0x8: {  	s2 =	sand.u32 $0x1, s2;
	s4 =	sshll.u32 s0, $0x1;
	s29 =	sshrl.u32 s0, $0x2  }
0x9: {  	s6 =	sor.u32 s2, s4;
	s7 =	smul.u32 $0x98000, s29;
	s4 =	simm.s32 $0x0  }
0xa: {  	s2 =	ssub.s32 $0x2, s2;
	s8 =	sshll.u32 s6, $0x7;
	[smem:$0x7FF] =	sst s4  }
0xb: {  	s31 =	sshrl.u32 s2, $0x1;
	s10 =	sshll.u32 s6, $0xF;
	s8 =	sand.u32 $0x380, s8  }
0xc: {  	v61 =	vimm.s32 $0x0;
	s6 =	sshll.u32 s6, $0xC;
	_ =	strace $0x80000047;
	s7 =	sor.u32 s7, s8  }
0xd: {  	v63 =	vimm.s32 $0x800;
	v57 =	vimm.s32 $0x1000;
	v59 =	vimm.s32 $0x1800;
	s2 =	ssub.s32 s2, s31;
	s6 =	sadd.s32 s3, s6;
	s7 =	sshrl.u32 s7, $0x3  }
0xe: {  	v58 =	vimm.s32 $0x2000;
	v60 =	vimm.s32 $0x2800;
	v0 =	vimm.s32 $0x7000;
	s9 =	smax.u32 s2, $0x1;
	s30 =	sadd.s32 s7, s5;
	s5 =	sadd.s32 s1, s10  }
0xf: {  	v10 =	vimm.s32 $0x8000;
	v1 =	vimm.s32 $0x8800;
	v2 =	vimm.s32 $0x9000;
	s7 =	sor.u32 $0x800, s10;
	s10 =	sor.u32 $0x400, s10;
	s8 =	sadd.s32 $0x400, s30  }
.LBB2_1:
0x10: {  	s24 =	simm.s32 $0x0;
	s25 =	simm.s32 $0x200  }
.LBB2_2:
0x11: {  	p0 =	sne.s32 s25, $0x4BE00;
	[tilespmem:s24+$0xC870] =	vst v61  }
0x12: {  	[tilespmem:s24+$0xC800] =	vst v61  }
0x13: {  	[tilespmem:s24+$0xC810] =	vst v61  }
.Ltmp0:
0x14: {  	[tilespmem:s24+$0xC820] =	vst v61;
	(pc) =	sbr.rel @p0 .LBB2_2-.Ltmp0, $4  }
0x15: {  	[tilespmem:s24+$0xC830] =	vst v61  }
0x16: {  	[tilespmem:s24+$0xC840] =	vst v61  }
0x17: {  	[tilespmem:s24+$0xC850] =	vst v61  }
0x18: {  	[tilespmem:s24+$0xC860] =	vst v61;
	s24 =	sshra.s32 s25, $0x2;
	s25 =	sadd.s32 $0x200, s25  }
0x19: {  	[tilespmem:s24+$0xC870] =	vst v61  }
0x1a: {  	[tilespmem:s24+$0xC800] =	vst v61  }
0x1b: {  	[tilespmem:s24+$0xC810] =	vst v61  }
0x1c: {  	[tilespmem:s24+$0xC820] =	vst v61  }
0x1d: {  	[tilespmem:s24+$0xC830] =	vst v61  }
0x1e: {  	[tilespmem:s24+$0xC840] =	vst v61  }
0x1f: {  	[tilespmem:s24+$0xC850] =	vst v61  }
0x20: {  	[tilespmem:s24+$0xC860] =	vst v61;
	s24 =	simm.s32 $0x0  }
0x21: {  	[tilespmem:s24], [sflag:$0x1] =	stream.strided.gather [hbm4b:s5+s11], $0x6000, s12, s11, $0x38;
	[tilespmem:$0x1F800] =	vst v63  }
0x22: {  	s25 =	simm.s32 $0x0  }
0x23: {  	[tilespmem:s13], [sflag:$0x2] =	stream.linear.gather [hbm4b:s6+s24], $0x400, $0x38;
	[tilespmem:$0x1F800] =	vst v63  }
.LBB2_5:
0x24: {  	s26 =	sshll.u32 s25, $0xB  }
0x25: {  	s2 =	sor.u32 s10, s26  }
0x26: {  	s28 =	sadd.s32 s1, s2;
	s2 =	sshrl.u32 s2, $0x3  }
0x27: {  	[tilespmem:s14], [sflag:$0x3] =	stream.strided.gather [hbm4b:s28+s11], $0x6000, s12, s11, $0x38;
	[tilespmem:$0x1F800] =	vst v63  }
0x28: {  	s2 =	sadd.s32 s3, s2  }
0x29: {  	[tilespmem:s15], [sflag:$0x4] =	stream.linear.gather [hbm4b:s2+s24], $0x400, $0x38;
	[tilespmem:$0x1F800] =	vst v63  }
0x2a: {  	_ =	swait.ge [sflag:s16], $0x6000  }
0x2b: {  	[sflag:s16] =	ssyncset.done $0x0  }
0x2c: {  	[sflag:s16] =	ssyncadd.s32 $0xFFFFA000  }
0x2d: {  	_ =	swait.ge [sflag:s17], $0x400  }
0x2e: {  	s31 =	sand.u32 $0x70, s24;
	s28 =	sand.u32 $0x1C00, s24;
	[sflag:s17] =	ssyncset.done $0x0  }
0x2f: {  	s2 =	sor.u32 s31, s28;
	[sflag:s17] =	ssyncadd.s32 $0xFFFFFC00  }
0x30: {  	v19 =	vld [tilespmem:s2+$0x2080]  }
0x31: {  	v20 =	vld [tilespmem:s2+$0x2100]  }
0x32: {  	v21 =	vld [tilespmem:s2+$0x2000]  }
0x33: {  	v22 =	vld [tilespmem:s2+$0x4100]  }
0x34: {  	v23 =	vld [tilespmem:s2+$0x0]  }
0x35: {  	v24 =	vld [tilespmem:s2+$0x2280];
	v19 =	vmul.f32 $1.442695020e+00, v19  }
0x36: {  	v25 =	vld [tilespmem:s2+$0x2180]  }
0x37: {  	v26 =	vld [tilespmem:s2+$0x280];
	v20 =	vmul.f32 $1.442695020e+00, v20;
	(erf) = vpow2.f32 v19  }
0x38: {  	v19 =	vmul.f32 $1.442695020e+00, v21;
	v21 =	vmul.f32 $1.442695020e+00, v22;
	v22 =	vld [tilespmem:s2+$0x300]  }
0x39: {  	(erf) = vpow2.f32 v20;
	v20 =	vmul.f32 $1.442695020e+00, v23;
	v23 =	vld [tilespmem:s2+$0x2380]  }
0x3a: {  	v24 =	vmul.f32 $1.442695020e+00, v24;
	(erf) = vpow2.f32 v19;
	v19 =	vld [tilespmem:s2+$0x380]  }
0x3b: {  	v25 =	vmul.f32 $1.442695020e+00, v25;
	(erf) = vpow2.f32 v21;
	v21 =	vld [tilespmem:s2+$0x200]  }
0x3c: {  	(erf) = vpow2.f32 v20;
	v20 =	vmul.f32 $1.442695020e+00, v26;
	v26 =	vld [tilespmem:s2+$0x4000]  }
0x3d: {  	(erf) = vpow2.f32 v24;
	v22 =	vmul.f32 $1.442695020e+00, v22;
	v24 =	vld [tilespmem:s2+$0x4080]  }
0x3e: {  	(erf) = vpow2.f32 v25;
	v25 =	vld [tilespmem:s2+$0x2200];
	v23 =	vmul.f32 $1.442695020e+00, v23  }
0x3f: {  	v27 =	vld [tilespmem:s2+$0x100];
	(erf) = vpow2.f32 v20;
	v19 =	vmul.f32 $1.442695020e+00, v19  }
0x40: {  	v20 =	vld [tilespmem:s2+$0x2300];
	(erf) = vpow2.f32 v22;
	v28 =	vmul.f32 $1.442695020e+00, v21  }
0x41: {  	v21 =	vpop (erf);
	(erf) = vpow2.f32 v23;
	v26 =	vmul.f32 $1.442695020e+00, v26  }
0x42: {  	v23 =	vld [tilespmem:s2+$0x80];
	(erf) = vpow2.f32 v19;
	v22 =	vpop (erf);
	v19 =	vmul.f32 $1.442695020e+00, v24  }
0x43: {  	v29 =	vld [tilespmem:s2+$0x180];
	(erf) = vpow2.f32 v28;
	v31 =	vpop (erf);
	v24 =	vmul.f32 $1.442695020e+00, v25  }
0x44: {  	v27 =	vmul.f32 $1.442695020e+00, v27;
	(erf) = vpow2.f32 v26;
	v6 =	vpop (erf)  }
0x45: {  	v20 =	vmul.f32 $1.442695020e+00, v20;
	v25 =	vpop (erf);
	(erf) = vpow2.f32 v19  }
0x46: {  	v19 =	vpop (erf);
	(erf) = vpow2.f32 v24  }
0x47: {  	v23 =	vmul.f32 $1.442695020e+00, v23;
	v24 =	vpop (erf);
	(erf) = vpow2.f32 v20  }
0x48: {  	v20 =	vmul.f32 $1.442695020e+00, v29;
	v29 =	vpop (erf);
	(erf) = vpow2.f32 v27  }
0x49: {  	v27 =	vpop (erf);
	(erf) = vpow2.f32 v23  }
0x4a: {  	v30 =	vpop (erf);
	(erf) = vpow2.f32 v20  }
0x4b: {  	v23 =	vpop (erf)  }
0x4c: {  	v33 =	vpop (erf)  }
0x4d: {  	v32 =	vpop (erf)  }
0x4e: {  	v28 =	vpop (erf)  }
0x4f: {  	v38 =	vadd.f32 v24, v22;
	v36 =	vpop (erf)  }
0x50: {  	v20 =	vadd.f32 v21, v31;
	v42 =	vadd.f32 v23, v27;
	v37 =	vpop (erf)  }
0x51: {  	v34 =	vadd.f32 v29, v33;
	v35 =	vadd.f32 v28, v32;
	v40 =	vpop (erf)  }
0x52: {  	v39 =	vadd.f32 v19, v36;
	v41 =	vadd.f32 v30, v37;
	v43 =	vpop (erf)  }
0x53: {  	v35 =	vadd.f32 v6, v35;
	v44 =	vadd.f32 v43, v25;
	v45 =	vpop (erf)  }
0x54: {  	v39 =	vadd.f32 v41, v39;
	v46 =	vadd.f32 v45, v40  }
0x55: {  	v20 =	vadd.f32 v38, v20;
	v34 =	vadd.f32 v42, v34  }
0x56: {  	v35 =	vadd.f32 v35, v39;
	v55 =	vadd.f32 v46, v44;
	_ =	sdelay $0x1  }
0x57: {  	v20 =	vadd.f32 v35, v20;
	v34 =	vadd.f32 v34, v55;
	_ =	sdelay $0x1  }
0x58: {  	v20 =	vadd.f32 v20, v34;
	_ =	sdelay $0x1  }
0x59: {  	(erf) = vrcp.f32 v20  }
0x5a: {  	s0 =	simm.s32 $0x6000  }
0x5b: {  	v42 =	vld [tilespmem:s0+$0x0];
	_ =	sdelay $0x2  }
0x5c: {  	v3 =	vimm.s32 $0x1000;
	v18 =	vimm.s32 $0x5000  }
0x5d: {  	v16 =	vimm.s32 $0x3000;
	v15 =	vimm.s32 $0x3800;
	v17 =	vimm.s32 $0x4800  }
0x5e: {  	v14 =	vimm.s32 $0x0;
	v13 =	vimm.s32 $0x1000;
	vm5 =	veq.s32 v42, $0xC  }
0x5f: {  	vm2 =	veq.s32 v42, $0xD;
	vm7 =	veq.s32 v42, $0x2;
	vm6 =	veq.s32 v42, $0x1  }
0x60: {  	vm9 =	veq.s32 v42, $0x4;
	vm1 =	veq.s32 v42, $0x6;
	vm8 =	veq.s32 v42, $0x5;
	v34 =	vpop (erf)  }
0x61: {  	vm10 =	veq.s32 v42, $0x3;
	v25 =	vmul.f32 v34, v25;
	v56 =	vmul.f32 v34, v40  }
0x62: {  	vm11 =	veq.s32 v42, $0x0;
	v44 =	vmul.f32 v34, v37;
	v4 =	vmul.f32 v34, v45  }
0x63: {  	v7 =	vsel vm11, $0x9800, v61;
	v5 =	vmul.f32 v34, v43;
	v33 =	vmul.f32 v34, v33  }
0x64: {  	s31 =	simm.s32 $0x10;
	s28 =	simm.s32 $0x80;
	v61 =	vsel vm7, $0xA800, v57;
	v29 =	vmul.f32 v34, v29;
	v27 =	vmul.f32 v34, v27  }
0x65: {  	s28 =	sand.u32 $0x1C00, s28;
	s2 =	sand.u32 $0x70, s31;
	v20 =	vsel vm10, $0xB000, v59;
	v31 =	vmul.f32 v34, v31;
	v23 =	vmul.f32 v34, v23  }
0x66: {  	s28 =	sor.u32 s2, s28;
	v21 =	vmul.f32 v34, v21;
	v22 =	vmul.f32 v34, v22;
	v62 =	vsub.f32 $1.000000000e+00, v25  }
0x67: {  	v49 =	vld [tilespmem:s28+$0x2100];
	v51 =	vmul.f32 v34, v24;
	v40 =	vsub.f32 $1.000000000e+00, v56;
	v55 =	vsub.f32 $1.000000000e+00, v5  }
0x68: {  	v32 =	vmul.f32 v34, v32;
	v59 =	vsub.f32 $1.000000000e+00, v33;
	v53 =	vsub.f32 $1.000000000e+00, v29  }
0x69: {  	v28 =	vmul.f32 v34, v28;
	v54 =	vsub.f32 $1.000000000e+00, v27;
	v48 =	vsub.f32 $1.000000000e+00, v22  }
0x6a: {  	v25 =	vsel vm11, v62, v25;
	v35 =	vsel vm7, v40, v56;
	v56 =	vsub.f32 $1.000000000e+00, v4  }
0x6b: {  	v39 =	vsel vm6, v55, v5;
	v33 =	vsel vm9, v59, v33;
	v29 =	vsel vm8, v53, v29  }
0x6c: {  	v55 =	vsub.f32 $1.000000000e+00, v23;
	v59 =	vmul.f32 $1.442695020e+00, v49;
	v25 =	vmul.f32 $2.048000000e+03, v25  }
0x6d: {  	v27 =	vsel vm1, v54, v27;
	v35 =	vmul.f32 $2.048000000e+03, v35;
	v33 =	vmul.f32 $2.048000000e+03, v33  }
0x6e: {  	vm7 =	veq.s32 v42, $0xA;
	v39 =	vmul.f32 $2.048000000e+03, v39;
	v29 =	vmul.f32 $2.048000000e+03, v29  }
0x6f: {  	v27 =	vmul.f32 $2.048000000e+03, v27;
	v22 =	vsel vm7, v48, v22;
	v48 =	vmul.f32 v34, v19  }
0x70: {  	v38 =	vsel vm10, v56, v4;
	v22 =	vmul.f32 $2.048000000e+03, v22;
	v25 =	vtrunc.f32 v25  }
0x71: {  	vm0 =	veq.s32 v42, $0x7;
	v35 =	vtrunc.f32 v35;
	v52 =	vmul.f32 $2.048000000e+03, v38  }
0x72: {  	v23 =	vsel vm0, v55, v23;
	v33 =	vtrunc.f32 v33;
	v29 =	vtrunc.f32 v29  }
0x73: {  	vm4 =	veq.s32 v42, $0xB;
	v57 =	vld [tilespmem:s28+$0x2180];
	v23 =	vmul.f32 $2.048000000e+03, v23;
	v27 =	vtrunc.f32 v27  }
0x74: {  	v40 =	vsel vm6, $0xA000, v63;
	v63 =	vld [tilespmem:s28+$0x200];
	v25 =	vcvt.f32.s32 v25;
	v62 =	vcvt.f32.s32 v35  }
0x75: {  	vm3 =	veq.s32 v42, $0x8;
	v33 =	vcvt.f32.s32 v33;
	v38 =	vcvt.f32.s32 v29  }
0x76: {  	v46 =	vsel vm9, $0xB800, v58;
	v19 =	vld [tilespmem:s28+$0x0];
	v27 =	vcvt.f32.s32 v27;
	v22 =	vtrunc.f32 v22  }
0x77: {  	vm9 =	veq.s32 v42, $0x11;
	v35 =	vtrunc.f32 v52;
	v23 =	vtrunc.f32 v23  }
0x78: {  	v29 =	vsub.f32 $1.000000000e+00, v31;
	v52 =	vmul.f32 v34, v36;
	v36 =	vmul.f32 $1.442695020e+00, v57  }
0x79: {  	v56 =	vld [tilespmem:s28+$0x4100];
	vm10 =	veq.s32 v42, $0x12;
	v54 =	vmul.f32 $1.442695020e+00, v63;
	v47 =	vcvt.f32.s32 v35  }
0x7a: {  	vm6 =	vlt.s32 v25, $0x7FF;
	v35 =	vcvt.f32.s32 v23;
	v23 =	vsel vm3, v29, v31  }
0x7b: {  	v31 =	vld [tilespmem:s28+$0x2080];
	v29 =	vsub.f32 $1.000000000e+00, v21;
	vm13 =	vlt.s32 v62, $0x7FF;
	v19 =	vmul.f32 $1.442695020e+00, v19  }
0x7c: {  	vm15 =	vlt.s32 v33, $0x7FF;
	v11 =	vmul.f32 $2.048000000e+03, v23;
	v23 =	vtrunc.f32 v39  }
0x7d: {  	v25 =	vnsel vm6, $0x7FF, v25;
	vm6 =	veq.s32 v42, $0x9;
	v50 =	vcvt.f32.s32 v23;
	v23 =	vld [tilespmem:s28+$0x2000]  }
0x7e: {  	v58 =	vmul.f32 $1.442695020e+00, v56;
	v33 =	vnsel vm15, $0x7FF, v33;
	vm15 =	veq.s32 v42, $0xE  }
0x7f: {  	v55 =	vld [tilespmem:s28+$0x80];
	v21 =	vsel vm6, v29, v21;
	v7 =	vadd.s32 v7, v25;
	vm14 =	vlt.s32 v47, $0x7FF  }
0x80: {  	v25 =	vld [tilespmem:s28+$0x2280];
	v12 =	vadd.s32 v46, v33;
	v21 =	vmul.f32 $2.048000000e+03, v21;
	v24 =	vmul.f32 $1.442695020e+00, v31  }
0x81: {  	v45 =	vnsel vm14, $0x7FF, v47;
	vm12 =	vlt.s32 v50, $0x7FF;
	v31 =	vnsel vm13, $0x7FF, v62;
	v62 =	vld [tilespmem:s28+$0x2380]  }
0x82: {  	v9 =	vadd.s32 v61, v31;
	v61 =	vld [tilespmem:s28+$0x280];
	(erf) = vpow2.f32 v24;
	v23 =	vmul.f32 $1.442695020e+00, v23  }
0x83: {  	v53 =	vld [tilespmem:s28+$0x100];
	v45 =	vadd.s32 v20, v45;
	v21 =	vtrunc.f32 v21;
	(erf) = vpow2.f32 v59  }
0x84: {  	v50 =	vnsel vm12, $0x7FF, v50;
	v21 =	vcvt.f32.s32 v21;
	v24 =	vld [tilespmem:s28+$0x300];
	(erf) = vpow2.f32 v23  }
0x85: {  	v5 =	vld [tilespmem:s28+$0x4080];
	vm12 =	veq.s32 v42, $0xF;
	v25 =	vmul.f32 $1.442695020e+00, v25;
	(erf) = vpow2.f32 v58  }
0x86: {  	v46 =	vadd.s32 v40, v50;
	v59 =	vld [tilespmem:s28+$0x180];
	v49 =	vmul.f32 $1.442695020e+00, v62;
	v62 =	vmul.f32 $1.442695020e+00, v55  }
0x87: {  	vm13 =	vlt.s32 v21, $0x7FF;
	v23 =	vld [tilespmem:s28+$0x380];
	(erf) = vpow2.f32 v19;
	v19 =	vmul.f32 $1.442695020e+00, v61  }
0x88: {  	v4 =	vld [tilespmem:s28+$0x4000];
	v61 =	vmul.f32 $1.442695020e+00, v53;
	v53 =	vnsel vm13, $0x7FF, v21;
	vm13 =	veq.s32 v42, $0x10  }
0x89: {  	v58 =	vld [tilespmem:s28+$0x2300];
	(erf) = vpow2.f32 v25;
	v25 =	vsel vm8, $0xC000, v60;
	v24 =	vmul.f32 $1.442695020e+00, v24  }
0x8a: {  	vm8 =	vlt.s32 v38, $0x7FF;
	v60 =	vsub.f32 $1.000000000e+00, v51;
	(erf) = vpow2.f32 v36  }
0x8b: {  	v33 =	vld [tilespmem:s28+$0x2200];
	v63 =	vmul.f32 $1.442695020e+00, v59;
	v36 =	vsub.f32 $1.000000000e+00, v44;
	(erf) = vpow2.f32 v19  }
0x8c: {  	v19 =	vnsel vm8, $0x7FF, v38;
	v57 =	vmul.f32 $1.442695020e+00, v23;
	vm8 =	vlt.s32 v27, $0x7FF  }
0x8d: {  	(erf) = vpow2.f32 v24;
	v43 =	vadd.s32 v25, v19;
	v19 =	vmul.f32 $1.442695020e+00, v4  }
0x8e: {  	v41 =	vsel vm4, v60, v51;
	v25 =	vmul.f32 $1.442695020e+00, v5;
	v39 =	vmul.f32 $1.442695020e+00, v58  }
0x8f: {  	v4 =	vsub.f32 $1.000000000e+00, v52;
	v50 =	vmul.f32 $2.048000000e+03, v41;
	v58 =	vsel vm15, v36, v44  }
0x90: {  	(erf) = vpow2.f32 v49;
	v49 =	vnsel vm8, $0x7FF, v27;
	v27 =	vmul.f32 $1.442695020e+00, v33  }
0x91: {  	v5 =	vsub.f32 $1.000000000e+00, v48;
	v33 =	vcvt.f32.s32 v22;
	v58 =	vmul.f32 $2.048000000e+03, v58  }
0x92: {  	v23 =	vpop (erf);
	vm8 =	vlt.s32 v35, $0x7FF;
	(erf) = vpow2.f32 v57;
	v57 =	vmul.f32 v34, v30  }
0x93: {  	v24 =	vpop (erf);
	v51 =	vsel vm5, v4, v52;
	v50 =	vtrunc.f32 v50;
	v34 =	vmul.f32 v34, v6  }
0x94: {  	v52 =	vsel vm2, v5, v48;
	(erf) = vpow2.f32 v54;
	v8 =	vpop (erf);
	v51 =	vmul.f32 $2.048000000e+03, v51  }
0x95: {  	v4 =	vimm.s32 $0x0;
	v52 =	vmul.f32 $2.048000000e+03, v52;
	(erf) = vpow2.f32 v19;
	v19 =	vpop (erf)  }
0x96: {  	vm14 =	vlt.s32 v33, $0x7FF;
	v50 =	vcvt.f32.s32 v50;
	v47 =	vpop (erf);
	(erf) = vpow2.f32 v25  }
0x97: {  	v54 =	vnsel vm14, $0x7FF, v33;
	v33 =	vsub.f32 $1.000000000e+00, v57;
	v25 =	vpop (erf);
	(erf) = vpow2.f32 v27  }
0x98: {  	v5 =	vimm.s32 $0x6000;
	v58 =	vtrunc.f32 v58;
	v27 =	vpop (erf);
	(erf) = vpow2.f32 v39  }
0x99: {  	v58 =	vcvt.f32.s32 v58;
	v57 =	vsel vm12, v33, v57;
	v38 =	vpop (erf);
	(erf) = vpow2.f32 v61  }
0x9a: {  	v33 =	vsel vm5, $0xF800, v5;
	v5 =	vsub.f32 $1.000000000e+00, v32;
	v39 =	vpop (erf);
	(erf) = vpow2.f32 v62  }
0x9b: {  	v35 =	vnsel vm8, $0x7FF, v35;
	v51 =	vtrunc.f32 v51;
	v22 =	vpop (erf);
	(erf) = vpow2.f32 v63  }
0x9c: {  	v52 =	vtrunc.f32 v52;
	v57 =	vmul.f32 $2.048000000e+03, v57;
	v32 =	vsel vm13, v5, v32;
	v40 =	vpop (erf)  }
0x9d: {  	v55 =	vadd.f32 v23, v8;
	v51 =	vcvt.f32.s32 v51;
	v32 =	vmul.f32 $2.048000000e+03, v32;
	v48 =	vpop (erf)  }
0x9e: {  	v52 =	vcvt.f32.s32 v52;
	v37 =	vadd.f32 v27, v24;
	v57 =	vtrunc.f32 v57;
	v21 =	vpop (erf)  }
0x9f: {  	v32 =	vtrunc.f32 v32;
	v26 =	vadd.f32 v40, v39;
	v56 =	vadd.f32 v38, v48;
	v20 =	vpop (erf)  }
0xa0: {  	v55 =	vadd.f32 v37, v55;
	v57 =	vcvt.f32.s32 v57;
	v32 =	vcvt.f32.s32 v32;
	v30 =	vpop (erf)  }
0xa1: {  	v42 =	vadd.f32 v20, v21;
	v26 =	vadd.f32 v26, v56;
	v56 =	vsel vm10, $0x12800, v2;
	v41 =	vpop (erf)  }
0xa2: {  	v2 =	vimm.s32 $0x4000;
	v62 =	vadd.f32 v25, v30;
	v61 =	vpop (erf);
	v63 =	vadd.f32 v22, v41  }
0xa3: {  	v60 =	vsel vm3, $0xD800, v2;
	v2 =	vimm.s32 $0x7800;
	vm3 =	vlt.s32 v52, $0x7FF;
	v44 =	vpop (erf)  }
0xa4: {  	v42 =	vadd.f32 v19, v42;
	v52 =	vnsel vm3, $0x7FF, v52;
	v31 =	vpop (erf);
	v62 =	vadd.f32 v63, v62  }
0xa5: {  	vm3 =	vlt.s32 v57, $0x7FF;
	v36 =	vadd.f32 v44, v47;
	v37 =	vadd.f32 v31, v61  }
0xa6: {  	v57 =	vnsel vm3, $0x7FF, v57;
	v63 =	vimm.s32 $0x5800;
	v42 =	vadd.f32 v42, v62  }
0xa7: {  	v63 =	vsel vm4, $0xF000, v63;
	v62 =	vsel vm13, $0x11800, v10;
	v59 =	vadd.f32 v37, v36  }
0xa8: {  	v36 =	vsub.f32 $1.000000000e+00, v28;
	v42 =	vadd.f32 v42, v55;
	v55 =	vsel vm15, $0x10800, v0  }
0xa9: {  	v26 =	vadd.f32 v26, v59;
	v59 =	vsel vm12, $0x11000, v2;
	v2 =	vimm.s32 $0x6800  }
0xaa: {  	v0 =	vimm.s32 $0x9000;
	v28 =	vsel vm9, v36, v28;
	v37 =	vsel vm2, $0x10000, v2  }
0xab: {  	vm2 =	vlt.s32 v50, $0x7FF;
	v2 =	vimm.s32 $0x5000;
	v28 =	vmul.f32 $2.048000000e+03, v28  }
0xac: {  	v29 =	vsel vm7, $0xE800, v2;
	v50 =	vnsel vm2, $0x7FF, v50;
	vm2 =	vlt.s32 v51, $0x7FF  }
0xad: {  	v42 =	vadd.f32 v42, v26;
	v26 =	vsub.f32 $1.000000000e+00, v34;
	v52 =	vadd.s32 v37, v52  }
0xae: {  	v2 =	vimm.s32 $0x3000;
	v51 =	vnsel vm2, $0x7FF, v51;
	vm2 =	vlt.s32 v58, $0x7FF  }
0xaf: {  	(xrf1) =	vunique.msk.u32 $0xffff, v7;
	v5 =	vsel vm1, $0xC800, v2;
	v2 =	vimm.s32 $0x3800;
	v28 =	vtrunc.f32 v28  }
0xb0: {  	(xrf1) =	vunique.msk.u32 $0xffff, v9;
	v50 =	vadd.s32 v63, v50;
	v34 =	vsel vm10, v26, v34;
	v58 =	vnsel vm2, $0x7FF, v58  }
0xb1: {  	(xrf1) =	vunique.msk.u32 $0xffff, v12;
	(erf) = vrcp.f32 v42;
	v42 =	vtrunc.f32 v11;
	v11 =	vimm.s32 $0x7000  }
0xb2: {  	(xrf1) =	vunique.msk.u32 $0xffff, v46;
	v37 =	vadd.s32 v5, v49;
	v6 =	vsel vm0, $0xD000, v2;
	v2 =	vimm.s32 $0x4800  }
0xb3: {  	s28 =	simm.s32 $0x6010;
	v28 =	vcvt.f32.s32 v28;
	v5 =	vsel vm9, $0x12000, v1;
	v51 =	vadd.s32 v33, v51  }
0xb4: {  	(xrf1) =	vunique.msk.u32 $0xffff, v45;
	v26 =	vld [tilespmem:s28+$0x0];
	v1 =	vimm.s32 $0x800;
	v49 =	vadd.s32 v6, v35;
	v42 =	vcvt.f32.s32 v42  }
0xb5: {  	v36 =	vsel vm6, $0xE000, v2;
	v34 =	vmul.f32 $2.048000000e+03, v34;
	v2 =	vimm.s32 $0x1800  }
0xb6: {  	(xrf1) =	vunique.msk.u32 $0xffff, v43;
	v53 =	vadd.s32 v36, v53;
	v36 =	vadd.s32 v29, v54;
	vm1 =	vlt.s32 v42, $0x7FF  }
0xb7: {  	(xrf1) =	vunique.msk.u32 $0xffff, v37;
	v54 =	vadd.s32 v55, v58;
	v55 =	vadd.s32 v59, v57;
	v42 =	vnsel vm1, $0x7FF, v42  }
0xb8: {  	(xrf1) =	vunique.msk.u32 $0xffff, v49;
	v63 =	vtrunc.f32 v34;
	vm1 =	vlt.s32 v32, $0x7FF;
	v42 =	vadd.s32 v60, v42  }
0xb9: {  	vm3 =	veq.s32 v26, $0xC;
	vm2 =	veq.s32 v26, $0xD;
	vm0 =	veq.s32 v26, $0x2;
	(xrf1) =	vunique.msk.u32 $0xffff, v42  }
0xba: {  	v32 =	vnsel vm1, $0x7FF, v32;
	vm1 =	vlt.s32 v28, $0x7FF;
	vm5 =	veq.s32 v26, $0x1;
	(xrf1) =	vunique.msk.u32 $0xffff, v53  }
0xbb: {  	v6 =	vnsel vm1, $0x7FF, v28;
	v57 =	vadd.s32 v62, v32;
	v32 =	vcvt.f32.s32 v63;
	(xrf1) =	vunique.msk.u32 $0xffff, v36;
	v28 =	vpop (erf)  }
0xbc: {  	vm6 =	veq.s32 v26, $0x4;
	vm15 =	veq.s32 v26, $0x0;
	(xrf1) =	vunique.msk.u32 $0xffff, v50;
	v59 =	vmul.f32 v28, v61  }
0xbd: {  	_, v34, vm8 =	vpop (xrf1);
	v58 =	vadd.s32 v5, v6;
	vm7 =	vlt.s32 v32, $0x7FF;
	v33 =	vmul.f32 v28, v47  }
0xbe: {  	v32 =	vnsel vm7, $0x7FF, v32;
	vm7 =	veq.s32 v26, $0x3;
	_, v47, vm4 =	vpop (xrf1);
	(xrf1) =	vunique.msk.u32 $0xffff, v51;
	v6 =	vsub.f32 $1.000000000e+00, v59  }
0xbf: {  	v35 =	vadd.s32 v56, v32;
	v31 =	vmul.f32 v28, v31;
	_, v60, vm1 =	vpop (xrf1);
	(xrf1) =	vunique.msk.u32 $0xffff, v52;
	v5 =	vsub.f32 $1.000000000e+00, v33  }
0xc0: {  	v44 =	vmul.f32 v28, v44;
	v48 =	vmul.f32 v28, v48;
	_, v62, vm14 =	vpop (xrf1);
	(xrf1) =	vunique.msk.u32 $0xffff, v54;
	v63 =	vsel vm0, v6, v59  }
0xc1: {  	v38 =	vmul.f32 v28, v38;
	(xrf1) =	vunique.msk.u32 $0xffff, v55;
	v61 =	vsel vm15, v5, v33;
	v56 =	vmul.f32 $2.048000000e+03, v63  }
0xc2: {  	v40 =	vmul.f32 v28, v40;
	(xrf1) =	vunique.msk.u32 $0xffff, v57;
	v59 =	vsel vm15, $0x9800, v4;
	_, v33, vm11 =	vpop (xrf1);
	v32 =	vmul.f32 $2.048000000e+03, v61  }
0xc3: {  	v4 =	vsub.f32 $1.000000000e+00, v44;
	v5 =	vsub.f32 $1.000000000e+00, v48;
	v56 =	vtrunc.f32 v56  }
0xc4: {  	v6 =	vsub.f32 $1.000000000e+00, v31;
	v32 =	vtrunc.f32 v32;
	_, v63, vm10 =	vpop (xrf1);
	v56 =	vcvt.f32.s32 v56  }
0xc5: {  	[tilespmem:v7+s18+$0x0] =	vst.idx.add.s32.msk vm8, v34;
	(xrf1) =	vunique.msk.u32 $0xffff, v58;
	v44 =	vsel vm5, v4, v44;
	v32 =	vcvt.f32.s32 v32;
	_, v29, vm8 =	vpop (xrf1)  }
0xc6: {  	v48 =	vsel vm6, v5, v48;
	v31 =	vsel vm7, v6, v31;
	v4 =	vimm.s32 $0x2800;
	[tilespmem:v46+s18+$0x0] =	vst.idx.add.s32.msk vm14, v62;
	_, v61, vm9 =	vpop (xrf1)  }
0xc7: {  	(xrf1) =	vunique.msk.u32 $0xffff, v35;
	[tilespmem:v9+s18+$0x0] =	vst.idx.add.s32.msk vm4, v47;
	v47 =	vsel vm0, $0xA800, v3;
	vm0 =	vlt.s32 v32, $0x7FF;
	_, v62, vm12 =	vpop (xrf1)  }
0xc8: {  	v48 =	vmul.f32 $2.048000000e+03, v48;
	[tilespmem:v45+s18+$0x0] =	vst.idx.add.s32.msk vm11, v33;
	v32 =	vnsel vm0, $0x7FF, v32;
	vm0 =	vlt.s32 v56, $0x7FF;
	_, v33, vm11 =	vpop (xrf1)  }
0xc9: {  	v3 =	vimm.s32 $0x2000;
	vm4 =	veq.s32 v26, $0xB;
	[tilespmem:v12+s18+$0x0] =	vst.idx.add.s32.msk vm1, v60;
	v7 =	vnsel vm0, $0x7FF, v56;
	_, v56, vm0 =	vpop (xrf1)  }
0xca: {  	v5 =	vsel vm6, $0xB800, v3;
	v34 =	vadd.s32 v59, v32;
	v12 =	vimm.s32 $0x8800;
	[tilespmem:v43+s18+$0x0] =	vst.idx.add.s32.msk vm10, v63;
	_, v43, vm10 =	vpop (xrf1)  }
0xcb: {  	vm1 =	veq.s32 v26, $0x6;
	v59 =	vtrunc.f32 v48;
	v32 =	vadd.s32 v47, v7;
	[tilespmem:v37+s18+$0x0] =	vst.idx.add.s32.msk vm8, v29  }
0xcc: {  	v7 =	vsub.f32 $1.000000000e+00, v40;
	v29 =	vmul.f32 v28, v39;
	v37 =	vcvt.f32.s32 v59;
	[tilespmem:v49+s18+$0x0] =	vst.idx.add.s32.msk vm9, v61;
	_, v60, vm9 =	vpop (xrf1)  }
0xcd: {  	vm8 =	veq.s32 v26, $0x5;
	v61 =	vsub.f32 $1.000000000e+00, v38;
	v49 =	vmul.f32 $2.048000000e+03, v31;
	[tilespmem:v42+s18+$0x0] =	vst.idx.add.s32.msk vm12, v62;
	_, v42, vm12 =	vpop (xrf1)  }
0xce: {  	v63 =	vsub.f32 $1.000000000e+00, v29;
	vm6 =	vlt.s32 v37, $0x7FF;
	(xrf1) =	vunique.msk.u32 $0xffff, v34;
	[tilespmem:v53+s18+$0x0] =	vst.idx.add.s32.msk vm11, v33;
	_, v6, vm11 =	vpop (xrf1)  }
0xcf: {  	v38 =	vsel vm8, v61, v38;
	v37 =	vnsel vm6, $0x7FF, v37;
	v33 =	vmul.f32 v28, v41;
	[tilespmem:v36+s18+$0x0] =	vst.idx.add.s32.msk vm0, v56;
	_, v48, vm13 =	vpop (xrf1)  }
0xd0: {  	v53 =	vmul.f32 v28, v8;
	v38 =	vmul.f32 $2.048000000e+03, v38;
	[tilespmem:v50+s18+$0x0] =	vst.idx.add.s32.msk vm10, v43;
	_, v50, vm10 =	vpop (xrf1);
	(xrf1) =	vunique.msk.u32 $0xffff, v32  }
0xd1: {  	v29 =	vsel vm1, v63, v29;
	vm0 =	veq.s32 v26, $0x7;
	v43 =	vtrunc.f32 v49  }
0xd2: {  	v36 =	vsel vm0, v7, v40;
	v29 =	vmul.f32 $2.048000000e+03, v29;
	v38 =	vtrunc.f32 v38  }
0xd3: {  	v31 =	vadd.s32 v5, v37;
	v36 =	vmul.f32 $2.048000000e+03, v36;
	v38 =	vcvt.f32.s32 v38  }
0xd4: {  	v39 =	vsel vm7, $0xB000, v2;
	_, v56, vm14 =	vpop (xrf1);
	v59 =	vcvt.f32.s32 v43;
	(xrf1) =	vunique.msk.u32 $0xffff, v31;
	v29 =	vtrunc.f32 v29  }
0xd5: {  	[tilespmem:v51+s18+$0x0] =	vst.idx.add.s32.msk vm9, v60;
	v61 =	vcvt.f32.s32 v29;
	v29 =	vtrunc.f32 v36;
	vm7 =	vlt.s32 v38, $0x7FF  }
0xd6: {  	v60 =	vsub.f32 $1.000000000e+00, v53;
	[tilespmem:v52+s18+$0x0] =	vst.idx.add.s32.msk vm12, v42;
	v36 =	vcvt.f32.s32 v29;
	v29 =	vnsel vm7, $0x7FF, v38;
	_, v40, vm7 =	vpop (xrf1)  }
0xd7: {  	vm6 =	veq.s32 v26, $0x8;
	v63 =	vsel vm8, $0xC000, v4;
	v43 =	vmul.f32 $2.048000000e+03, v44;
	[tilespmem:v54+s18+$0x0] =	vst.idx.add.s32.msk vm11, v6  }
0xd8: {  	v42 =	vsel vm5, $0xA000, v1;
	vm5 =	vlt.s32 v59, $0x7FF;
	v62 =	vsel vm6, v60, v53;
	[tilespmem:v55+s18+$0x0] =	vst.idx.add.s32.msk vm13, v48  }
0xd9: {  	v41 =	vnsel vm5, $0x7FF, v59;
	vm5 =	vlt.s32 v61, $0x7FF;
	v38 =	vmul.f32 $2.048000000e+03, v62;
	[tilespmem:v57+s18+$0x0] =	vst.idx.add.s32.msk vm10, v50  }
0xda: {  	s30 =	simm.s32 $0x20;
	s29 =	simm.s32 $0x100;
	v29 =	vadd.s32 v63, v29;
	v37 =	vnsel vm5, $0x7FF, v61;
	vm5 =	vlt.s32 v36, $0x7FF;
	[tilespmem:v58+s18+$0x0] =	vst.idx.add.s32.msk vm14, v56  }
.LBB2_6:
0xdb: {  	v43 =	vtrunc.f32 v43;
	s2 =	smov.u32 s30  }
0xdc: {  	s31 =	sand.u32 $0x70, s30;
	s0 =	sand.u32 $0x1C00, s29;
	v23 =	vmul.f32 v28, v23;
	vm10 =	veq.s32 v26, $0xA;
	_, v45, vm13 =	vpop (xrf1);
	[tilespmem:v35+s18+$0x0] =	vst.idx.add.s32.msk vm7, v40;
	v24 =	vmul.f32 v28, v24;
	s2 =	sadd.s32 $0x10, s30  }
0xdd: {  	p0 =	sne.s32 s30, $0x3F0;
	vm7 =	veq.s32 v26, $0x9;
	v27 =	vmul.f32 v28, v27;
	s31 =	sor.u32 s31, s0;
	v35 =	vcvt.f32.s32 v43  }
0xde: {  	v44 =	vmul.f32 v28, v30;
	v25 =	vmul.f32 v28, v25;
	v43 =	vsub.f32 $1.000000000e+00, v23;
	v40 =	vld [tilespmem:s31+$0x2080];
	_, v30, vm11 =	vpop (xrf1)  }
0xdf: {  	vm12 =	veq.s32 v26, $0xF;
	v47 =	vsub.f32 $1.000000000e+00, v24;
	vm8 =	vlt.s32 v35, $0x7FF;
	v46 =	vld [tilespmem:s31+$0x4100]  }
0xe0: {  	v35 =	vnsel vm8, $0x7FF, v35;
	v23 =	vsel vm7, v43, v23;
	v43 =	vsub.f32 $1.000000000e+00, v27;
	v48 =	vld [tilespmem:s31+$0x2100]  }
0xe1: {  	v24 =	vsel vm10, v47, v24;
	v50 =	vadd.s32 v42, v35;
	v23 =	vmul.f32 $2.048000000e+03, v23;
	v49 =	vld [tilespmem:s31+$0x2000]  }
0xe2: {  	v24 =	vmul.f32 $2.048000000e+03, v24;
	v35 =	vsub.f32 $1.000000000e+00, v44;
	v27 =	vsel vm4, v43, v27;
	v42 =	vld [tilespmem:s31+$0x2180];
	(xrf1) =	vunique.msk.u32 $0xffff, v50  }
0xe3: {  	v23 =	vtrunc.f32 v23;
	v52 =	vmul.f32 $2.048000000e+03, v27;
	v27 =	vsub.f32 $1.000000000e+00, v25;
	v43 =	vld [tilespmem:s31+$0x280]  }
0xe4: {  	v53 =	vsel vm3, v35, v44;
	v40 =	vmul.f32 $1.442695020e+00, v40;
	v51 =	vld [tilespmem:s31+$0x0];
	v46 =	vmul.f32 $1.442695020e+00, v46;
	_, v47, vm8 =	vpop (xrf1)  }
0xe5: {  	v24 =	vtrunc.f32 v24;
	v23 =	vcvt.f32.s32 v23;
	v54 =	vsel vm2, v27, v25;
	v44 =	vld [tilespmem:s31+$0x2280]  }
0xe6: {  	v27 =	vmul.f32 $1.442695020e+00, v48;
	v48 =	vadd.s32 v39, v41;
	v25 =	vld [tilespmem:s31+$0x300];
	(erf) = vpow2.f32 v40  }
0xe7: {  	v24 =	vcvt.f32.s32 v24;
	vm9 =	vlt.s32 v23, $0x7FF;
	v39 =	vmul.f32 $1.442695020e+00, v49;
	v40 =	vld [tilespmem:s31+$0x180]  }
0xe8: {  	v1 =	vimm.s32 $0x6000;
	v22 =	vmul.f32 v28, v22;
	v41 =	vmul.f32 $1.442695020e+00, v43;
	v43 =	vld [tilespmem:s31+$0x380]  }
0xe9: {  	v35 =	vnsel vm9, $0x7FF, v23;
	v42 =	vmul.f32 $1.442695020e+00, v42;
	(erf) = vpow2.f32 v27  }
0xea: {  	vm9 =	vlt.s32 v24, $0x7FF;
	v23 =	vmul.f32 $1.442695020e+00, v51;
	v27 =	vld [tilespmem:s31+$0x2380];
	(erf) = vpow2.f32 v39  }
0xeb: {  	v39 =	vnsel vm9, $0x7FF, v24;
	v49 =	vld [tilespmem:s31+$0x200];
	v44 =	vmul.f32 $1.442695020e+00, v44;
	(erf) = vpow2.f32 v46  }
0xec: {  	v6 =	vsub.f32 $1.000000000e+00, v22;
	v24 =	vld [tilespmem:s31+$0x100];
	(erf) = vpow2.f32 v23;
	v2 =	vmul.f32 $1.442695020e+00, v25  }
0xed: {  	vm9 =	veq.s32 v26, $0x12;
	v25 =	vld [tilespmem:s31+$0x4000];
	(erf) = vpow2.f32 v44;
	v46 =	vmul.f32 $1.442695020e+00, v43  }
0xee: {  	v51 =	vld [tilespmem:s31+$0x2200];
	(erf) = vpow2.f32 v42;
	v42 =	vsel vm3, $0xF800, v1;
	v1 =	vimm.s32 $0x5800  }
0xef: {  	v27 =	vmul.f32 $1.442695020e+00, v27;
	v55 =	vld [tilespmem:s31+$0x4080];
	(erf) = vpow2.f32 v41;
	v43 =	vsel vm4, $0xF000, v1  }
0xf0: {  	v44 =	vsel vm9, $0x12800, v0;
	v41 =	vmul.f32 $1.442695020e+00, v49;
	v49 =	vld [tilespmem:s31+$0x2300];
	(erf) = vpow2.f32 v2;
	v23 =	vpop (erf);
	(xrf1) =	vunique.msk.u32 $0xffff, v48  }
0xf1: {  	v1 =	vimm.s32 $0x4000;
	v56 =	vld [tilespmem:s31+$0x80];
	v57 =	vmul.f32 $1.442695020e+00, v24;
	(erf) = vpow2.f32 v27;
	_, v58, vm4 =	vpop (xrf1)  }
0xf2: {  	v25 =	vmul.f32 $1.442695020e+00, v25;
	(erf) = vpow2.f32 v46;
	v24 =	vpop (erf);
	[tilespmem:v34+s18+$0x0] =	vst.idx.add.s32.msk vm13, v45;
	v46 =	vsel vm6, $0xD800, v1  }
0xf3: {  	vm6 =	veq.s32 v26, $0x11;
	v59 =	vmul.f32 $1.442695020e+00, v51;
	(erf) = vpow2.f32 v41;
	v34 =	vpop (erf)  }
0xf4: {  	v1 =	vmul.f32 $1.442695020e+00, v55;
	v60 =	vadd.f32 v23, v34;
	(erf) = vpow2.f32 v25;
	v61 =	vpop (erf)  }
0xf5: {  	vm3 =	veq.s32 v26, $0x10;
	v41 =	vmul.f32 $1.442695020e+00, v40;
	v49 =	vmul.f32 $1.442695020e+00, v49;
	v45 =	vpop (erf)  }
0xf6: {  	v51 =	vsel vm3, $0x11800, v10;
	v56 =	vmul.f32 $1.442695020e+00, v56;
	v25 =	vpop (erf);
	(erf) = vpow2.f32 v1  }
0xf7: {  	v6 =	vsel vm12, v6, v22;
	v1 =	vimm.s32 $0x7800;
	v27 =	vpop (erf);
	(erf) = vpow2.f32 v59  }
0xf8: {  	[tilespmem:v50+s18+$0x0] =	vst.idx.add.s32.msk vm4, v58;
	v50 =	vtrunc.f32 v52;
	v55 =	vsel vm12, $0x11000, v1;
	v1 =	vimm.s32 $0x6800  }
0xf9: {  	v40 =	vpop (erf);
	(erf) = vpow2.f32 v49;
	[tilespmem:v32+s18+$0x0] =	vst.idx.add.s32.msk vm11, v30;
	v30 =	vcvt.f32.s32 v50;
	v50 =	vsel vm2, $0x10000, v1  }
0xfa: {  	v52 =	vsel vm10, $0xE800, v18;
	v1 =	vmul.f32 $2.048000000e+03, v53;
	(erf) = vpow2.f32 v57;
	v32 =	vpop (erf)  }
0xfb: {  	v54 =	vmul.f32 $2.048000000e+03, v54;
	(erf) = vpow2.f32 v56;
	v57 =	vpop (erf);
	vm2 =	vlt.s32 v30, $0x7FF  }
0xfc: {  	(erf) = vpow2.f32 v41;
	v41 =	vpop (erf);
	v53 =	vnsel vm2, $0x7FF, v30;
	v30 =	vtrunc.f32 v1  }
0xfd: {  	v54 =	vtrunc.f32 v54;
	vm2 =	veq.s32 v26, $0xE;
	v49 =	vpop (erf);
	v30 =	vcvt.f32.s32 v30  }
0xfe: {  	v54 =	vcvt.f32.s32 v54;
	v59 =	vsel vm2, $0x10800, v11;
	v26 =	vadd.f32 v40, v49;
	v58 =	vpop (erf)  }
0xff: {  	v62 =	vmul.f32 v28, v21;
	v6 =	vmul.f32 $2.048000000e+03, v6;
	vm4 =	vlt.s32 v30, $0x7FF;
	_, v21, vm10 =	vpop (xrf1)  }
0x100: {  	v56 =	vsub.f32 $1.000000000e+00, v33;
	v63 =	vpop (erf);
	v1 =	vnsel vm4, $0x7FF, v30;
	vm4 =	vlt.s32 v54, $0x7FF  }
0x101: {  	v2 =	vadd.f32 v27, v24;
	v3 =	vadd.f32 v63, v58;
	v30 =	vpop (erf);
	v4 =	vnsel vm4, $0x7FF, v54  }
0x102: {  	v33 =	vsel vm2, v56, v33;
	v9 =	vadd.f32 v41, v32;
	v5 =	vadd.f32 v25, v30;
	v54 =	vpop (erf)  }
0x103: {  	v33 =	vmul.f32 $2.048000000e+03, v33;
	v7 =	vadd.f32 v57, v54;
	v3 =	vadd.f32 v61, v3;
	v8 =	vpop (erf)  }
0x104: {  	v6 =	vtrunc.f32 v6;
	v10 =	vmul.f32 v28, v20;
	v2 =	vadd.f32 v2, v60;
	v56 =	vpop (erf)  }
0x105: {  	v22 =	vmovc v57;
	v9 =	vadd.f32 v9, v26;
	v57 =	vimm.s32 $0x1800;
	v20 =	vadd.f32 v56, v45  }
0x106: {  	s28 =	sadd.s32 $0x10, s28;
	v60 =	vpop (erf);
	[tilespmem:v48+s18+$0x0] =	vst.idx.add.s32.msk vm10, v21;
	v5 =	vadd.f32 v7, v5;
	v7 =	vtrunc.f32 v33;
	v33 =	vsub.f32 $1.000000000e+00, v10  }
0x107: {  	v21 =	vmovc v58;
	v58 =	vimm.s32 $0x2000;
	v48 =	vadd.f32 v60, v8;
	[tilespmem:v31+s18+$0x0] =	vst.idx.add.s32.msk vm8, v47;
	v7 =	vcvt.f32.s32 v7  }
0x108: {  	v47 =	vadd.s32 v50, v4;
	v4 =	vsel vm6, $0x12000, v12;
	v3 =	vadd.f32 v3, v5  }
0x109: {  	v5 =	vcvt.f32.s32 v6;
	v31 =	vadd.f32 v48, v20;
	v20 =	vmovc v63;
	v63 =	vimm.s32 $0x800  }
0x10a: {  	v6 =	vsub.f32 $1.000000000e+00, v62;
	vm2 =	vlt.s32 v7, $0x7FF;
	v2 =	vadd.f32 v3, v2;
	v26 =	vld [tilespmem:s28+$0x0]  }
0x10b: {  	v3 =	vnsel vm2, $0x7FF, v7;
	vm2 =	vlt.s32 v5, $0x7FF;
	v9 =	vadd.f32 v9, v31  }
0x10c: {  	v6 =	vsel vm3, v6, v62;
	v7 =	vsel vm6, v33, v10;
	v10 =	vmul.f32 v28, v19  }
0x10d: {  	v5 =	vnsel vm2, $0x7FF, v5;
	v6 =	vmul.f32 $2.048000000e+03, v6;
	v2 =	vadd.f32 v2, v9  }
0x10e: {  	v19 =	vmovc v61;
	v7 =	vmul.f32 $2.048000000e+03, v7;
	v50 =	vadd.s32 v59, v3;
	v9 =	vsel vm7, $0xE000, v17  }
0x10f: {  	v6 =	vtrunc.f32 v6;
	vm3 =	veq.s32 v26, $0xC;
	vm2 =	veq.s32 v26, $0xD  }
0x110: {  	v7 =	vtrunc.f32 v7;
	v6 =	vcvt.f32.s32 v6;
	vm7 =	veq.s32 v26, $0x2  }
0x111: {  	v28 =	vsub.f32 $1.000000000e+00, v10;
	v7 =	vcvt.f32.s32 v7;
	vm4 =	veq.s32 v26, $0xB  }
0x112: {  	v3 =	vtrunc.f32 v38;
	v59 =	vimm.s32 $0x2800;
	vm8 =	vlt.s32 v6, $0x7FF  }
0x113: {  	v10 =	vsel vm9, v28, v10;
	vm6 =	vlt.s32 v7, $0x7FF;
	v6 =	vnsel vm8, $0x7FF, v6  }
0x114: {  	v3 =	vcvt.f32.s32 v3;
	(erf) = vrcp.f32 v2;
	v2 =	vnsel vm6, $0x7FF, v7  }
0x115: {  	v38 =	vadd.s32 v55, v5;
	v5 =	vmul.f32 $2.048000000e+03, v10;
	v10 =	vsel vm1, $0xC800, v16  }
0x116: {  	vm1 =	vlt.s32 v3, $0x7FF;
	v7 =	vsel vm0, $0xD000, v15;
	vm0 =	veq.s32 v26, $0x7  }
0x117: {  	v3 =	vnsel vm1, $0x7FF, v3;
	v51 =	vadd.s32 v51, v6;
	v48 =	vadd.s32 v4, v2  }
0x118: {  	vm9 =	veq.s32 v26, $0x4;
	v2 =	vadd.s32 v10, v37;
	v4 =	vnsel vm5, $0x7FF, v36;
	(xrf1) =	vunique.msk.u32 $0xffff, v29  }
0x119: {  	vm1 =	veq.s32 v26, $0x6;
	v5 =	vtrunc.f32 v5;
	v4 =	vadd.s32 v7, v4;
	(xrf1) =	vunique.msk.u32 $0xffff, v2  }
0x11a: {  	vm8 =	veq.s32 v26, $0x1;
	v3 =	vadd.s32 v46, v3;
	v5 =	vcvt.f32.s32 v5;
	(xrf1) =	vunique.msk.u32 $0xffff, v4  }
0x11b: {  	v6 =	vadd.s32 v9, v35;
	vm6 =	veq.s32 v26, $0x8;
	v36 =	vadd.s32 v42, v1;
	(xrf1) =	vunique.msk.u32 $0xffff, v3  }
0x11c: {  	v1 =	vadd.s32 v52, v39;
	vm5 =	vlt.s32 v5, $0x7FF;
	v7 =	vadd.s32 v43, v53;
	(xrf1) =	vunique.msk.u32 $0xffff, v6  }
0x11d: {  	vm10 =	veq.s32 v26, $0x3;
	vm11 =	veq.s32 v26, $0x0;
	v5 =	vnsel vm5, $0x7FF, v5;
	v28 =	vpop (erf);
	(xrf1) =	vunique.msk.u32 $0xffff, v1  }
0x11e: {  	vm5 =	veq.s32 v26, $0x5;
	v35 =	vadd.s32 v44, v5;
	v9 =	vmul.f32 v28, v45;
	(xrf1) =	vunique.msk.u32 $0xffff, v7  }
0x11f: {  	v39 =	vsel vm10, $0xB000, v57;
	v5 =	vmul.f32 v28, v8;
	v33 =	vmul.f32 v28, v54;
	(xrf1) =	vunique.msk.u32 $0xffff, v36  }
0x120: {  	v10 =	vmul.f32 v28, v60;
	v31 =	vmul.f32 v28, v56;
	v8 =	vsub.f32 $1.000000000e+00, v9;
	(xrf1) =	vunique.msk.u32 $0xffff, v47  }
0x121: {  	v42 =	vmul.f32 v28, v49;
	v45 =	vsel vm7, $0xA800, v13;
	v37 =	vsub.f32 $1.000000000e+00, v5;
	(xrf1) =	vunique.msk.u32 $0xffff, v50  }
0x122: {  	v43 =	vsub.f32 $1.000000000e+00, v31;
	v8 =	vsel vm11, v8, v9;
	v9 =	vsel vm11, $0x9800, v14;
	(xrf1) =	vunique.msk.u32 $0xffff, v38  }
0x123: {  	v44 =	vsub.f32 $1.000000000e+00, v42;
	v5 =	vsel vm7, v37, v5;
	v8 =	vmul.f32 $2.048000000e+03, v8;
	(xrf1) =	vunique.msk.u32 $0xffff, v51  }
0x124: {  	v53 =	vmul.f32 v28, v41;
	v49 =	vsub.f32 $1.000000000e+00, v10;
	v5 =	vmul.f32 $2.048000000e+03, v5;
	(xrf1) =	vunique.msk.u32 $0xffff, v48  }
0x125: {  	v31 =	vsel vm8, v43, v31;
	v43 =	vsel vm9, v44, v42;
	v8 =	vtrunc.f32 v8;
	(xrf1) =	vunique.msk.u32 $0xffff, v35  }
0x126: {  	v44 =	vsel vm9, $0xB800, v58;
	v42 =	vsel vm8, $0xA000, v63;
	v8 =	vcvt.f32.s32 v8;
	_, v46, vm11 =	vpop (xrf1)  }
0x127: {  	v10 =	vsel vm10, v49, v10;
	v49 =	vmul.f32 v28, v34;
	v5 =	vtrunc.f32 v5;
	_, v37, vm8 =	vpop (xrf1)  }
0x128: {  	v10 =	vmul.f32 $2.048000000e+03, v10;
	v5 =	vcvt.f32.s32 v5;
	vm7 =	vlt.s32 v8, $0x7FF;
	_, v52, vm13 =	vpop (xrf1)  }
0x129: {  	v54 =	vmul.f32 $2.048000000e+03, v43;
	v43 =	vmul.f32 $2.048000000e+03, v31;
	v8 =	vnsel vm7, $0x7FF, v8;
	_, v41, vm12 =	vpop (xrf1)  }
0x12a: {  	vm9 =	vlt.s32 v5, $0x7FF;
	v34 =	vadd.s32 v9, v8;
	v8 =	vmul.f32 v28, v32;
	_, v9, vm7 =	vpop (xrf1)  }
0x12b: {  	v10 =	vtrunc.f32 v10;
	v31 =	vtrunc.f32 v54;
	v5 =	vnsel vm9, $0x7FF, v5;
	(xrf1) =	vunique.msk.u32 $0xffff, v34;
	_, v55, vm9 =	vpop (xrf1)  }
0x12c: {  	v31 =	vcvt.f32.s32 v31;
	v32 =	vadd.s32 v45, v5;
	v5 =	vmul.f32 v28, v40;
	[tilespmem:v29+s18+$0x0] =	vst.idx.add.s32.msk vm11, v46;
	_, v29, vm10 =	vpop (xrf1)  }
0x12d: {  	v10 =	vcvt.f32.s32 v10;
	(xrf1) =	vunique.msk.u32 $0xffff, v32;
	[tilespmem:v2+s18+$0x0] =	vst.idx.add.s32.msk vm8, v37;
	_, v2, vm11 =	vpop (xrf1)  }
0x12e: {  	vm14 =	vlt.s32 v31, $0x7FF;
	v37 =	vsub.f32 $1.000000000e+00, v5;
	[tilespmem:v4+s18+$0x0] =	vst.idx.add.s32.msk vm13, v52;
	_, v4, vm8 =	vpop (xrf1)  }
0x12f: {  	v45 =	vsub.f32 $1.000000000e+00, v53;
	v46 =	vsub.f32 $1.000000000e+00, v8;
	vm13 =	vlt.s32 v10, $0x7FF;
	[tilespmem:v3+s18+$0x0] =	vst.idx.add.s32.msk vm12, v41;
	_, v3, vm12 =	vpop (xrf1)  }
0x130: {  	v41 =	vnsel vm13, $0x7FF, v10;
	v10 =	vimm.s32 $0x8000;
	v5 =	vsel vm5, v37, v5;
	[tilespmem:v6+s18+$0x0] =	vst.idx.add.s32.msk vm7, v9;
	_, v6, vm13 =	vpop (xrf1)  }
0x131: {  	v8 =	vsel vm1, v46, v8;
	v9 =	vnsel vm14, $0x7FF, v31;
	v5 =	vmul.f32 $2.048000000e+03, v5;
	[tilespmem:v1+s18+$0x0] =	vst.idx.add.s32.msk vm9, v55;
	_, v1, vm9 =	vpop (xrf1)  }
0x132: {  	v8 =	vmul.f32 $2.048000000e+03, v8;
	v31 =	vadd.s32 v44, v9;
	v9 =	vsel vm0, v45, v53;
	[tilespmem:v7+s18+$0x0] =	vst.idx.add.s32.msk vm10, v29;
	_, v7, vm10 =	vpop (xrf1)  }
0x133: {  	v5 =	vtrunc.f32 v5;
	v9 =	vmul.f32 $2.048000000e+03, v9;
	(xrf1) =	vunique.msk.u32 $0xffff, v31;
	[tilespmem:v36+s18+$0x0] =	vst.idx.add.s32.msk vm11, v2;
	_, v40, vm7 =	vpop (xrf1)  }
.Ltmp1:
0x134: {  	v2 =	vcvt.f32.s32 v5;
	v5 =	vtrunc.f32 v8;
	v8 =	vsub.f32 $1.000000000e+00, v49;
	[tilespmem:v47+s18+$0x0] =	vst.idx.add.s32.msk vm8, v4;
	(pc) =	sbr.rel @p0 .LBB2_6-.Ltmp1, $4  }
0x135: {  	v4 =	vsel vm5, $0xC000, v59;
	v5 =	vcvt.f32.s32 v5;
	v9 =	vtrunc.f32 v9;
	[tilespmem:v50+s18+$0x0] =	vst.idx.add.s32.msk vm12, v3  }
0x136: {  	vm5 =	vlt.s32 v2, $0x7FF;
	v36 =	vcvt.f32.s32 v9;
	v3 =	vsel vm6, v8, v49;
	[tilespmem:v38+s18+$0x0] =	vst.idx.add.s32.msk vm13, v6  }
0x137: {  	v2 =	vnsel vm5, $0x7FF, v2;
	vm5 =	vlt.s32 v5, $0x7FF;
	v38 =	vmul.f32 $2.048000000e+03, v3;
	[tilespmem:v51+s18+$0x0] =	vst.idx.add.s32.msk vm9, v1  }
0x138: {  	s29 =	sadd.s32 $0x80, s29;
	s30 =	smov.u32 s2;
	v29 =	vadd.s32 v4, v2;
	v37 =	vnsel vm5, $0x7FF, v5;
	vm5 =	vlt.s32 v36, $0x7FF;
	[tilespmem:v48+s18+$0x0] =	vst.idx.add.s32.msk vm10, v7  }
0x139: {  	v1 =	vtrunc.f32 v43  }
0x13a: {  	v2 =	vmul.f32 v28, v23;
	v3 =	vmul.f32 v28, v24;
	vm9 =	veq.s32 v26, $0xA  }
0x13b: {  	vm8 =	veq.s32 v26, $0x9;
	v6 =	vmul.f32 v28, v27;
	v7 =	vmul.f32 v28, v30  }
0x13c: {  	v8 =	vmul.f32 v28, v25;
	v48 =	vadd.s32 v39, v41;
	vm12 =	veq.s32 v26, $0xF  }
0x13d: {  	v56 =	vimm.s32 $0x6000;
	v18 =	vimm.s32 $0x5800;
	v11 =	vimm.s32 $0x4000  }
0x13e: {  	v0 =	vimm.s32 $0x8000;
	v62 =	vimm.s32 $0x7800;
	v61 =	vimm.s32 $0x6800  }
0x13f: {  	v12 =	vimm.s32 $0x5000;
	v22 =	vmul.f32 v28, v22;
	v21 =	vmul.f32 v28, v21  }
0x140: {  	v30 =	vsub.f32 $1.000000000e+00, v33;
	v20 =	vmul.f32 v28, v20;
	v38 =	vtrunc.f32 v38  }
0x141: {  	v19 =	vmul.f32 v28, v19;
	v17 =	vimm.s32 $0x3800;
	v15 =	vimm.s32 $0x3000  }
0x142: {  	v36 =	vnsel vm5, $0x7FF, v36;
	v16 =	vimm.s32 $0x4800;
	v1 =	vcvt.f32.s32 v1  }
0x143: {  	v49 =	vsel vm3, $0xF800, v56;
	v50 =	vsel vm4, $0xF000, v18;
	v9 =	vsel vm6, $0xD800, v11  }
0x144: {  	vm6 =	veq.s32 v26, $0x10;
	v24 =	vsel vm12, $0x11000, v62;
	v25 =	vsel vm2, $0x10000, v61  }
0x145: {  	v27 =	vsel vm9, $0xE800, v12;
	v12 =	vimm.s32 $0x7000;
	v53 =	vcvt.f32.s32 v38  }
0x146: {  	v28 =	vsel vm0, $0xD000, v17;
	v54 =	vsel vm1, $0xC800, v15;
	v4 =	vsub.f32 $1.000000000e+00, v2  }
0x147: {  	v55 =	vsel vm8, $0xE000, v16;
	v5 =	vsub.f32 $1.000000000e+00, v3;
	v46 =	vsub.f32 $1.000000000e+00, v6  }
0x148: {  	v47 =	vsub.f32 $1.000000000e+00, v8;
	v10 =	vsel vm6, $0x11800, v0;
	v51 =	vsub.f32 $1.000000000e+00, v21  }
0x149: {  	v52 =	vsub.f32 $1.000000000e+00, v20;
	v37 =	vadd.s32 v54, v37;
	v28 =	vadd.s32 v28, v36  }
0x14a: {  	vm10 =	vlt.s32 v1, $0x7FF;
	v2 =	vsel vm8, v4, v2;
	v3 =	vsel vm9, v5, v3  }
0x14b: {  	v4 =	vsel vm4, v46, v6;
	v5 =	vsel vm2, v47, v8;
	vm4 =	veq.s32 v26, $0x11  }
0x14c: {  	v21 =	vsel vm6, v51, v21;
	v2 =	vmul.f32 $2.048000000e+03, v2;
	v3 =	vmul.f32 $2.048000000e+03, v3  }
0x14d: {  	v4 =	vmul.f32 $2.048000000e+03, v4;
	v5 =	vmul.f32 $2.048000000e+03, v5;
	v20 =	vsel vm4, v52, v20  }
0x14e: {  	v1 =	vnsel vm10, $0x7FF, v1;
	v21 =	vmul.f32 $2.048000000e+03, v21;
	v20 =	vmul.f32 $2.048000000e+03, v20  }
0x14f: {  	v23 =	vadd.s32 v42, v1;
	v2 =	vtrunc.f32 v2;
	v3 =	vtrunc.f32 v3  }
0x150: {  	v1 =	vsub.f32 $1.000000000e+00, v7;
	v4 =	vtrunc.f32 v4;
	v5 =	vtrunc.f32 v5  }
0x151: {  	v60 =	vsub.f32 $1.000000000e+00, v19;
	v21 =	vtrunc.f32 v21;
	v2 =	vcvt.f32.s32 v2  }
0x152: {  	v1 =	vsel vm3, v1, v7;
	v3 =	vcvt.f32.s32 v3;
	v4 =	vcvt.f32.s32 v4  }
0x153: {  	vm3 =	veq.s32 v26, $0x12;
	v1 =	vmul.f32 $2.048000000e+03, v1;
	v5 =	vcvt.f32.s32 v5  }
0x154: {  	v21 =	vcvt.f32.s32 v21;
	v19 =	vsel vm3, v60, v19;
	v20 =	vtrunc.f32 v20  }
0x155: {  	vm0 =	vlt.s32 v53, $0x7FF;
	v19 =	vmul.f32 $2.048000000e+03, v19;
	v20 =	vcvt.f32.s32 v20  }
0x156: {  	vm15 =	vlt.s32 v2, $0x7FF;
	vm11 =	vlt.s32 v3, $0x7FF;
	vm2 =	vlt.s32 v4, $0x7FF  }
0x157: {  	(xrf1) =	vunique.msk.u32 $0xffff, v23;
	v1 =	vtrunc.f32 v1;
	vm13 =	vlt.s32 v5, $0x7FF;
	vm1 =	vlt.s32 v21, $0x7FF  }
0x158: {  	v4 =	vnsel vm2, $0x7FF, v4;
	vm2 =	veq.s32 v26, $0xE;
	v26 =	vsub.f32 $1.000000000e+00, v22  }
0x159: {  	(xrf1) =	vunique.msk.u32 $0xffff, v48;
	v2 =	vnsel vm15, $0x7FF, v2;
	v3 =	vnsel vm11, $0x7FF, v3;
	v1 =	vcvt.f32.s32 v1  }
0x15a: {  	v5 =	vnsel vm13, $0x7FF, v5;
	v19 =	vtrunc.f32 v19;
	v22 =	vsel vm12, v26, v22  }
0x15b: {  	(xrf1) =	vunique.msk.u32 $0xffff, v29;
	v21 =	vnsel vm1, $0x7FF, v21;
	v30 =	vsel vm2, v30, v33;
	v22 =	vmul.f32 $2.048000000e+03, v22  }
0x15c: {  	(xrf1) =	vunique.msk.u32 $0xffff, v37;
	vm1 =	vlt.s32 v20, $0x7FF;
	v33 =	vnsel vm0, $0x7FF, v53;
	v30 =	vmul.f32 $2.048000000e+03, v30  }
0x15d: {  	(xrf1) =	vunique.msk.u32 $0xffff, v28;
	v2 =	vadd.s32 v55, v2;
	v9 =	vadd.s32 v9, v33;
	v22 =	vtrunc.f32 v22  }
0x15e: {  	v3 =	vadd.s32 v27, v3;
	(xrf1) =	vunique.msk.u32 $0xffff, v9;
	v30 =	vtrunc.f32 v30;
	v22 =	vcvt.f32.s32 v22  }
0x15f: {  	v26 =	vsel vm2, $0x10800, v12;
	vm2 =	vlt.s32 v1, $0x7FF;
	(xrf1) =	vunique.msk.u32 $0xffff, v2;
	v30 =	vcvt.f32.s32 v30  }
0x160: {  	v4 =	vadd.s32 v50, v4;
	v5 =	vadd.s32 v25, v5;
	v1 =	vnsel vm2, $0x7FF, v1;
	(xrf1) =	vunique.msk.u32 $0xffff, v3  }
0x161: {  	v19 =	vcvt.f32.s32 v19;
	v1 =	vadd.s32 v49, v1;
	(xrf1) =	vunique.msk.u32 $0xffff, v4;
	vm2 =	vlt.s32 v30, $0x7FF  }
0x162: {  	_, v39, vm0 =	vpop (xrf1);
	v12 =	vimm.s32 $0x8800;
	(xrf1) =	vunique.msk.u32 $0xffff, v1;
	v30 =	vnsel vm2, $0x7FF, v30;
	vm2 =	vlt.s32 v22, $0x7FF  }
0x163: {  	v25 =	vsel vm4, $0x12000, v12;
	v38 =	vnsel vm2, $0x7FF, v22;
	v26 =	vadd.s32 v26, v30;
	_, v22, vm2 =	vpop (xrf1);
	(xrf1) =	vunique.msk.u32 $0xffff, v5  }
0x164: {  	v60 =	vimm.s32 $0x9000;
	v20 =	vnsel vm1, $0x7FF, v20;
	v8 =	vadd.s32 v24, v38;
	_, v27, vm4 =	vpop (xrf1);
	(xrf1) =	vunique.msk.u32 $0xffff, v26  }
0x165: {  	v10 =	vadd.s32 v10, v21;
	v21 =	vsel vm3, $0x12800, v60;
	vm1 =	vlt.s32 v19, $0x7FF;
	_, v24, vm5 =	vpop (xrf1);
	(xrf1) =	vunique.msk.u32 $0xffff, v8  }
0x166: {  	v20 =	vadd.s32 v25, v20;
	v19 =	vnsel vm1, $0x7FF, v19;
	(xrf1) =	vunique.msk.u32 $0xffff, v10  }
0x167: {  	v19 =	vadd.s32 v21, v19;
	_, v25, vm1 =	vpop (xrf1);
	(xrf1) =	vunique.msk.u32 $0xffff, v20  }
0x168: {  	(xrf1) =	vunique.msk.u32 $0xffff, v19  }
0x169: {  	[tilespmem:v35+s18+$0x0] =	vst.idx.add.s32.msk vm7, v40;
	_, v21, vm3 =	vpop (xrf1)  }
0x16a: {  	[tilespmem:v34+s18+$0x0] =	vst.idx.add.s32.msk vm0, v39;
	_, v7, vm0 =	vpop (xrf1)  }
0x16b: {  	[tilespmem:v23+s18+$0x0] =	vst.idx.add.s32.msk vm5, v24;
	_, v23, vm5 =	vpop (xrf1)  }
0x16c: {  	[tilespmem:v32+s18+$0x0] =	vst.idx.add.s32.msk vm2, v22;
	_, v22, vm2 =	vpop (xrf1)  }
0x16d: {  	[tilespmem:v48+s18+$0x0] =	vst.idx.add.s32.msk vm1, v25;
	_, v6, vm1 =	vpop (xrf1)  }
0x16e: {  	[tilespmem:v31+s18+$0x0] =	vst.idx.add.s32.msk vm4, v27;
	_, v24, vm4 =	vpop (xrf1)  }
0x16f: {  	[tilespmem:v29+s18+$0x0] =	vst.idx.add.s32.msk vm3, v21;
	_, v21, vm3 =	vpop (xrf1)  }
0x170: {  	[tilespmem:v37+s18+$0x0] =	vst.idx.add.s32.msk vm0, v7;
	_, v7, vm0 =	vpop (xrf1)  }
0x171: {  	[tilespmem:v28+s18+$0x0] =	vst.idx.add.s32.msk vm5, v23;
	_, v23, vm5 =	vpop (xrf1)  }
0x172: {  	[tilespmem:v9+s18+$0x0] =	vst.idx.add.s32.msk vm2, v22;
	_, v9, vm2 =	vpop (xrf1)  }
0x173: {  	[tilespmem:v2+s18+$0x0] =	vst.idx.add.s32.msk vm1, v6;
	_, v2, vm1 =	vpop (xrf1)  }
0x174: {  	[tilespmem:v3+s18+$0x0] =	vst.idx.add.s32.msk vm4, v24;
	_, v3, vm4 =	vpop (xrf1)  }
0x175: {  	[tilespmem:v4+s18+$0x0] =	vst.idx.add.s32.msk vm3, v21;
	_, v4, vm3 =	vpop (xrf1)  }
0x176: {  	[tilespmem:v1+s18+$0x0] =	vst.idx.add.s32.msk vm0, v7;
	_, v1, vm0 =	vpop (xrf1)  }
0x177: {  	[tilespmem:v5+s18+$0x0] =	vst.idx.add.s32.msk vm5, v23  }
0x178: {  	[tilespmem:v26+s18+$0x0] =	vst.idx.add.s32.msk vm2, v9  }
0x179: {  	[tilespmem:v8+s18+$0x0] =	vst.idx.add.s32.msk vm1, v2  }
0x17a: {  	p0 =	seq.s32 s25, $0xF;
	[tilespmem:v10+s18+$0x0] =	vst.idx.add.s32.msk vm4, v3  }
0x17b: {  	s0 =	sadd.s32 @!p0 s26, s7;
	s26 =	simm.s32 @!p0 $0x2000;
	s28 =	simm.s32 @!p0 $0x800000;
	[tilespmem:v20+s18+$0x0] =	vst.idx.add.s32.msk vm3, v4  }
0x17c: {  	s29 =	simm.s32 @!p0 $0x0;
	s2 =	sadd.s32 @!p0 s1, s0;
	s0 =	sshrl.u32 @!p0 s0, $0x3;
	[tilespmem:v19+s18+$0x0] =	vst.idx.add.s32.msk vm0, v1  }
0x17d: {  	[tilespmem:s29], [sflag:$0x1] =	stream.strided.gather @!p0 [hbm4b:s2+s26], $0x6000, s28, s26, $0x38;
	[tilespmem:$0x1F800] =	vst v63  }
0x17e: {  	s0 =	sadd.s32 @!p0 s3, s0;
	s2 =	simm.s32 @!p0 $0x6000  }
0x17f: {  	[tilespmem:s2], [sflag:$0x2] =	stream.linear.gather @!p0 [hbm4b:s0+s29], $0x400, $0x38;
	[tilespmem:$0x1F800] =	vst v63  }
0x180: {  	_ =	swait.ge [sflag:s19], $0x6000  }
0x181: {  	[sflag:s19] =	ssyncset.done $0x0  }
0x182: {  	[sflag:s19] =	ssyncadd.s32 $0xFFFFA000  }
0x183: {  	s30 =	simm.s32 $0x0;
	_ =	swait.ge [sflag:s20], $0x400  }
0x184: {  	s31 =	sand.u32 $0x70, s30;
	s0 =	sand.u32 $0x1C00, s30;
	[sflag:s20] =	ssyncset.done $0x0  }
0x185: {  	s0 =	sor.u32 s31, s0;
	[sflag:s20] =	ssyncadd.s32 $0xFFFFFC00  }
0x186: {  	v1 =	vld [tilespmem:s0+$0x8480]  }
0x187: {  	v2 =	vld [tilespmem:s0+$0x8500]  }
0x188: {  	v3 =	vld [tilespmem:s0+$0x8400]  }
0x189: {  	v41 =	vld [tilespmem:s0+$0xA500]  }
0x18a: {  	v42 =	vld [tilespmem:s0+$0x6400]  }
0x18b: {  	v43 =	vld [tilespmem:s0+$0x8680];
	v1 =	vmul.f32 $1.442695020e+00, v1  }
0x18c: {  	v44 =	vld [tilespmem:s0+$0x8580];
	v2 =	vmul.f32 $1.442695020e+00, v2  }
0x18d: {  	v46 =	vld [tilespmem:s0+$0x6700];
	(erf) = vpow2.f32 v1;
	v1 =	vmul.f32 $1.442695020e+00, v3  }
0x18e: {  	v45 =	vld [tilespmem:s0+$0x6680];
	v3 =	vmul.f32 $1.442695020e+00, v41;
	(erf) = vpow2.f32 v2  }
0x18f: {  	v47 =	vld [tilespmem:s0+$0x8780];
	(erf) = vpow2.f32 v1  }
0x190: {  	v2 =	vmul.f32 $1.442695020e+00, v42;
	(erf) = vpow2.f32 v3;
	v3 =	vld [tilespmem:s0+$0x6600]  }
0x191: {  	v6 =	vmul.f32 $1.442695020e+00, v43;
	v7 =	vmul.f32 $1.442695020e+00, v44;
	v1 =	vld [tilespmem:s0+$0x6780]  }
0x192: {  	v48 =	vld [tilespmem:s0+$0xA400];
	v4 =	vmul.f32 $1.442695020e+00, v46;
	(erf) = vpow2.f32 v2  }
0x193: {  	v49 =	vld [tilespmem:s0+$0xA480];
	v2 =	vmul.f32 $1.442695020e+00, v45;
	(erf) = vpow2.f32 v6  }
0x194: {  	v50 =	vld [tilespmem:s0+$0x8600];
	v5 =	vmul.f32 $1.442695020e+00, v47;
	(erf) = vpow2.f32 v7  }
0x195: {  	(erf) = vpow2.f32 v2;
	v2 =	vld [tilespmem:s0+$0x8700];
	v3 =	vmul.f32 $1.442695020e+00, v3  }
0x196: {  	v51 =	vld [tilespmem:s0+$0x6500];
	v1 =	vmul.f32 $1.442695020e+00, v1;
	(erf) = vpow2.f32 v4  }
0x197: {  	v52 =	vld [tilespmem:s0+$0x6480];
	v8 =	vmul.f32 $1.442695020e+00, v48;
	v21 =	vpop (erf);
	(erf) = vpow2.f32 v5  }
0x198: {  	v6 =	vmul.f32 $1.442695020e+00, v49;
	(erf) = vpow2.f32 v1;
	v22 =	vpop (erf);
	v1 =	vld [tilespmem:s0+$0x6580]  }
0x199: {  	v7 =	vmul.f32 $1.442695020e+00, v50;
	(erf) = vpow2.f32 v3;
	v3 =	vpop (erf)  }
0x19a: {  	(erf) = vpow2.f32 v8;
	v2 =	vmul.f32 $1.442695020e+00, v2;
	v26 =	vpop (erf)  }
0x19b: {  	v4 =	vmul.f32 $1.442695020e+00, v51;
	(erf) = vpow2.f32 v6;
	v53 =	vpop (erf)  }
0x19c: {  	v5 =	vmul.f32 $1.442695020e+00, v52;
	(erf) = vpow2.f32 v7;
	v19 =	vpop (erf)  }
0x19d: {  	(erf) = vpow2.f32 v2;
	v1 =	vmul.f32 $1.442695020e+00, v1;
	v6 =	vpop (erf)  }
0x19e: {  	(erf) = vpow2.f32 v4;
	v2 =	vpop (erf)  }
0x19f: {  	(erf) = vpow2.f32 v5;
	v4 =	vpop (erf)  }
0x1a0: {  	(erf) = vpow2.f32 v1;
	v30 =	vpop (erf)  }
0x1a1: {  	v1 =	vpop (erf)  }
0x1a2: {  	v5 =	vpop (erf)  }
0x1a3: {  	v32 =	vpop (erf)  }
0x1a4: {  	v28 =	vpop (erf)  }
0x1a5: {  	v54 =	vadd.f32 v21, v3;
	v55 =	vpop (erf)  }
0x1a6: {  	v24 =	vadd.f32 v6, v22;
	v46 =	vadd.f32 v1, v4;
	v23 =	vpop (erf)  }
0x1a7: {  	v45 =	vadd.f32 v2, v5;
	v20 =	vadd.f32 v28, v32;
	v27 =	vpop (erf)  }
0x1a8: {  	v25 =	vadd.f32 v19, v55;
	v29 =	vadd.f32 v30, v23;
	v31 =	vpop (erf)  }
0x1a9: {  	v20 =	vadd.f32 v26, v20;
	v47 =	vadd.f32 v31, v53;
	v48 =	vpop (erf)  }
0x1aa: {  	v25 =	vadd.f32 v29, v25;
	v49 =	vadd.f32 v48, v27  }
0x1ab: {  	v7 =	vadd.f32 v24, v54;
	v10 =	vadd.f32 v46, v45  }
0x1ac: {  	v20 =	vadd.f32 v20, v25;
	v24 =	vadd.f32 v49, v47;
	_ =	sdelay $0x1  }
0x1ad: {  	v7 =	vadd.f32 v20, v7;
	v10 =	vadd.f32 v10, v24;
	_ =	sdelay $0x1  }
0x1ae: {  	v7 =	vadd.f32 v7, v10;
	_ =	sdelay $0x1  }
0x1af: {  	s26 =	simm.s32 $0xC400;
	(erf) = vrcp.f32 v7  }
0x1b0: {  	s29 =	simm.s32 $0x10;
	s30 =	simm.s32 $0x80;
	v42 =	vld [tilespmem:s26+$0x0]  }
0x1b1: {  	s2 =	sand.u32 $0x1C00, s30;
	s0 =	sand.u32 $0x70, s29  }
0x1b2: {  	s31 =	sor.u32 s0, s2  }
0x1b3: {  	v54 =	vld [tilespmem:s31+$0x8500]  }
0x1b4: {  	v14 =	vimm.s32 $0x0;
	v13 =	vimm.s32 $0x1000  }
0x1b5: {  	vm5 =	veq.s32 v42, $0xC;
	vm2 =	veq.s32 v42, $0xD;
	vm7 =	veq.s32 v42, $0x2  }
0x1b6: {  	vm4 =	veq.s32 v42, $0xB;
	vm0 =	veq.s32 v42, $0x7;
	vm6 =	veq.s32 v42, $0x1  }
0x1b7: {  	vm3 =	veq.s32 v42, $0x8;
	vm14 =	veq.s32 v42, $0x4;
	vm1 =	veq.s32 v42, $0x6  }
0x1b8: {  	vm8 =	veq.s32 v42, $0x5;
	vm15 =	veq.s32 v42, $0x3;
	v33 =	vmul.f32 $1.442695020e+00, v54;
	v34 =	vpop (erf)  }
0x1b9: {  	vm12 =	veq.s32 v42, $0x0;
	v50 =	vmul.f32 v34, v53;
	v51 =	vmul.f32 v34, v27  }
0x1ba: {  	vm10 =	veq.s32 v42, $0x12;
	v44 =	vmul.f32 v34, v23;
	v23 =	vmul.f32 v34, v48  }
0x1bb: {  	vm9 =	veq.s32 v42, $0x11;
	v24 =	vmul.f32 v34, v31;
	v5 =	vmul.f32 v34, v5  }
0x1bc: {  	v40 =	vsel vm6, $0xA000, v63;
	v2 =	vmul.f32 v34, v2;
	v4 =	vmul.f32 v34, v4  }
0x1bd: {  	v56 =	vsel vm5, $0xF800, v56;
	v3 =	vmul.f32 v34, v3;
	v1 =	vmul.f32 v34, v1  }
0x1be: {  	v20 =	vsel vm15, $0xB000, v57;
	v21 =	vmul.f32 v34, v21;
	v6 =	vmul.f32 v34, v6  }
0x1bf: {  	v53 =	vsel vm12, $0x9800, v14;
	v9 =	vmul.f32 v34, v55;
	v32 =	vmul.f32 v34, v32  }
0x1c0: {  	v28 =	vmul.f32 v34, v28;
	v52 =	vsub.f32 $1.000000000e+00, v50;
	v25 =	vsub.f32 $1.000000000e+00, v51  }
0x1c1: {  	v55 =	vld [tilespmem:s31+$0x6400];
	v26 =	vmul.f32 v34, v26;
	v27 =	vsub.f32 $1.000000000e+00, v24;
	v29 =	vsub.f32 $1.000000000e+00, v5  }
0x1c2: {  	v31 =	vsub.f32 $1.000000000e+00, v4;
	v7 =	vsel vm12, v52, v50;
	v8 =	vsel vm7, v25, v51  }
0x1c3: {  	v25 =	vsub.f32 $1.000000000e+00, v23;
	v24 =	vsel vm6, v27, v24;
	v5 =	vsel vm14, v29, v5  }
0x1c4: {  	v29 =	vsub.f32 $1.000000000e+00, v2;
	v7 =	vmul.f32 $2.048000000e+03, v7;
	v8 =	vmul.f32 $2.048000000e+03, v8  }
0x1c5: {  	v4 =	vsel vm1, v31, v4;
	v5 =	vmul.f32 $2.048000000e+03, v5;
	v24 =	vmul.f32 $2.048000000e+03, v24  }
0x1c6: {  	v4 =	vmul.f32 $2.048000000e+03, v4;
	v10 =	vmul.f32 $1.442695020e+00, v55;
	v23 =	vsel vm15, v25, v23  }
0x1c7: {  	v2 =	vsel vm8, v29, v2;
	v7 =	vtrunc.f32 v7;
	v8 =	vtrunc.f32 v8  }
0x1c8: {  	v27 =	vsel vm7, $0xA800, v13;
	v31 =	vld [tilespmem:s31+$0xA500];
	v23 =	vmul.f32 $2.048000000e+03, v23;
	v2 =	vmul.f32 $2.048000000e+03, v2  }
0x1c9: {  	vm7 =	veq.s32 v42, $0xA;
	v50 =	vld [tilespmem:s31+$0x6680];
	v5 =	vtrunc.f32 v5;
	v4 =	vtrunc.f32 v4  }
0x1ca: {  	v29 =	vsub.f32 $1.000000000e+00, v1;
	v7 =	vcvt.f32.s32 v7;
	v8 =	vcvt.f32.s32 v8  }
0x1cb: {  	v25 =	vsel vm14, $0xB800, v58;
	v5 =	vcvt.f32.s32 v5;
	v4 =	vcvt.f32.s32 v4  }
0x1cc: {  	v1 =	vsel vm0, v29, v1;
	v23 =	vtrunc.f32 v23;
	v2 =	vtrunc.f32 v2  }
0x1cd: {  	v29 =	vsub.f32 $1.000000000e+00, v3;
	v1 =	vmul.f32 $2.048000000e+03, v1;
	v49 =	vmul.f32 $1.442695020e+00, v31  }
0x1ce: {  	v48 =	vld [tilespmem:s31+$0x8580];
	v51 =	vmul.f32 $1.442695020e+00, v50;
	v23 =	vcvt.f32.s32 v23;
	vm6 =	vlt.s32 v7, $0x7FF  }
0x1cf: {  	v2 =	vcvt.f32.s32 v2;
	vm13 =	vlt.s32 v8, $0x7FF;
	vm15 =	vlt.s32 v5, $0x7FF  }
0x1d0: {  	v52 =	vld [tilespmem:s31+$0xA400];
	v7 =	vnsel vm6, $0x7FF, v7;
	v1 =	vtrunc.f32 v1;
	vm6 =	veq.s32 v42, $0x9  }
0x1d1: {  	v8 =	vnsel vm13, $0x7FF, v8;
	v5 =	vnsel vm15, $0x7FF, v5;
	vm15 =	veq.s32 v42, $0xE  }
0x1d2: {  	v35 =	vcvt.f32.s32 v1;
	v1 =	vsel vm3, v29, v3;
	v3 =	vmul.f32 v34, v22  }
0x1d3: {  	v31 =	vadd.s32 v27, v8;
	vm14 =	vlt.s32 v23, $0x7FF;
	v27 =	vmul.f32 $1.442695020e+00, v48  }
0x1d4: {  	v22 =	vld [tilespmem:s31+$0x8480];
	v43 =	vmul.f32 $2.048000000e+03, v1;
	v1 =	vtrunc.f32 v24;
	v24 =	vsub.f32 $1.000000000e+00, v21  }
0x1d5: {  	v8 =	vmul.f32 $1.442695020e+00, v52;
	v45 =	vnsel vm14, $0x7FF, v23;
	v29 =	vsub.f32 $1.000000000e+00, v3  }
0x1d6: {  	v1 =	vcvt.f32.s32 v1;
	v45 =	vadd.s32 v20, v45;
	v21 =	vsel vm6, v24, v21;
	v24 =	vld [tilespmem:s31+$0x8400]  }
0x1d7: {  	v21 =	vmul.f32 $2.048000000e+03, v21;
	v3 =	vsel vm7, v29, v3;
	v29 =	vadd.s32 v53, v7  }
0x1d8: {  	v7 =	vmul.f32 v34, v19;
	v53 =	vsel vm8, $0xC000, v59;
	vm8 =	vlt.s32 v2, $0x7FF  }
0x1d9: {  	v2 =	vnsel vm8, $0x7FF, v2;
	v19 =	vtrunc.f32 v21;
	v21 =	vmul.f32 $1.442695020e+00, v22;
	v22 =	vld [tilespmem:s31+$0x8680]  }
0x1da: {  	v3 =	vmul.f32 $2.048000000e+03, v3;
	v37 =	vadd.s32 v53, v2;
	v2 =	vld [tilespmem:s31+$0x6480];
	v41 =	vcvt.f32.s32 v19  }
0x1db: {  	vm12 =	vlt.s32 v1, $0x7FF;
	v19 =	vld [tilespmem:s31+$0x6700];
	(erf) = vpow2.f32 v21;
	v21 =	vmul.f32 $1.442695020e+00, v24  }
0x1dc: {  	v23 =	vld [tilespmem:s31+$0x8780];
	vm8 =	vlt.s32 v4, $0x7FF;
	v3 =	vtrunc.f32 v3;
	(erf) = vpow2.f32 v33  }
0x1dd: {  	v1 =	vnsel vm12, $0x7FF, v1;
	v3 =	vcvt.f32.s32 v3;
	(erf) = vpow2.f32 v21;
	v21 =	vld [tilespmem:s31+$0x6780]  }
0x1de: {  	v50 =	vld [tilespmem:s31+$0x6580];
	vm12 =	veq.s32 v42, $0xF;
	v22 =	vmul.f32 $1.442695020e+00, v22;
	(erf) = vpow2.f32 v49  }
0x1df: {  	v46 =	vadd.s32 v40, v1;
	v24 =	vld [tilespmem:s31+$0x6600];
	v2 =	vmul.f32 $1.442695020e+00, v2;
	(erf) = vpow2.f32 v10  }
0x1e0: {  	v33 =	vadd.s32 v25, v5;
	v25 =	vld [tilespmem:s31+$0x8600];
	v19 =	vmul.f32 $1.442695020e+00, v19;
	(erf) = vpow2.f32 v22  }
0x1e1: {  	vm13 =	vlt.s32 v41, $0x7FF;
	v22 =	vld [tilespmem:s31+$0xA480];
	(erf) = vpow2.f32 v27;
	v27 =	vmul.f32 $1.442695020e+00, v23  }
0x1e2: {  	vm14 =	vlt.s32 v3, $0x7FF;
	(erf) = vpow2.f32 v51;
	v54 =	vmul.f32 $1.442695020e+00, v21;
	v21 =	vld [tilespmem:s31+$0x8700]  }
0x1e3: {  	v55 =	vld [tilespmem:s31+$0x6500];
	v49 =	vnsel vm8, $0x7FF, v4;
	v4 =	vmul.f32 $1.442695020e+00, v50;
	(erf) = vpow2.f32 v19  }
0x1e4: {  	vm8 =	vlt.s32 v35, $0x7FF;
	v19 =	vmul.f32 $1.442695020e+00, v24;
	(erf) = vpow2.f32 v27  }
0x1e5: {  	v3 =	vnsel vm14, $0x7FF, v3;
	v52 =	vmul.f32 $1.442695020e+00, v25;
	v23 =	vpop (erf);
	(erf) = vpow2.f32 v54  }
0x1e6: {  	v24 =	vpop (erf);
	v51 =	vmul.f32 $1.442695020e+00, v22;
	v54 =	vsub.f32 $1.000000000e+00, v6;
	(erf) = vpow2.f32 v19  }
0x1e7: {  	v35 =	vnsel vm8, $0x7FF, v35;
	v36 =	vpop (erf);
	(erf) = vpow2.f32 v8;
	v53 =	vmul.f32 $1.442695020e+00, v21  }
0x1e8: {  	v19 =	vpop (erf);
	v21 =	vmul.f32 $1.442695020e+00, v55;
	v5 =	vsel vm4, v54, v6;
	v8 =	vmul.f32 v34, v30  }
0x1e9: {  	v55 =	vsub.f32 $1.000000000e+00, v9;
	v6 =	vadd.f32 v23, v36;
	v47 =	vpop (erf);
	(erf) = vpow2.f32 v51  }
0x1ea: {  	v1 =	vmul.f32 $2.048000000e+03, v5;
	v25 =	vpop (erf);
	(erf) = vpow2.f32 v52;
	v50 =	vsub.f32 $1.000000000e+00, v8  }
0x1eb: {  	v5 =	vnsel vm13, $0x7FF, v41;
	vm13 =	veq.s32 v42, $0x10;
	v27 =	vpop (erf);
	(erf) = vpow2.f32 v53  }
0x1ec: {  	v1 =	vtrunc.f32 v1;
	v38 =	vpop (erf);
	(erf) = vpow2.f32 v21;
	v8 =	vsel vm12, v50, v8  }
0x1ed: {  	v39 =	vpop (erf);
	(erf) = vpow2.f32 v2;
	v2 =	vsub.f32 $1.000000000e+00, v7;
	v8 =	vmul.f32 $2.048000000e+03, v8  }
0x1ee: {  	v21 =	vpop (erf);
	(erf) = vpow2.f32 v4;
	v4 =	vsel vm5, v55, v9;
	v9 =	vsub.f32 $1.000000000e+00, v44  }
0x1ef: {  	v10 =	vadd.f32 v27, v24;
	v1 =	vcvt.f32.s32 v1;
	v2 =	vsel vm2, v2, v7  }
0x1f0: {  	v40 =	vpop (erf);
	v4 =	vmul.f32 $2.048000000e+03, v4;
	v8 =	vtrunc.f32 v8;
	v9 =	vsel vm15, v9, v44  }
0x1f1: {  	v48 =	vpop (erf);
	v54 =	vadd.f32 v40, v39;
	v2 =	vmul.f32 $2.048000000e+03, v2;
	v8 =	vcvt.f32.s32 v8  }
0x1f2: {  	v22 =	vpop (erf);
	v7 =	vadd.f32 v38, v48;
	v4 =	vtrunc.f32 v4;
	v9 =	vmul.f32 $2.048000000e+03, v9  }
0x1f3: {  	v6 =	vadd.f32 v10, v6;
	v20 =	vpop (erf);
	v2 =	vtrunc.f32 v2;
	v4 =	vcvt.f32.s32 v4  }
0x1f4: {  	v30 =	vpop (erf);
	v42 =	vadd.f32 v20, v22;
	v7 =	vadd.f32 v54, v7;
	v54 =	vsel vm10, $0x12800, v60  }
0x1f5: {  	v60 =	vsub.f32 $1.000000000e+00, v28;
	v2 =	vcvt.f32.s32 v2;
	v9 =	vtrunc.f32 v9;
	v41 =	vpop (erf)  }
0x1f6: {  	v52 =	vadd.f32 v25, v30;
	v9 =	vcvt.f32.s32 v9;
	v51 =	vpop (erf);
	v53 =	vadd.f32 v21, v41  }
0x1f7: {  	v42 =	vadd.f32 v19, v42;
	v28 =	vsel vm9, v60, v28;
	v60 =	vsub.f32 $1.000000000e+00, v26;
	v44 =	vpop (erf)  }
0x1f8: {  	v28 =	vmul.f32 $2.048000000e+03, v28;
	v50 =	vadd.f32 v44, v47;
	v55 =	vpop (erf);
	v52 =	vadd.f32 v53, v52  }
0x1f9: {  	v53 =	vsel vm4, $0xF000, v18;
	v18 =	vimm.s32 $0x6800;
	v10 =	vadd.f32 v55, v51  }
0x1fa: {  	v28 =	vtrunc.f32 v28;
	v42 =	vadd.f32 v42, v52;
	v52 =	vsel vm13, $0x11800, v0  }
0x1fb: {  	v0 =	vimm.s32 $0x5000;
	v28 =	vcvt.f32.s32 v28;
	v10 =	vadd.f32 v10, v50  }
0x1fc: {  	v50 =	vsel vm3, $0xD800, v11;
	v34 =	vsel vm7, $0xE800, v0;
	vm3 =	vlt.s32 v2, $0x7FF  }
0x1fd: {  	v0 =	vimm.s32 $0x7000;
	v11 =	vsel vm0, $0xD000, v17;
	v6 =	vadd.f32 v42, v6  }
0x1fe: {  	v17 =	vimm.s32 $0x6000;
	v7 =	vadd.f32 v7, v10;
	v10 =	vsub.f32 $1.000000000e+00, v32  }
0x1ff: {  	v2 =	vnsel vm3, $0x7FF, v2;
	vm3 =	vlt.s32 v8, $0x7FF;
	v3 =	vadd.s32 v34, v3  }
0x200: {  	v8 =	vnsel vm3, $0x7FF, v8;
	v10 =	vsel vm13, v10, v32;
	v32 =	vsel vm12, $0x11000, v62  }
0x201: {  	v62 =	vsel vm2, $0x10000, v61;
	vm2 =	vlt.s32 v1, $0x7FF;
	v6 =	vadd.f32 v6, v7  }
0x202: {  	(xrf1) =	vunique.msk.u32 $0xffff, v29;
	v7 =	vsel vm10, v60, v26;
	v61 =	vtrunc.f32 v43;
	v60 =	vsel vm6, $0xE000, v16  }
0x203: {  	(xrf1) =	vunique.msk.u32 $0xffff, v31;
	v16 =	vimm.s32 $0x5800;
	v1 =	vnsel vm2, $0x7FF, v1;
	vm2 =	vlt.s32 v4, $0x7FF  }
0x204: {  	(xrf1) =	vunique.msk.u32 $0xffff, v33;
	v42 =	vadd.s32 v62, v2;
	v2 =	vimm.s32 $0x7000;
	v10 =	vmul.f32 $2.048000000e+03, v10  }
0x205: {  	(xrf1) =	vunique.msk.u32 $0xffff, v46;
	v62 =	vsel vm1, $0xC800, v15;
	v5 =	vadd.s32 v60, v5;
	v7 =	vmul.f32 $2.048000000e+03, v7  }
0x206: {  	v8 =	vadd.s32 v32, v8;
	v15 =	vimm.s32 $0x5000;
	(erf) = vrcp.f32 v6  }
0x207: {  	s26 =	simm.s32 $0xC410;
	(xrf1) =	vunique.msk.u32 $0xffff, v45;
	v2 =	vsel vm15, $0x10800, v2;
	v4 =	vnsel vm2, $0x7FF, v4;
	v6 =	vcvt.f32.s32 v61  }
0x208: {  	v26 =	vld [tilespmem:s26+$0x0];
	vm2 =	vlt.s32 v9, $0x7FF;
	v43 =	vadd.s32 v62, v49;
	v49 =	vadd.s32 v11, v35  }
0x209: {  	(xrf1) =	vunique.msk.u32 $0xffff, v37;
	v61 =	vsel vm9, $0x12000, v12;
	v9 =	vnsel vm2, $0x7FF, v9;
	vm2 =	vlt.s32 v6, $0x7FF  }
0x20a: {  	v1 =	vadd.s32 v53, v1;
	v10 =	vtrunc.f32 v10;
	(xrf1) =	vunique.msk.u32 $0xffff, v43;
	v6 =	vnsel vm2, $0x7FF, v6  }
0x20b: {  	v7 =	vtrunc.f32 v7;
	v10 =	vcvt.f32.s32 v10;
	(xrf1) =	vunique.msk.u32 $0xffff, v49;
	v6 =	vadd.s32 v50, v6  }
0x20c: {  	v4 =	vadd.s32 v56, v4;
	v2 =	vadd.s32 v2, v9;
	v7 =	vcvt.f32.s32 v7;
	(xrf1) =	vunique.msk.u32 $0xffff, v6  }
0x20d: {  	vm3 =	veq.s32 v26, $0xC;
	vm0 =	veq.s32 v26, $0xD;
	vm2 =	vlt.s32 v10, $0x7FF;
	(xrf1) =	vunique.msk.u32 $0xffff, v5  }
0x20e: {  	vm1 =	veq.s32 v26, $0x2;
	v10 =	vnsel vm2, $0x7FF, v10;
	vm2 =	vlt.s32 v28, $0x7FF  }
0x20f: {  	vm5 =	veq.s32 v26, $0x1;
	vm6 =	veq.s32 v26, $0x4;
	v62 =	vnsel vm2, $0x7FF, v28;
	(xrf1) =	vunique.msk.u32 $0xffff, v3;
	v28 =	vpop (erf)  }
0x210: {  	_, v32, vm8 =	vpop (xrf1);
	vm7 =	vlt.s32 v7, $0x7FF;
	(xrf1) =	vunique.msk.u32 $0xffff, v1;
	v34 =	vmul.f32 v28, v47;
	v60 =	vmul.f32 v28, v51  }
0x211: {  	vm15 =	veq.s32 v26, $0x0;
	v7 =	vnsel vm7, $0x7FF, v7;
	vm7 =	veq.s32 v26, $0x3;
	(xrf1) =	vunique.msk.u32 $0xffff, v4;
	_, v47, vm4 =	vpop (xrf1)  }
0x212: {  	v9 =	vadd.s32 v61, v62;
	(xrf1) =	vunique.msk.u32 $0xffff, v42;
	_, v51, vm2 =	vpop (xrf1);
	v61 =	vsub.f32 $1.000000000e+00, v34;
	v62 =	vsub.f32 $1.000000000e+00, v60  }
0x213: {  	v10 =	vadd.s32 v52, v10;
	v35 =	vadd.s32 v54, v7;
	v44 =	vmul.f32 v28, v44;
	(xrf1) =	vunique.msk.u32 $0xffff, v2;
	_, v53, vm14 =	vpop (xrf1)  }
0x214: {  	v48 =	vmul.f32 v28, v48;
	v34 =	vsel vm15, v61, v34;
	v50 =	vsel vm1, v62, v60  }
0x215: {  	v11 =	vsub.f32 $1.000000000e+00, v44;
	_, v52, vm11 =	vpop (xrf1);
	v34 =	vmul.f32 $2.048000000e+03, v34;
	v50 =	vmul.f32 $2.048000000e+03, v50  }
0x216: {  	[tilespmem:v29+s18+$0x0] =	vst.idx.add.s32.msk vm8, v32;
	v7 =	vmul.f32 v28, v55;
	v40 =	vmul.f32 v28, v40;
	(xrf1) =	vunique.msk.u32 $0xffff, v8  }
0x217: {  	v29 =	vsub.f32 $1.000000000e+00, v48;
	(xrf1) =	vunique.msk.u32 $0xffff, v10;
	_, v56, vm10 =	vpop (xrf1);
	v34 =	vtrunc.f32 v34;
	v60 =	vtrunc.f32 v50  }
0x218: {  	v54 =	vsel vm15, $0x9800, v14;
	_, v61, vm8 =	vpop (xrf1);
	v32 =	vcvt.f32.s32 v34;
	v34 =	vcvt.f32.s32 v60  }
0x219: {  	v55 =	vmul.f32 v28, v36;
	(xrf1) =	vunique.msk.u32 $0xffff, v9;
	v29 =	vsel vm6, v29, v48;
	[tilespmem:v46+s18+$0x0] =	vst.idx.add.s32.msk vm14, v53;
	_, v53, vm9 =	vpop (xrf1)  }
0x21a: {  	v62 =	vsub.f32 $1.000000000e+00, v7;
	v44 =	vsel vm5, v11, v44;
	v29 =	vmul.f32 $2.048000000e+03, v29;
	[tilespmem:v31+s18+$0x0] =	vst.idx.add.s32.msk vm4, v47;
	_, v11, vm12 =	vpop (xrf1)  }
0x21b: {  	v48 =	vmul.f32 v28, v39;
	v31 =	vsel vm1, $0xA800, v13;
	vm1 =	vlt.s32 v32, $0x7FF;
	[tilespmem:v45+s18+$0x0] =	vst.idx.add.s32.msk vm11, v52;
	_, v45, vm11 =	vpop (xrf1)  }
0x21c: {  	v29 =	vtrunc.f32 v29;
	v32 =	vnsel vm1, $0x7FF, v32;
	vm1 =	vlt.s32 v34, $0x7FF;
	[tilespmem:v33+s18+$0x0] =	vst.idx.add.s32.msk vm2, v51  }
0x21d: {  	(xrf1) =	vunique.msk.u32 $0xffff, v35;
	v29 =	vcvt.f32.s32 v29;
	v46 =	vnsel vm1, $0x7FF, v34;
	[tilespmem:v37+s18+$0x0] =	vst.idx.add.s32.msk vm10, v56;
	_, v34, vm1 =	vpop (xrf1)  }
0x21e: {  	v39 =	vsel vm7, $0xB000, v57;
	v7 =	vsel vm7, v62, v7;
	v60 =	vsub.f32 $1.000000000e+00, v55;
	[tilespmem:v43+s18+$0x0] =	vst.idx.add.s32.msk vm8, v61;
	_, v37, vm10 =	vpop (xrf1)  }
0x21f: {  	v52 =	vsel vm6, $0xB800, v58;
	vm6 =	vlt.s32 v29, $0x7FF;
	v33 =	vadd.s32 v54, v32;
	[tilespmem:v49+s18+$0x0] =	vst.idx.add.s32.msk vm9, v53;
	_, v49, vm9 =	vpop (xrf1)  }
0x220: {  	v51 =	vsub.f32 $1.000000000e+00, v48;
	v32 =	vadd.s32 v31, v46;
	v31 =	vmul.f32 v28, v38;
	[tilespmem:v6+s18+$0x0] =	vst.idx.add.s32.msk vm12, v11;
	_, v6, vm12 =	vpop (xrf1)  }
0x221: {  	vm4 =	veq.s32 v26, $0xB;
	vm2 =	veq.s32 v26, $0x6;
	v29 =	vnsel vm6, $0x7FF, v29;
	[tilespmem:v5+s18+$0x0] =	vst.idx.add.s32.msk vm11, v45;
	_, v45, vm11 =	vpop (xrf1)  }
0x222: {  	vm6 =	veq.s32 v26, $0x8;
	v38 =	vsel vm2, v51, v48;
	v50 =	vsub.f32 $1.000000000e+00, v31  }
0x223: {  	vm8 =	veq.s32 v26, $0x5;
	v57 =	vmul.f32 $2.048000000e+03, v38;
	(xrf1) =	vunique.msk.u32 $0xffff, v33;
	[tilespmem:v3+s18+$0x0] =	vst.idx.add.s32.msk vm1, v34  }
0x224: {  	v13 =	vimm.s32 $0x4000;
	v61 =	vsel vm6, v60, v55;
	v43 =	vsel vm8, v50, v31;
	_, v53, vm13 =	vpop (xrf1);
	[tilespmem:v1+s18+$0x0] =	vst.idx.add.s32.msk vm10, v37  }
0x225: {  	v58 =	vtrunc.f32 v57;
	v56 =	vmul.f32 $2.048000000e+03, v43;
	_, v54, vm10 =	vpop (xrf1);
	(xrf1) =	vunique.msk.u32 $0xffff, v32;
	[tilespmem:v4+s18+$0x0] =	vst.idx.add.s32.msk vm9, v49  }
0x226: {  	v31 =	vadd.s32 v52, v29;
	v3 =	vsub.f32 $1.000000000e+00, v40;
	v1 =	vmul.f32 $2.048000000e+03, v7;
	[tilespmem:v42+s18+$0x0] =	vst.idx.add.s32.msk vm12, v6  }
0x227: {  	vm1 =	veq.s32 v26, $0x7;
	v34 =	vmul.f32 v28, v41;
	[tilespmem:v2+s18+$0x0] =	vst.idx.add.s32.msk vm11, v45;
	v2 =	vtrunc.f32 v56  }
0x228: {  	v3 =	vsel vm1, v3, v40;
	_, v29, vm14 =	vpop (xrf1);
	v1 =	vtrunc.f32 v1;
	v2 =	vcvt.f32.s32 v2  }
0x229: {  	v62 =	vsel vm8, $0xC000, v59;
	v3 =	vmul.f32 $2.048000000e+03, v3;
	v1 =	vcvt.f32.s32 v1  }
0x22a: {  	v4 =	vcvt.f32.s32 v58;
	v42 =	vsel vm5, $0xA000, v63;
	vm7 =	vlt.s32 v2, $0x7FF  }
0x22b: {  	(xrf1) =	vunique.msk.u32 $0xffff, v31;
	v3 =	vtrunc.f32 v3;
	vm5 =	vlt.s32 v1, $0x7FF;
	v2 =	vnsel vm7, $0x7FF, v2;
	_, v40, vm7 =	vpop (xrf1)  }
0x22c: {  	[tilespmem:v8+s18+$0x0] =	vst.idx.add.s32.msk vm13, v53;
	v36 =	vcvt.f32.s32 v3;
	v41 =	vnsel vm5, $0x7FF, v1;
	vm5 =	vlt.s32 v4, $0x7FF  }
0x22d: {  	v43 =	vmul.f32 $2.048000000e+03, v44;
	v37 =	vmul.f32 $2.048000000e+03, v61;
	[tilespmem:v10+s18+$0x0] =	vst.idx.add.s32.msk vm10, v54;
	v38 =	vnsel vm5, $0x7FF, v4  }
0x22e: {  	s25 =	sadd.s32 $0x1, s25;
	s28 =	simm.s32 $0x100;
	s2 =	simm.s32 $0x20;
	[tilespmem:v9+s18+$0x0] =	vst.idx.add.s32.msk vm14, v29;
	vm5 =	vlt.s32 v36, $0x7FF;
	v29 =	vadd.s32 v62, v2;
	v62 =	vimm.s32 $0x7800  }
.LBB2_8:
0x22f: {  	v1 =	vtrunc.f32 v43  }
0x230: {  	v2 =	vmul.f32 v28, v23;
	vm10 =	veq.s32 v26, $0xA;
	s29 =	smov.u32 s2;
	v4 =	vmul.f32 v28, v24  }
0x231: {  	s0 =	sand.u32 $0x70, s2;
	s30 =	sand.u32 $0x1C00, s28;
	_, v3, vm13 =	vpop (xrf1);
	[tilespmem:v35+s18+$0x0] =	vst.idx.add.s32.msk vm7, v40;
	vm7 =	veq.s32 v26, $0x9;
	v7 =	vmul.f32 v28, v27;
	v8 =	vmul.f32 v28, v30;
	s29 =	sadd.s32 $0x10, s2  }
0x232: {  	p0 =	seq.s32 s2, $0x3F0;
	v23 =	vmul.f32 v28, v25;
	v48 =	vadd.s32 v39, v41;
	s30 =	sor.u32 s0, s30;
	v1 =	vcvt.f32.s32 v1  }
0x233: {  	vm12 =	veq.s32 v26, $0xF;
	v43 =	vsel vm4, $0xF000, v16;
	v6 =	vsub.f32 $1.000000000e+00, v2;
	v5 =	vld [tilespmem:s30+$0x8480];
	_, v30, vm11 =	vpop (xrf1)  }
0x234: {  	v11 =	vimm.s32 $0x9000;
	v10 =	vsub.f32 $1.000000000e+00, v4;
	vm8 =	vlt.s32 v1, $0x7FF;
	v9 =	vld [tilespmem:s30+$0xA500]  }
0x235: {  	v1 =	vnsel vm8, $0x7FF, v1;
	v2 =	vsel vm7, v6, v2;
	v6 =	vsub.f32 $1.000000000e+00, v7;
	v24 =	vld [tilespmem:s30+$0x8500]  }
0x236: {  	v4 =	vsel vm10, v10, v4;
	v1 =	vadd.s32 v42, v1;
	v2 =	vmul.f32 $2.048000000e+03, v2;
	v25 =	vld [tilespmem:s30+$0x8400]  }
0x237: {  	v4 =	vmul.f32 $2.048000000e+03, v4;
	v6 =	vsel vm4, v6, v7;
	v7 =	vsub.f32 $1.000000000e+00, v8;
	v10 =	vld [tilespmem:s30+$0x8580];
	(xrf1) =	vunique.msk.u32 $0xffff, v1  }
0x238: {  	v35 =	vsub.f32 $1.000000000e+00, v23;
	v2 =	vtrunc.f32 v2;
	v6 =	vmul.f32 $2.048000000e+03, v6;
	v27 =	vld [tilespmem:s30+$0x6680]  }
0x239: {  	v5 =	vmul.f32 $1.442695020e+00, v5;
	v7 =	vsel vm3, v7, v8;
	v40 =	vld [tilespmem:s30+$0x6400];
	v9 =	vmul.f32 $1.442695020e+00, v9;
	_, v47, vm8 =	vpop (xrf1)  }
0x23a: {  	v49 =	vsel vm0, v35, v23;
	v4 =	vtrunc.f32 v4;
	v2 =	vcvt.f32.s32 v2;
	v8 =	vld [tilespmem:s30+$0x8680]  }
0x23b: {  	v46 =	vsel vm6, $0xD800, v13;
	v24 =	vmul.f32 $1.442695020e+00, v24;
	v23 =	vld [tilespmem:s30+$0x6700];
	(erf) = vpow2.f32 v5  }
0x23c: {  	v4 =	vcvt.f32.s32 v4;
	vm9 =	vlt.s32 v2, $0x7FF;
	v25 =	vmul.f32 $1.442695020e+00, v25;
	v5 =	vld [tilespmem:s30+$0x6580]  }
0x23d: {  	v35 =	vnsel vm9, $0x7FF, v2;
	v27 =	vmul.f32 $1.442695020e+00, v27;
	v41 =	vld [tilespmem:s30+$0x6780];
	(erf) = vpow2.f32 v24  }
0x23e: {  	vm9 =	vlt.s32 v4, $0x7FF;
	v2 =	vmul.f32 $1.442695020e+00, v40;
	v24 =	vld [tilespmem:s30+$0x8780];
	(erf) = vpow2.f32 v25  }
0x23f: {  	v39 =	vnsel vm9, $0x7FF, v4;
	v25 =	vld [tilespmem:s30+$0x6600];
	v8 =	vmul.f32 $1.442695020e+00, v8;
	(erf) = vpow2.f32 v9  }
0x240: {  	vm6 =	veq.s32 v26, $0x11;
	v9 =	vmul.f32 $1.442695020e+00, v10;
	v4 =	vld [tilespmem:s30+$0x6500];
	(erf) = vpow2.f32 v2  }
0x241: {  	v14 =	vimm.s32 $0x4800;
	v2 =	vmul.f32 $1.442695020e+00, v23;
	v10 =	vld [tilespmem:s30+$0xA400];
	(erf) = vpow2.f32 v8  }
0x242: {  	v42 =	vsel vm3, $0xF800, v17;
	v8 =	vmul.f32 $1.442695020e+00, v41;
	v40 =	vld [tilespmem:s30+$0x8600];
	(erf) = vpow2.f32 v9  }
0x243: {  	v16 =	vimm.s32 $0x5800;
	v12 =	vmul.f32 $1.442695020e+00, v24;
	v41 =	vld [tilespmem:s30+$0xA480];
	(erf) = vpow2.f32 v27  }
0x244: {  	vm9 =	veq.s32 v26, $0x12;
	v25 =	vmul.f32 $1.442695020e+00, v25;
	v27 =	vld [tilespmem:s30+$0x8700];
	(erf) = vpow2.f32 v2;
	v23 =	vpop (erf);
	(xrf1) =	vunique.msk.u32 $0xffff, v48  }
0x245: {  	v44 =	vsel vm9, $0x12800, v11;
	v2 =	vld [tilespmem:s30+$0x6480];
	v4 =	vmul.f32 $1.442695020e+00, v4;
	(erf) = vpow2.f32 v12;
	_, v9, vm4 =	vpop (xrf1)  }
0x246: {  	v55 =	vsel vm12, $0x11000, v62;
	v11 =	vmul.f32 $1.442695020e+00, v10;
	(erf) = vpow2.f32 v8;
	v24 =	vpop (erf);
	[tilespmem:v33+s18+$0x0] =	vst.idx.add.s32.msk vm13, v3  }
0x247: {  	v52 =	vsel vm10, $0xE800, v15;
	v3 =	vmul.f32 $1.442695020e+00, v40;
	(erf) = vpow2.f32 v25;
	v33 =	vpop (erf)  }
0x248: {  	v8 =	vmul.f32 $1.442695020e+00, v41;
	v50 =	vadd.f32 v23, v33;
	(erf) = vpow2.f32 v11;
	v10 =	vpop (erf)  }
0x249: {  	vm3 =	veq.s32 v26, $0x10;
	v5 =	vmul.f32 $1.442695020e+00, v5;
	v41 =	vmul.f32 $1.442695020e+00, v27;
	v45 =	vpop (erf)  }
0x24a: {  	v17 =	vimm.s32 $0x6000;
	v25 =	vpop (erf);
	(erf) = vpow2.f32 v8;
	v8 =	vimm.s32 $0x8000  }
0x24b: {  	v2 =	vmul.f32 $1.442695020e+00, v2;
	v51 =	vsel vm3, $0x11800, v8;
	v8 =	vmul.f32 v28, v21  }
0x24c: {  	v12 =	vimm.s32 $0x3800;
	v27 =	vpop (erf);
	(erf) = vpow2.f32 v3;
	[tilespmem:v1+s18+$0x0] =	vst.idx.add.s32.msk vm4, v9;
	v1 =	vtrunc.f32 v6  }
0x24d: {  	v3 =	vsel vm0, $0x10000, v18;
	v9 =	vmul.f32 v28, v22;
	v22 =	vsub.f32 $1.000000000e+00, v34  }
0x24e: {  	v18 =	vimm.s32 $0x6800;
	v40 =	vpop (erf);
	(erf) = vpow2.f32 v41;
	[tilespmem:v32+s18+$0x0] =	vst.idx.add.s32.msk vm11, v30;
	v1 =	vcvt.f32.s32 v1  }
0x24f: {  	v57 =	vadd.f32 v27, v24;
	(erf) = vpow2.f32 v4;
	v32 =	vpop (erf);
	v4 =	vmul.f32 $2.048000000e+03, v7  }
0x250: {  	v7 =	vmul.f32 $2.048000000e+03, v49;
	(erf) = vpow2.f32 v2;
	v2 =	vpop (erf);
	vm0 =	vlt.s32 v1, $0x7FF  }
0x251: {  	v50 =	vadd.f32 v57, v50;
	(erf) = vpow2.f32 v5;
	v53 =	vnsel vm0, $0x7FF, v1  }
0x252: {  	v41 =	vpop (erf);
	v1 =	vtrunc.f32 v4;
	v4 =	vtrunc.f32 v7;
	vm0 =	veq.s32 v26, $0xE  }
0x253: {  	v49 =	vpop (erf);
	v1 =	vcvt.f32.s32 v1;
	v4 =	vcvt.f32.s32 v4;
	v7 =	vsel vm0, $0x10800, v0  }
0x254: {  	v22 =	vsel vm0, v22, v34;
	v34 =	vsub.f32 $1.000000000e+00, v8;
	v5 =	vadd.f32 v40, v49;
	v6 =	vpop (erf)  }
0x255: {  	v62 =	vadd.f32 v41, v32;
	v22 =	vmul.f32 $2.048000000e+03, v22;
	vm4 =	vlt.s32 v1, $0x7FF;
	_, v21, vm10 =	vpop (xrf1)  }
0x256: {  	v8 =	vsel vm12, v34, v8;
	v26 =	vpop (erf);
	v1 =	vnsel vm4, $0x7FF, v1;
	vm4 =	vlt.s32 v4, $0x7FF  }
0x257: {  	v34 =	vmul.f32 v28, v20;
	v11 =	vadd.f32 v26, v6;
	v30 =	vpop (erf);
	v4 =	vnsel vm4, $0x7FF, v4  }
0x258: {  	v28 =	vmul.f32 v28, v19;
	v8 =	vmul.f32 $2.048000000e+03, v8;
	v58 =	vadd.f32 v25, v30;
	v54 =	vpop (erf)  }
0x259: {  	v13 =	vtrunc.f32 v22;
	v59 =	vadd.f32 v2, v54;
	v60 =	vadd.f32 v10, v11;
	v61 =	vpop (erf)  }
0x25a: {  	v5 =	vadd.f32 v62, v5;
	v62 =	vimm.s32 $0x7800;
	v8 =	vtrunc.f32 v8;
	v56 =	vpop (erf)  }
0x25b: {  	v11 =	vimm.s32 $0x3000;
	v8 =	vcvt.f32.s32 v8;
	v15 =	vadd.f32 v56, v45;
	v57 =	vpop (erf)  }
0x25c: {  	s26 =	sadd.s32 $0x10, s26;
	[tilespmem:v48+s18+$0x0] =	vst.idx.add.s32.msk vm10, v21;
	v58 =	vadd.f32 v59, v58;
	v59 =	vimm.s32 $0x1800;
	v48 =	vadd.f32 v57, v61  }
0x25d: {  	[tilespmem:v31+s18+$0x0] =	vst.idx.add.s32.msk vm8, v47;
	v31 =	vcvt.f32.s32 v13;
	v47 =	vsub.f32 $1.000000000e+00, v9;
	v13 =	vimm.s32 $0x4000  }
0x25e: {  	v22 =	vmovc v6;
	v21 =	vmovc v2;
	v6 =	vadd.f32 v60, v58;
	v60 =	vimm.s32 $0x2800;
	v58 =	vimm.s32 $0x2000  }
0x25f: {  	v20 =	vmovc v26;
	v2 =	vadd.f32 v48, v15;
	vm0 =	vlt.s32 v31, $0x7FF;
	v48 =	vsub.f32 $1.000000000e+00, v34  }
0x260: {  	v9 =	vsel vm3, v47, v9;
	v47 =	vadd.s32 v3, v4;
	v3 =	vimm.s32 $0x8800;
	v26 =	vld [tilespmem:s26+$0x0]  }
0x261: {  	v2 =	vadd.f32 v5, v2;
	v5 =	vadd.f32 v6, v50;
	v6 =	vnsel vm0, $0x7FF, v31  }
0x262: {  	v15 =	vimm.s32 $0x5000;
	vm0 =	vlt.s32 v8, $0x7FF;
	v31 =	vsel vm6, v48, v34  }
0x263: {  	v2 =	vadd.f32 v5, v2;
	v5 =	vnsel vm0, $0x7FF, v8;
	v8 =	vmul.f32 $2.048000000e+03, v9  }
0x264: {  	v19 =	vmovc v10;
	v3 =	vsel vm6, $0x12000, v3;
	v31 =	vmul.f32 $2.048000000e+03, v31;
	v9 =	vsel vm7, $0xE000, v14  }
0x265: {  	vm3 =	veq.s32 v26, $0xC;
	vm0 =	veq.s32 v26, $0xD;
	v8 =	vtrunc.f32 v8  }
0x266: {  	v10 =	vtrunc.f32 v31;
	vm7 =	veq.s32 v26, $0x2;
	v8 =	vcvt.f32.s32 v8  }
0x267: {  	v31 =	vsub.f32 $1.000000000e+00, v28;
	vm4 =	veq.s32 v26, $0xB;
	v10 =	vcvt.f32.s32 v10  }
0x268: {  	v50 =	vadd.s32 v7, v6;
	v6 =	vtrunc.f32 v37;
	vm8 =	vlt.s32 v8, $0x7FF  }
0x269: {  	vm6 =	vlt.s32 v10, $0x7FF;
	v4 =	vnsel vm8, $0x7FF, v8;
	v8 =	vsel vm9, v31, v28  }
0x26a: {  	v7 =	vsel vm1, $0xD000, v12;
	(erf) = vrcp.f32 v2;
	v2 =	vnsel vm6, $0x7FF, v10  }
0x26b: {  	v6 =	vcvt.f32.s32 v6;
	v37 =	vadd.s32 v55, v5;
	v5 =	vmul.f32 $2.048000000e+03, v8  }
0x26c: {  	vm1 =	veq.s32 v26, $0x7;
	vm10 =	veq.s32 v26, $0x3;
	vm8 =	veq.s32 v26, $0x1  }
0x26d: {  	v8 =	vsel vm2, $0xC800, v11;
	v51 =	vadd.s32 v51, v4;
	v48 =	vadd.s32 v3, v2  }
0x26e: {  	vm2 =	vlt.s32 v6, $0x7FF;
	v2 =	vadd.s32 v8, v38;
	v3 =	vnsel vm5, $0x7FF, v36;
	(xrf1) =	vunique.msk.u32 $0xffff, v29  }
0x26f: {  	v4 =	vnsel vm2, $0x7FF, v6;
	v3 =	vadd.s32 v7, v3;
	v5 =	vtrunc.f32 v5;
	(xrf1) =	vunique.msk.u32 $0xffff, v2  }
0x270: {  	vm9 =	veq.s32 v26, $0x4;
	v4 =	vadd.s32 v46, v4;
	v5 =	vcvt.f32.s32 v5;
	(xrf1) =	vunique.msk.u32 $0xffff, v3  }
0x271: {  	vm6 =	veq.s32 v26, $0x8;
	v6 =	vadd.s32 v9, v35;
	v36 =	vadd.s32 v42, v1;
	(xrf1) =	vunique.msk.u32 $0xffff, v4  }
0x272: {  	v1 =	vadd.s32 v52, v39;
	v7 =	vadd.s32 v43, v53;
	vm5 =	vlt.s32 v5, $0x7FF;
	(xrf1) =	vunique.msk.u32 $0xffff, v6  }
0x273: {  	vm2 =	veq.s32 v26, $0x6;
	v39 =	vsel vm10, $0xB000, v59;
	v5 =	vnsel vm5, $0x7FF, v5;
	v28 =	vpop (erf);
	(xrf1) =	vunique.msk.u32 $0xffff, v1  }
0x274: {  	vm5 =	veq.s32 v26, $0x5;
	v35 =	vadd.s32 v44, v5;
	v8 =	vmul.f32 v28, v45;
	(xrf1) =	vunique.msk.u32 $0xffff, v7  }
0x275: {  	v5 =	vmul.f32 v28, v61;
	v61 =	vimm.s32 $0x0;
	v34 =	vmul.f32 v28, v54;
	(xrf1) =	vunique.msk.u32 $0xffff, v36  }
0x276: {  	v10 =	vmul.f32 v28, v57;
	v57 =	vimm.s32 $0x1000;
	v9 =	vsub.f32 $1.000000000e+00, v8;
	(xrf1) =	vunique.msk.u32 $0xffff, v47  }
0x277: {  	vm11 =	veq.s32 v26, $0x0;
	v31 =	vmul.f32 v28, v56;
	v38 =	vsub.f32 $1.000000000e+00, v5;
	(xrf1) =	vunique.msk.u32 $0xffff, v50  }
0x278: {  	v42 =	vmul.f32 v28, v49;
	v8 =	vsel vm11, v9, v8;
	v9 =	vsel vm11, $0x9800, v61;
	(xrf1) =	vunique.msk.u32 $0xffff, v37  }
0x279: {  	v43 =	vsub.f32 $1.000000000e+00, v31;
	v5 =	vsel vm7, v38, v5;
	v8 =	vmul.f32 $2.048000000e+03, v8;
	(xrf1) =	vunique.msk.u32 $0xffff, v51  }
0x27a: {  	v49 =	vsub.f32 $1.000000000e+00, v10;
	v44 =	vsub.f32 $1.000000000e+00, v42;
	v5 =	vmul.f32 $2.048000000e+03, v5;
	(xrf1) =	vunique.msk.u32 $0xffff, v48  }
0x27b: {  	v45 =	vsel vm7, $0xA800, v57;
	v31 =	vsel vm8, v43, v31;
	v8 =	vtrunc.f32 v8;
	(xrf1) =	vunique.msk.u32 $0xffff, v35  }
0x27c: {  	v43 =	vsel vm9, v44, v42;
	v44 =	vsel vm9, $0xB800, v58;
	v8 =	vcvt.f32.s32 v8;
	_, v46, vm11 =	vpop (xrf1)  }
0x27d: {  	v42 =	vsel vm8, $0xA000, v63;
	v10 =	vsel vm10, v49, v10;
	v5 =	vtrunc.f32 v5;
	_, v38, vm8 =	vpop (xrf1)  }
0x27e: {  	v49 =	vmul.f32 v28, v33;
	v5 =	vcvt.f32.s32 v5;
	vm7 =	vlt.s32 v8, $0x7FF;
	_, v52, vm13 =	vpop (xrf1)  }
0x27f: {  	v53 =	vmul.f32 v28, v41;
	v10 =	vmul.f32 $2.048000000e+03, v10;
	v8 =	vnsel vm7, $0x7FF, v8;
	_, v41, vm12 =	vpop (xrf1)  }
0x280: {  	vm9 =	vlt.s32 v5, $0x7FF;
	v33 =	vadd.s32 v9, v8;
	v8 =	vmul.f32 v28, v32;
	_, v9, vm7 =	vpop (xrf1)  }
0x281: {  	v54 =	vmul.f32 $2.048000000e+03, v43;
	v10 =	vtrunc.f32 v10;
	v5 =	vnsel vm9, $0x7FF, v5;
	(xrf1) =	vunique.msk.u32 $0xffff, v33;
	_, v55, vm9 =	vpop (xrf1)  }
0x282: {  	v43 =	vmul.f32 $2.048000000e+03, v31;
	v32 =	vadd.s32 v45, v5;
	v5 =	vmul.f32 v28, v40;
	[tilespmem:v29+s18+$0x0] =	vst.idx.add.s32.msk vm11, v46;
	_, v29, vm10 =	vpop (xrf1)  }
0x283: {  	v31 =	vtrunc.f32 v54;
	v10 =	vcvt.f32.s32 v10;
	(xrf1) =	vunique.msk.u32 $0xffff, v32;
	[tilespmem:v2+s18+$0x0] =	vst.idx.add.s32.msk vm8, v38;
	_, v2, vm11 =	vpop (xrf1)  }
0x284: {  	v31 =	vcvt.f32.s32 v31;
	v38 =	vsub.f32 $1.000000000e+00, v5;
	[tilespmem:v3+s18+$0x0] =	vst.idx.add.s32.msk vm13, v52;
	_, v3, vm8 =	vpop (xrf1)  }
0x285: {  	v45 =	vsub.f32 $1.000000000e+00, v53;
	v46 =	vsub.f32 $1.000000000e+00, v8;
	vm13 =	vlt.s32 v10, $0x7FF;
	[tilespmem:v4+s18+$0x0] =	vst.idx.add.s32.msk vm12, v41;
	_, v4, vm12 =	vpop (xrf1)  }
0x286: {  	vm14 =	vlt.s32 v31, $0x7FF;
	v41 =	vnsel vm13, $0x7FF, v10;
	v5 =	vsel vm5, v38, v5;
	[tilespmem:v6+s18+$0x0] =	vst.idx.add.s32.msk vm7, v9;
	_, v6, vm13 =	vpop (xrf1)  }
0x287: {  	v8 =	vsel vm2, v46, v8;
	v9 =	vnsel vm14, $0x7FF, v31;
	v5 =	vmul.f32 $2.048000000e+03, v5;
	[tilespmem:v1+s18+$0x0] =	vst.idx.add.s32.msk vm9, v55;
	_, v1, vm9 =	vpop (xrf1)  }
0x288: {  	v8 =	vmul.f32 $2.048000000e+03, v8;
	v31 =	vadd.s32 v44, v9;
	v9 =	vsel vm1, v45, v53;
	[tilespmem:v7+s18+$0x0] =	vst.idx.add.s32.msk vm10, v29;
	_, v7, vm10 =	vpop (xrf1)  }
0x289: {  	v5 =	vtrunc.f32 v5;
	v9 =	vmul.f32 $2.048000000e+03, v9;
	(xrf1) =	vunique.msk.u32 $0xffff, v31;
	[tilespmem:v36+s18+$0x0] =	vst.idx.add.s32.msk vm11, v2;
	_, v40, vm7 =	vpop (xrf1)  }
.Ltmp2:
0x28a: {  	v2 =	vcvt.f32.s32 v5;
	v5 =	vtrunc.f32 v8;
	v8 =	vsub.f32 $1.000000000e+00, v49;
	[tilespmem:v47+s18+$0x0] =	vst.idx.add.s32.msk vm8, v3;
	(pc) =	sbr.rel @!p0 .LBB2_8-.Ltmp2, $4  }
0x28b: {  	v3 =	vsel vm5, $0xC000, v60;
	v5 =	vcvt.f32.s32 v5;
	v9 =	vtrunc.f32 v9;
	[tilespmem:v50+s18+$0x0] =	vst.idx.add.s32.msk vm12, v4  }
0x28c: {  	vm5 =	vlt.s32 v2, $0x7FF;
	v36 =	vcvt.f32.s32 v9;
	v4 =	vsel vm6, v8, v49;
	[tilespmem:v37+s18+$0x0] =	vst.idx.add.s32.msk vm13, v6  }
0x28d: {  	v2 =	vnsel vm5, $0x7FF, v2;
	vm5 =	vlt.s32 v5, $0x7FF;
	v37 =	vmul.f32 $2.048000000e+03, v4;
	[tilespmem:v51+s18+$0x0] =	vst.idx.add.s32.msk vm9, v1  }
0x28e: {  	s28 =	sadd.s32 $0x80, s28;
	s2 =	smov.u32 s29;
	v29 =	vadd.s32 v3, v2;
	v38 =	vnsel vm5, $0x7FF, v5;
	vm5 =	vlt.s32 v36, $0x7FF;
	[tilespmem:v48+s18+$0x0] =	vst.idx.add.s32.msk vm10, v7  }
0x28f: {  	v1 =	vtrunc.f32 v43;
	v2 =	vmul.f32 v28, v23  }
0x290: {  	v3 =	vmul.f32 v28, v24;
	vm9 =	veq.s32 v26, $0xA;
	v6 =	vmul.f32 v28, v27  }
0x291: {  	vm8 =	veq.s32 v26, $0x9;
	v7 =	vmul.f32 v28, v30;
	v8 =	vmul.f32 v28, v25  }
0x292: {  	vm13 =	veq.s32 v26, $0xF;
	v51 =	vsel vm3, $0xF800, v17;
	v52 =	vsel vm4, $0xF000, v16  }
0x293: {  	v9 =	vsel vm6, $0xD800, v13;
	vm14 =	veq.s32 v26, $0x10;
	v10 =	vimm.s32 $0x8000  }
0x294: {  	v21 =	vmul.f32 v28, v21;
	v22 =	vmul.f32 v28, v22;
	v54 =	vsub.f32 $1.000000000e+00, v34  }
0x295: {  	vm15 =	veq.s32 v26, $0xE;
	v20 =	vmul.f32 v28, v20;
	v13 =	vsel vm0, $0x10000, v18  }
0x296: {  	v19 =	vmul.f32 v28, v19;
	v43 =	vnsel vm5, $0x7FF, v36;
	v45 =	vtrunc.f32 v37  }
0x297: {  	v1 =	vcvt.f32.s32 v1;
	v10 =	vsel vm14, $0x11800, v10;
	v53 =	vsel vm13, $0x11000, v62  }
0x298: {  	v15 =	vsel vm9, $0xE800, v15;
	v44 =	vsel vm15, $0x10800, v0;
	v36 =	vcvt.f32.s32 v45  }
0x299: {  	v46 =	vsel vm8, $0xE000, v14;
	v4 =	vsub.f32 $1.000000000e+00, v2;
	v5 =	vsub.f32 $1.000000000e+00, v3  }
0x29a: {  	v0 =	vimm.s32 $0x8800;
	v49 =	vsub.f32 $1.000000000e+00, v6;
	v50 =	vsub.f32 $1.000000000e+00, v8  }
0x29b: {  	v55 =	vsub.f32 $1.000000000e+00, v21;
	v25 =	vsel vm15, v54, v34;
	v56 =	vsub.f32 $1.000000000e+00, v22  }
0x29c: {  	v62 =	vsub.f32 $1.000000000e+00, v20;
	v47 =	vsub.f32 $1.000000000e+00, v19;
	vm10 =	vlt.s32 v1, $0x7FF  }
0x29d: {  	v25 =	vmul.f32 $2.048000000e+03, v25;
	v2 =	vsel vm8, v4, v2;
	v3 =	vsel vm9, v5, v3  }
0x29e: {  	v1 =	vnsel vm10, $0x7FF, v1;
	v4 =	vsel vm4, v49, v6;
	v5 =	vsel vm0, v50, v8  }
0x29f: {  	v6 =	vadd.s32 v39, v41;
	vm4 =	veq.s32 v26, $0x11;
	v21 =	vsel vm13, v55, v21  }
0x2a0: {  	v22 =	vsel vm14, v56, v22;
	v2 =	vmul.f32 $2.048000000e+03, v2;
	v3 =	vmul.f32 $2.048000000e+03, v3  }
0x2a1: {  	v41 =	vsel vm2, $0xC800, v11;
	v4 =	vmul.f32 $2.048000000e+03, v4;
	v5 =	vmul.f32 $2.048000000e+03, v5  }
0x2a2: {  	v23 =	vadd.s32 v42, v1;
	v21 =	vmul.f32 $2.048000000e+03, v21;
	v25 =	vtrunc.f32 v25  }
0x2a3: {  	v20 =	vsel vm4, v62, v20;
	v22 =	vmul.f32 $2.048000000e+03, v22;
	v25 =	vcvt.f32.s32 v25  }
0x2a4: {  	v1 =	vsub.f32 $1.000000000e+00, v7;
	v20 =	vmul.f32 $2.048000000e+03, v20;
	v2 =	vtrunc.f32 v2  }
0x2a5: {  	v28 =	vadd.s32 v41, v38;
	v3 =	vtrunc.f32 v3;
	v4 =	vtrunc.f32 v4  }
0x2a6: {  	v42 =	vsel vm1, $0xD000, v12;
	v5 =	vtrunc.f32 v5;
	v21 =	vtrunc.f32 v21  }
0x2a7: {  	v30 =	vadd.s32 v42, v43;
	v22 =	vtrunc.f32 v22;
	v2 =	vcvt.f32.s32 v2  }
0x2a8: {  	v1 =	vsel vm3, v1, v7;
	v3 =	vcvt.f32.s32 v3;
	v4 =	vcvt.f32.s32 v4  }
0x2a9: {  	(xrf1) =	vunique.msk.u32 $0xffff, v23;
	vm3 =	veq.s32 v26, $0x12;
	v1 =	vmul.f32 $2.048000000e+03, v1;
	v5 =	vcvt.f32.s32 v5  }
0x2aa: {  	v21 =	vcvt.f32.s32 v21;
	vm13 =	vlt.s32 v25, $0x7FF;
	v22 =	vcvt.f32.s32 v22  }
0x2ab: {  	(xrf1) =	vunique.msk.u32 $0xffff, v6;
	v19 =	vsel vm3, v47, v19;
	v20 =	vtrunc.f32 v20;
	v25 =	vnsel vm13, $0x7FF, v25  }
0x2ac: {  	v19 =	vmul.f32 $2.048000000e+03, v19;
	v20 =	vcvt.f32.s32 v20;
	vm12 =	vlt.s32 v2, $0x7FF  }
0x2ad: {  	(xrf1) =	vunique.msk.u32 $0xffff, v29;
	vm11 =	vlt.s32 v3, $0x7FF;
	v2 =	vnsel vm12, $0x7FF, v2;
	vm12 =	vlt.s32 v36, $0x7FF  }
0x2ae: {  	(xrf1) =	vunique.msk.u32 $0xffff, v28;
	vm6 =	vlt.s32 v4, $0x7FF;
	v1 =	vtrunc.f32 v1;
	v36 =	vnsel vm12, $0x7FF, v36  }
0x2af: {  	(xrf1) =	vunique.msk.u32 $0xffff, v30;
	vm14 =	vlt.s32 v21, $0x7FF;
	v1 =	vcvt.f32.s32 v1;
	v9 =	vadd.s32 v9, v36  }
0x2b0: {  	vm8 =	vlt.s32 v22, $0x7FF;
	v3 =	vnsel vm11, $0x7FF, v3;
	v2 =	vadd.s32 v46, v2;
	(xrf1) =	vunique.msk.u32 $0xffff, v9  }
0x2b1: {  	v4 =	vnsel vm6, $0x7FF, v4;
	v3 =	vadd.s32 v15, v3;
	vm10 =	vlt.s32 v1, $0x7FF;
	(xrf1) =	vunique.msk.u32 $0xffff, v2  }
0x2b2: {  	vm11 =	vlt.s32 v5, $0x7FF;
	v4 =	vadd.s32 v52, v4;
	v1 =	vnsel vm10, $0x7FF, v1;
	(xrf1) =	vunique.msk.u32 $0xffff, v3  }
0x2b3: {  	v25 =	vadd.s32 v44, v25;
	v5 =	vnsel vm11, $0x7FF, v5;
	v1 =	vadd.s32 v51, v1;
	(xrf1) =	vunique.msk.u32 $0xffff, v4  }
0x2b4: {  	_, v49, vm15 =	vpop (xrf1);
	v48 =	vnsel vm14, $0x7FF, v21;
	v19 =	vtrunc.f32 v19;
	v5 =	vadd.s32 v13, v5;
	(xrf1) =	vunique.msk.u32 $0xffff, v1  }
0x2b5: {  	_, v50, vm9 =	vpop (xrf1);
	v22 =	vnsel vm8, $0x7FF, v22;
	v19 =	vcvt.f32.s32 v19;
	vm11 =	vlt.s32 v20, $0x7FF;
	(xrf1) =	vunique.msk.u32 $0xffff, v5  }
0x2b6: {  	v8 =	vadd.s32 v53, v48;
	v10 =	vadd.s32 v10, v22;
	v20 =	vnsel vm11, $0x7FF, v20;
	_, v52, vm10 =	vpop (xrf1);
	(xrf1) =	vunique.msk.u32 $0xffff, v25  }
0x2b7: {  	vm13 =	vlt.s32 v19, $0x7FF;
	v51 =	vsel vm4, $0x12000, v0;
	v0 =	vimm.s32 $0x9000;
	_, v53, vm12 =	vpop (xrf1);
	(xrf1) =	vunique.msk.u32 $0xffff, v8  }
0x2b8: {  	v19 =	vnsel vm13, $0x7FF, v19;
	v54 =	vsel vm3, $0x12800, v0;
	v20 =	vadd.s32 v51, v20;
	(xrf1) =	vunique.msk.u32 $0xffff, v10  }
0x2b9: {  	v19 =	vadd.s32 v54, v19;
	_, v55, vm14 =	vpop (xrf1);
	(xrf1) =	vunique.msk.u32 $0xffff, v20  }
0x2ba: {  	(xrf1) =	vunique.msk.u32 $0xffff, v19  }
0x2bb: {  	[tilespmem:v35+s18+$0x0] =	vst.idx.add.s32.msk vm7, v40;
	_, v56, vm3 =	vpop (xrf1)  }
0x2bc: {  	[tilespmem:v33+s18+$0x0] =	vst.idx.add.s32.msk vm15, v49;
	_, v7, vm0 =	vpop (xrf1)  }
0x2bd: {  	[tilespmem:v23+s18+$0x0] =	vst.idx.add.s32.msk vm12, v53;
	_, v23, vm5 =	vpop (xrf1)  }
0x2be: {  	[tilespmem:v32+s18+$0x0] =	vst.idx.add.s32.msk vm9, v50;
	_, v21, vm2 =	vpop (xrf1)  }
0x2bf: {  	[tilespmem:v6+s18+$0x0] =	vst.idx.add.s32.msk vm14, v55;
	_, v6, vm1 =	vpop (xrf1)  }
0x2c0: {  	[tilespmem:v31+s18+$0x0] =	vst.idx.add.s32.msk vm10, v52;
	_, v62, vm15 =	vpop (xrf1)  }
0x2c1: {  	[tilespmem:v29+s18+$0x0] =	vst.idx.add.s32.msk vm3, v56;
	_, v22, vm3 =	vpop (xrf1)  }
0x2c2: {  	[tilespmem:v28+s18+$0x0] =	vst.idx.add.s32.msk vm0, v7;
	_, v7, vm0 =	vpop (xrf1)  }
0x2c3: {  	[tilespmem:v30+s18+$0x0] =	vst.idx.add.s32.msk vm5, v23;
	_, v23, vm5 =	vpop (xrf1)  }
0x2c4: {  	[tilespmem:v9+s18+$0x0] =	vst.idx.add.s32.msk vm2, v21;
	_, v9, vm2 =	vpop (xrf1)  }
0x2c5: {  	[tilespmem:v2+s18+$0x0] =	vst.idx.add.s32.msk vm1, v6;
	_, v2, vm1 =	vpop (xrf1)  }
0x2c6: {  	[tilespmem:v3+s18+$0x0] =	vst.idx.add.s32.msk vm15, v62;
	_, v3, vm4 =	vpop (xrf1)  }
0x2c7: {  	[tilespmem:v4+s18+$0x0] =	vst.idx.add.s32.msk vm3, v22;
	_, v4, vm3 =	vpop (xrf1)  }
0x2c8: {  	[tilespmem:v1+s18+$0x0] =	vst.idx.add.s32.msk vm0, v7;
	_, v1, vm0 =	vpop (xrf1)  }
0x2c9: {  	[tilespmem:v5+s18+$0x0] =	vst.idx.add.s32.msk vm5, v23  }
0x2ca: {  	[tilespmem:v25+s18+$0x0] =	vst.idx.add.s32.msk vm2, v9  }
0x2cb: {  	[tilespmem:v8+s18+$0x0] =	vst.idx.add.s32.msk vm1, v2  }
0x2cc: {  	[tilespmem:v10+s18+$0x0] =	vst.idx.add.s32.msk vm4, v3  }
0x2cd: {  	[tilespmem:v20+s18+$0x0] =	vst.idx.add.s32.msk vm3, v4  }
0x2ce: {  	v0 =	vimm.s32 $0x7000;
	v2 =	vimm.s32 $0x9000;
	[tilespmem:v19+s18+$0x0] =	vst.idx.add.s32.msk vm0, v1  }
0x2cf: {  	p0 =	seq.s32 s25, $0x10  }
.Ltmp3:
0x2d0: {  	_ = 	snop;
	(pc) =	sbr.rel @!p0 .LBB2_5-.Ltmp3, $2  }
0x2d1: {  	_ =	sdelay $0x2  }
0x2d2: {  	v10 =	vimm.s32 $0x8000;
	v1 =	vimm.s32 $0x8800  }
0x2d3: {  	s4 =	sadd.s32 $0x1, s4  }
0x2d4: {  	p0 =	sne.s32 s4, s9  }
.Ltmp4:
0x2d5: {  	_ = 	snop;
	(pc) =	sbr.rel @p0 .LBB2_1-.Ltmp4, $4  }
0x2d6: {  	[hbm4b:s8+s21] =	stream.strided.scatter [tilespmem:s18], [sflag:$0x5], $0x13000, s22, s21, $0x38;
	[tilespmem:$0x1F800] =	vst v63  }
0x2d7: {  	_ =	swait.ge [sflag:s23], $0x13000  }
0x2d8: {  	[sflag:s23] =	ssyncset.done $0x0  }
0x2d9: {  	[sflag:s23] =	ssyncadd.s32 $0xFFFED000  }
0x2da: {  	_ =	sfence.sel $0x180000  }
0x2db: {  	[bflag:$0x0] =	sbarrier.arrive $0xFFFF  }
0x2dc: {  	_ =	strace $0x90000047  }
0x2dd: {  	s0 =	stileid.u32;
	[bflag:$0x2] =	sbarrier.arrive $0xFFFF  }
0x2de: {  	p0 =	sne.s32 s0, $0x0;
	s0 =	rddreg [dreg:$0x3]  }
0x2df: {  	s0 =	sadd.s32 @!p0 $0x100000, s0  }
0x2e0: {  	[sflag:s0] =	ssyncadd.tile.s32 @!p0 $0x1;
	_ =	shalt  }
.Lfunc_end2:
_tile_overlayer_lowered:
.L_overlay_start_2:
0x2e1: {  	(tag) =	ssettag $0x2  }
0x2e2: {  	s0 =	rddreg [dreg:$0x0];
	s2 =	stileid.u32  }
0x2e3: {  	s1 =	rddreg [dreg:$0x1];
	p0 =	sne.s32 s2, $0x0  }
0x2e4: {  	s3 =	rddreg [dreg:$0x2];
	[bflag:$0x3] =	sbarrier.arrive $0xFFFF;
	s2 =	simm.s32 @!p0 $0x1C05  }
0x2e5: {  	[timem:s3], [sflag:s2] =	dma.local @!p0 [hbm:s0], s1  }
0x2e6: {  	s0 =	simm.s32 @!p0 $0x5  }
0x2e7: {  	_ =	swait.ge @!p0 [sflag:s0], s1  }
0x2e8: {  	s1 =	ssub.s32 @!p0 $0x0, s1;
	[sflag:s0] =	ssyncset.done @!p0 $0x0  }
0x2e9: {  	[sflag:s0] =	ssyncadd.s32 @!p0 s1  }
0x2ea: {  	[bflag:$0x3] =	sbarrier.arrive $0xFFFF  }
0x2eb: {  	_ =	shalt  }

</sc_bundles>
